<compile_context>
chip_gen: v7x
topology: tpu7x:2x2x1
jax: 0.10.2.dev20260603
libtpu: 0.0.44.dev20260713+nightly
codegen_flags: <defaults>
</compile_context>

<pallas_src>
import functools

import jax
import jax.numpy as jnp
from jax import lax
from jax.experimental import pallas as pl
from jax.experimental.pallas import tpu as pltpu
from jax.experimental.pallas import tpu_sc as plsc

BATCH = 16384
D = 64
L = 16
NC = 2
NS = 16
NW = NC * NS
BPW = BATCH // NW
CHUNK = 128
NCH = BPW // CHUNK


def _body(user_hbm, item_i_hbm, item_j_hbm, eu_hbm, ei_hbm,
          out_i_hbm, out_j_hbm,
          idx_u, idx_i, idx_j, rows_u, rows_i, rows_j,
          out_i_v, out_j_v, sem):
    wid = lax.axis_index("s") * NC + lax.axis_index("c")
    base = wid * BPW

    for c in range(NCH):
        pltpu.sync_copy(user_hbm.at[pl.ds(base + c * CHUNK, CHUNK)], idx_u.at[c])
        pltpu.sync_copy(item_i_hbm.at[pl.ds(base + c * CHUNK, CHUNK)], idx_i.at[c])
        pltpu.sync_copy(item_j_hbm.at[pl.ds(base + c * CHUNK, CHUNK)], idx_j.at[c])

    copies = []
    for c in range(NCH):
        dst = pl.ds(c * CHUNK, CHUNK)
        copies.append(pltpu.async_copy(eu_hbm.at[idx_u.at[c]], rows_u.at[dst], sem))
        copies.append(pltpu.async_copy(ei_hbm.at[idx_i.at[c]], rows_i.at[dst], sem))
        copies.append(pltpu.async_copy(ei_hbm.at[idx_j.at[c]], rows_j.at[dst], sem))
    for cp in copies:
        cp.wait()

    lane = lax.iota(jnp.int32, L)
    zeros = jnp.zeros((L,), jnp.float32)

    def group(g, _):
        row0 = g * L
        t_i = zeros
        t_j = zeros
        for k in range(L):
            r = row0 + k
            pi = zeros
            pj = zeros
            for c in range(D // L):
                sl = pl.ds(c * L, L)
                u = rows_u[r, sl]
                pi = pi + u * rows_i[r, sl]
                pj = pj + u * rows_j[r, sl]
            si = jnp.sum(pi)
            sj = jnp.sum(pj)
            sel = lane == k
            t_i = jnp.where(sel, si, t_i)
            t_j = jnp.where(sel, sj, t_j)
        out_i_v[pl.ds(row0, L)] = t_i
        out_j_v[pl.ds(row0, L)] = t_j
        return 0

    lax.fori_loop(0, BPW // L, group, 0)

    pltpu.sync_copy(out_i_v, out_i_hbm.at[pl.ds(base, BPW)])
    pltpu.sync_copy(out_j_v, out_j_hbm.at[pl.ds(base, BPW)])


@jax.jit
def kernel(user, item_i, item_j, embed_user, embed_item):
    mesh = plsc.VectorSubcoreMesh(core_axis_name="c", subcore_axis_name="s")
    f32 = jnp.float32
    run = functools.partial(
        pl.kernel,
        mesh=mesh,
        compiler_params=pltpu.CompilerParams(needs_layout_passes=False, use_tc_tiling_on_sc=False),
        out_type=(
            jax.ShapeDtypeStruct((BATCH,), f32),
            jax.ShapeDtypeStruct((BATCH,), f32),
        ),
        scratch_types=[
            pltpu.VMEM((NCH, CHUNK), jnp.int32),
            pltpu.VMEM((NCH, CHUNK), jnp.int32),
            pltpu.VMEM((NCH, CHUNK), jnp.int32),
            pltpu.VMEM((BPW, D), f32),
            pltpu.VMEM((BPW, D), f32),
            pltpu.VMEM((BPW, D), f32),
            pltpu.VMEM((BPW,), f32),
            pltpu.VMEM((BPW,), f32),
            pltpu.SemaphoreType.DMA,
        ],
    )(_body)
    return run(user, item_i, item_j, embed_user, embed_item)

# --- scband reference (transcript-rebuilt; emitter-appended) ---
"""Pipeline reference for scband-bprmf-31877247271370 (READ-ONLY COPY).

The authoritative reference and input builder live on the scoring server;
editing this copy changes nothing except your own understanding.
"""

import jax, jax.numpy as jnp
import numpy as np

USER_NUM = 1000000
ITEM_NUM = 1000000
FACTOR_NUM = 64
BATCH = 16384

def setup_inputs(seed: int = 0) -> dict:
    key = jax.random.key(seed)
    k1, k2, k3, k4, k5 = jax.random.split(key, 5)
    user = jax.random.randint(k1, (BATCH,), 0, USER_NUM, dtype=jnp.int64 if jax.config.jax_enable_x64 else jnp.int32)
    item_i = jax.random.randint(k2, (BATCH,), 0, ITEM_NUM, dtype=jnp.int64 if jax.config.jax_enable_x64 else jnp.int32)
    item_j = jax.random.randint(k3, (BATCH,), 0, ITEM_NUM, dtype=jnp.int64 if jax.config.jax_enable_x64 else jnp.int32)
    embed_user = jax.random.normal(k4, (USER_NUM, FACTOR_NUM), dtype=jnp.float32) * 0.01
    embed_item = jax.random.normal(k5, (ITEM_NUM, FACTOR_NUM), dtype=jnp.float32) * 0.01
    return {"user": user, "item_i": item_i, "item_j": item_j, "embed_user": embed_user, "embed_item": embed_item}

def reference(user, item_i, item_j, embed_user, embed_item):
    # embedding lookups (gather on SparseCore)
    u = jnp.take(embed_user, user, axis=0)
    vi = jnp.take(embed_item, item_i, axis=0)
    vj = jnp.take(embed_item, item_j, axis=0)
    pred_i = (u * vi).sum(axis=-1)
    pred_j = (u * vj).sum(axis=-1)
    return (pred_i, pred_j)

if __name__ == "__main__":
    import jax
    _d = setup_inputs()
    print(jax.jit(kernel)(*tuple(_d.values())))

</pallas_src>

<mosaic_0001>
#map = affine_map<(d0, d1) -> (0)>
#map1 = affine_map<(d0, d1) -> (0, 0)>
module attributes {stable_mosaic.version = 14 : i64} {
  func.func @_body(%arg0: i32, %arg1: i32, %arg2: memref<16384xi32, #tpu.memory_space<hbm>>, %arg3: memref<16384xi32, #tpu.memory_space<hbm>>, %arg4: memref<16384xi32, #tpu.memory_space<hbm>>, %arg5: memref<1000000x64xf32, #tpu.memory_space<hbm>>, %arg6: memref<1000000x64xf32, #tpu.memory_space<hbm>>, %arg7: memref<16384xf32, #tpu.memory_space<hbm>>, %arg8: memref<16384xf32, #tpu.memory_space<hbm>>, %arg9: memref<4x128xi32, #tpu.memory_space<vmem>>, %arg10: memref<4x128xi32, #tpu.memory_space<vmem>>, %arg11: memref<4x128xi32, #tpu.memory_space<vmem>>, %arg12: memref<512x64xf32, #tpu.memory_space<vmem>>, %arg13: memref<512x64xf32, #tpu.memory_space<vmem>>, %arg14: memref<512x64xf32, #tpu.memory_space<vmem>>, %arg15: memref<512xf32, #tpu.memory_space<vmem>>, %arg16: memref<512xf32, #tpu.memory_space<vmem>>, %arg17: memref<!tpu.dma_semaphore, #tpu.memory_space<semaphore_mem>>) attributes {dimension_semantics = [#tpu.dimension_semantics<core_parallel>, #tpu.dimension_semantics<subcore_parallel>], iteration_bounds = array<i64: 2, 16>, scalar_prefetch = 0 : i64, scratch_operands = 9 : i64, tpu.core_type = #tpu.core_type<sc_vector_subcore>, window_params = [{transform_indices = #map}, {transform_indices = #map}, {transform_indices = #map}, {transform_indices = #map1}, {transform_indices = #map1}, {transform_indices = #map}, {transform_indices = #map}]} {
    %mul3A = arith.constant 2 : i32
    %mul3A_0 = arith.muli %arg1, %mul3A : i32
    %add3A = arith.addi %mul3A_0, %arg0 : i32
    %mul3A_1 = arith.constant 512 : i32
    %mul3A_2 = arith.muli %add3A, %mul3A_1 : i32
    %add3A_3 = arith.constant 0 : i32
    %add3A_4 = arith.addi %mul3A_2, %add3A_3 : i32
    %run_scoped3A = arith.constant 0 : i32
    "tpu.region"() ({
      %run_scoped3A_283 = tpu.sem_alloc : memref<!tpu.dma_semaphore, #tpu.memory_space<semaphore_mem>>
      %dma_start3A_284 = arith.constant 0 : i32
      %dma_start3A_285 = tpu.memref_slice %arg9[%run_scoped3A, %dma_start3A_284] : memref<4x128xi32, #tpu.memory_space<vmem>> -> memref<1x128xi32, #tpu.memory_space<vmem>>
      %dma_start3A_286 = tpu.memref_squeeze %dma_start3A_285 : memref<1x128xi32, #tpu.memory_space<vmem>> -> memref<128xi32, #tpu.memory_space<vmem>>
      %dma_start3A_287 = tpu.memref_slice %arg2[%add3A_4] : memref<16384xi32, #tpu.memory_space<hbm>> -> memref<128xi32, #tpu.memory_space<hbm>>
      %dma_start3A_288 = arith.constant 0 : i32
      %dma_start3A_289 = tpu.memref_slice %arg9[%run_scoped3A, %dma_start3A_288] : memref<4x128xi32, #tpu.memory_space<vmem>> -> memref<1x128xi32, #tpu.memory_space<vmem>>
      %dma_start3A_290 = tpu.memref_squeeze %dma_start3A_289 : memref<1x128xi32, #tpu.memory_space<vmem>> -> memref<128xi32, #tpu.memory_space<vmem>>
      %dma_start3A_291 = tpu.memref_slice %arg2[%add3A_4] : memref<16384xi32, #tpu.memory_space<hbm>> -> memref<128xi32, #tpu.memory_space<hbm>>
      tpu.enqueue_dma source(%dma_start3A_291 : memref<128xi32, #tpu.memory_space<hbm>>) target(%dma_start3A_290 : memref<128xi32, #tpu.memory_space<vmem>>) target_semaphore(%run_scoped3A_283 : memref<!tpu.dma_semaphore, #tpu.memory_space<semaphore_mem>>)
      %dma_wait3A_292 = arith.constant 0 : i32
      %dma_wait3A_293 = tpu.memref_slice %arg9[%run_scoped3A, %dma_wait3A_292] : memref<4x128xi32, #tpu.memory_space<vmem>> -> memref<1x128xi32, #tpu.memory_space<vmem>>
      %dma_wait3A_294 = tpu.memref_squeeze %dma_wait3A_293 : memref<1x128xi32, #tpu.memory_space<vmem>> -> memref<128xi32, #tpu.memory_space<vmem>>
      %dma_wait3A_295 = tpu.memref_slice %arg2[%add3A_4] : memref<16384xi32, #tpu.memory_space<hbm>> -> memref<128xi32, #tpu.memory_space<hbm>>
      %dma_wait3A_296 = arith.constant 0 : i32
      %dma_wait3A_297 = tpu.memref_slice %arg9[%run_scoped3A, %dma_wait3A_296] : memref<4x128xi32, #tpu.memory_space<vmem>> -> memref<1x128xi32, #tpu.memory_space<vmem>>
      %dma_wait3A_298 = tpu.memref_squeeze %dma_wait3A_297 : memref<1x128xi32, #tpu.memory_space<vmem>> -> memref<128xi32, #tpu.memory_space<vmem>>
      %dma_wait3A_299 = tpu.memref_slice %arg2[%add3A_4] : memref<16384xi32, #tpu.memory_space<hbm>> -> memref<128xi32, #tpu.memory_space<hbm>>
      tpu.wait_dma2 semaphore(%run_scoped3A_283 : memref<!tpu.dma_semaphore, #tpu.memory_space<semaphore_mem>>) src(%dma_wait3A_299 : memref<128xi32, #tpu.memory_space<hbm>>) dst(%dma_wait3A_298 : memref<128xi32, #tpu.memory_space<vmem>>)
      tpu.yield
    }) : () -> ()
    %add3A_5 = arith.constant 0 : i32
    %add3A_6 = arith.addi %mul3A_2, %add3A_5 : i32
    %run_scoped3A_7 = arith.constant 0 : i32
    "tpu.region"() ({
      %run_scoped3A_283 = tpu.sem_alloc : memref<!tpu.dma_semaphore, #tpu.memory_space<semaphore_mem>>
      %dma_start3A_284 = arith.constant 0 : i32
      %dma_start3A_285 = tpu.memref_slice %arg10[%run_scoped3A_7, %dma_start3A_284] : memref<4x128xi32, #tpu.memory_space<vmem>> -> memref<1x128xi32, #tpu.memory_space<vmem>>
      %dma_start3A_286 = tpu.memref_squeeze %dma_start3A_285 : memref<1x128xi32, #tpu.memory_space<vmem>> -> memref<128xi32, #tpu.memory_space<vmem>>
      %dma_start3A_287 = tpu.memref_slice %arg3[%add3A_6] : memref<16384xi32, #tpu.memory_space<hbm>> -> memref<128xi32, #tpu.memory_space<hbm>>
      %dma_start3A_288 = arith.constant 0 : i32
      %dma_start3A_289 = tpu.memref_slice %arg10[%run_scoped3A_7, %dma_start3A_288] : memref<4x128xi32, #tpu.memory_space<vmem>> -> memref<1x128xi32, #tpu.memory_space<vmem>>
      %dma_start3A_290 = tpu.memref_squeeze %dma_start3A_289 : memref<1x128xi32, #tpu.memory_space<vmem>> -> memref<128xi32, #tpu.memory_space<vmem>>
      %dma_start3A_291 = tpu.memref_slice %arg3[%add3A_6] : memref<16384xi32, #tpu.memory_space<hbm>> -> memref<128xi32, #tpu.memory_space<hbm>>
      tpu.enqueue_dma source(%dma_start3A_291 : memref<128xi32, #tpu.memory_space<hbm>>) target(%dma_start3A_290 : memref<128xi32, #tpu.memory_space<vmem>>) target_semaphore(%run_scoped3A_283 : memref<!tpu.dma_semaphore, #tpu.memory_space<semaphore_mem>>)
      %dma_wait3A_292 = arith.constant 0 : i32
      %dma_wait3A_293 = tpu.memref_slice %arg10[%run_scoped3A_7, %dma_wait3A_292] : memref<4x128xi32, #tpu.memory_space<vmem>> -> memref<1x128xi32, #tpu.memory_space<vmem>>
      %dma_wait3A_294 = tpu.memref_squeeze %dma_wait3A_293 : memref<1x128xi32, #tpu.memory_space<vmem>> -> memref<128xi32, #tpu.memory_space<vmem>>
      %dma_wait3A_295 = tpu.memref_slice %arg3[%add3A_6] : memref<16384xi32, #tpu.memory_space<hbm>> -> memref<128xi32, #tpu.memory_space<hbm>>
      %dma_wait3A_296 = arith.constant 0 : i32
      %dma_wait3A_297 = tpu.memref_slice %arg10[%run_scoped3A_7, %dma_wait3A_296] : memref<4x128xi32, #tpu.memory_space<vmem>> -> memref<1x128xi32, #tpu.memory_space<vmem>>
      %dma_wait3A_298 = tpu.memref_squeeze %dma_wait3A_297 : memref<1x128xi32, #tpu.memory_space<vmem>> -> memref<128xi32, #tpu.memory_space<vmem>>
      %dma_wait3A_299 = tpu.memref_slice %arg3[%add3A_6] : memref<16384xi32, #tpu.memory_space<hbm>> -> memref<128xi32, #tpu.memory_space<hbm>>
      tpu.wait_dma2 semaphore(%run_scoped3A_283 : memref<!tpu.dma_semaphore, #tpu.memory_space<semaphore_mem>>) src(%dma_wait3A_299 : memref<128xi32, #tpu.memory_space<hbm>>) dst(%dma_wait3A_298 : memref<128xi32, #tpu.memory_space<vmem>>)
      tpu.yield
    }) : () -> ()
    %add3A_8 = arith.constant 0 : i32
    %add3A_9 = arith.addi %mul3A_2, %add3A_8 : i32
    %run_scoped3A_10 = arith.constant 0 : i32
    "tpu.region"() ({
      %run_scoped3A_283 = tpu.sem_alloc : memref<!tpu.dma_semaphore, #tpu.memory_space<semaphore_mem>>
      %dma_start3A_284 = arith.constant 0 : i32
      %dma_start3A_285 = tpu.memref_slice %arg11[%run_scoped3A_10, %dma_start3A_284] : memref<4x128xi32, #tpu.memory_space<vmem>> -> memref<1x128xi32, #tpu.memory_space<vmem>>
      %dma_start3A_286 = tpu.memref_squeeze %dma_start3A_285 : memref<1x128xi32, #tpu.memory_space<vmem>> -> memref<128xi32, #tpu.memory_space<vmem>>
      %dma_start3A_287 = tpu.memref_slice %arg4[%add3A_9] : memref<16384xi32, #tpu.memory_space<hbm>> -> memref<128xi32, #tpu.memory_space<hbm>>
      %dma_start3A_288 = arith.constant 0 : i32
      %dma_start3A_289 = tpu.memref_slice %arg11[%run_scoped3A_10, %dma_start3A_288] : memref<4x128xi32, #tpu.memory_space<vmem>> -> memref<1x128xi32, #tpu.memory_space<vmem>>
      %dma_start3A_290 = tpu.memref_squeeze %dma_start3A_289 : memref<1x128xi32, #tpu.memory_space<vmem>> -> memref<128xi32, #tpu.memory_space<vmem>>
      %dma_start3A_291 = tpu.memref_slice %arg4[%add3A_9] : memref<16384xi32, #tpu.memory_space<hbm>> -> memref<128xi32, #tpu.memory_space<hbm>>
      tpu.enqueue_dma source(%dma_start3A_291 : memref<128xi32, #tpu.memory_space<hbm>>) target(%dma_start3A_290 : memref<128xi32, #tpu.memory_space<vmem>>) target_semaphore(%run_scoped3A_283 : memref<!tpu.dma_semaphore, #tpu.memory_space<semaphore_mem>>)
      %dma_wait3A_292 = arith.constant 0 : i32
      %dma_wait3A_293 = tpu.memref_slice %arg11[%run_scoped3A_10, %dma_wait3A_292] : memref<4x128xi32, #tpu.memory_space<vmem>> -> memref<1x128xi32, #tpu.memory_space<vmem>>
      %dma_wait3A_294 = tpu.memref_squeeze %dma_wait3A_293 : memref<1x128xi32, #tpu.memory_space<vmem>> -> memref<128xi32, #tpu.memory_space<vmem>>
      %dma_wait3A_295 = tpu.memref_slice %arg4[%add3A_9] : memref<16384xi32, #tpu.memory_space<hbm>> -> memref<128xi32, #tpu.memory_space<hbm>>
      %dma_wait3A_296 = arith.constant 0 : i32
      %dma_wait3A_297 = tpu.memref_slice %arg11[%run_scoped3A_10, %dma_wait3A_296] : memref<4x128xi32, #tpu.memory_space<vmem>> -> memref<1x128xi32, #tpu.memory_space<vmem>>
      %dma_wait3A_298 = tpu.memref_squeeze %dma_wait3A_297 : memref<1x128xi32, #tpu.memory_space<vmem>> -> memref<128xi32, #tpu.memory_space<vmem>>
      %dma_wait3A_299 = tpu.memref_slice %arg4[%add3A_9] : memref<16384xi32, #tpu.memory_space<hbm>> -> memref<128xi32, #tpu.memory_space<hbm>>
      tpu.wait_dma2 semaphore(%run_scoped3A_283 : memref<!tpu.dma_semaphore, #tpu.memory_space<semaphore_mem>>) src(%dma_wait3A_299 : memref<128xi32, #tpu.memory_space<hbm>>) dst(%dma_wait3A_298 : memref<128xi32, #tpu.memory_space<vmem>>)
      tpu.yield
    }) : () -> ()
    %add3A_11 = arith.constant 128 : i32
    %add3A_12 = arith.addi %mul3A_2, %add3A_11 : i32
    %run_scoped3A_13 = arith.constant 1 : i32
    "tpu.region"() ({
      %run_scoped3A_283 = tpu.sem_alloc : memref<!tpu.dma_semaphore, #tpu.memory_space<semaphore_mem>>
      %dma_start3A_284 = arith.constant 0 : i32
      %dma_start3A_285 = tpu.memref_slice %arg9[%run_scoped3A_13, %dma_start3A_284] : memref<4x128xi32, #tpu.memory_space<vmem>> -> memref<1x128xi32, #tpu.memory_space<vmem>>
      %dma_start3A_286 = tpu.memref_squeeze %dma_start3A_285 : memref<1x128xi32, #tpu.memory_space<vmem>> -> memref<128xi32, #tpu.memory_space<vmem>>
      %dma_start3A_287 = tpu.memref_slice %arg2[%add3A_12] : memref<16384xi32, #tpu.memory_space<hbm>> -> memref<128xi32, #tpu.memory_space<hbm>>
      %dma_start3A_288 = arith.constant 0 : i32
      %dma_start3A_289 = tpu.memref_slice %arg9[%run_scoped3A_13, %dma_start3A_288] : memref<4x128xi32, #tpu.memory_space<vmem>> -> memref<1x128xi32, #tpu.memory_space<vmem>>
      %dma_start3A_290 = tpu.memref_squeeze %dma_start3A_289 : memref<1x128xi32, #tpu.memory_space<vmem>> -> memref<128xi32, #tpu.memory_space<vmem>>
      %dma_start3A_291 = tpu.memref_slice %arg2[%add3A_12] : memref<16384xi32, #tpu.memory_space<hbm>> -> memref<128xi32, #tpu.memory_space<hbm>>
      tpu.enqueue_dma source(%dma_start3A_291 : memref<128xi32, #tpu.memory_space<hbm>>) target(%dma_start3A_290 : memref<128xi32, #tpu.memory_space<vmem>>) target_semaphore(%run_scoped3A_283 : memref<!tpu.dma_semaphore, #tpu.memory_space<semaphore_mem>>)
      %dma_wait3A_292 = arith.constant 0 : i32
      %dma_wait3A_293 = tpu.memref_slice %arg9[%run_scoped3A_13, %dma_wait3A_292] : memref<4x128xi32, #tpu.memory_space<vmem>> -> memref<1x128xi32, #tpu.memory_space<vmem>>
      %dma_wait3A_294 = tpu.memref_squeeze %dma_wait3A_293 : memref<1x128xi32, #tpu.memory_space<vmem>> -> memref<128xi32, #tpu.memory_space<vmem>>
      %dma_wait3A_295 = tpu.memref_slice %arg2[%add3A_12] : memref<16384xi32, #tpu.memory_space<hbm>> -> memref<128xi32, #tpu.memory_space<hbm>>
      %dma_wait3A_296 = arith.constant 0 : i32
      %dma_wait3A_297 = tpu.memref_slice %arg9[%run_scoped3A_13, %dma_wait3A_296] : memref<4x128xi32, #tpu.memory_space<vmem>> -> memref<1x128xi32, #tpu.memory_space<vmem>>
      %dma_wait3A_298 = tpu.memref_squeeze %dma_wait3A_297 : memref<1x128xi32, #tpu.memory_space<vmem>> -> memref<128xi32, #tpu.memory_space<vmem>>
      %dma_wait3A_299 = tpu.memref_slice %arg2[%add3A_12] : memref<16384xi32, #tpu.memory_space<hbm>> -> memref<128xi32, #tpu.memory_space<hbm>>
      tpu.wait_dma2 semaphore(%run_scoped3A_283 : memref<!tpu.dma_semaphore, #tpu.memory_space<semaphore_mem>>) src(%dma_wait3A_299 : memref<128xi32, #tpu.memory_space<hbm>>) dst(%dma_wait3A_298 : memref<128xi32, #tpu.memory_space<vmem>>)
      tpu.yield
    }) : () -> ()
    %add3A_14 = arith.constant 128 : i32
    %add3A_15 = arith.addi %mul3A_2, %add3A_14 : i32
    %run_scoped3A_16 = arith.constant 1 : i32
    "tpu.region"() ({
      %run_scoped3A_283 = tpu.sem_alloc : memref<!tpu.dma_semaphore, #tpu.memory_space<semaphore_mem>>
      %dma_start3A_284 = arith.constant 0 : i32
      %dma_start3A_285 = tpu.memref_slice %arg10[%run_scoped3A_16, %dma_start3A_284] : memref<4x128xi32, #tpu.memory_space<vmem>> -> memref<1x128xi32, #tpu.memory_space<vmem>>
      %dma_start3A_286 = tpu.memref_squeeze %dma_start3A_285 : memref<1x128xi32, #tpu.memory_space<vmem>> -> memref<128xi32, #tpu.memory_space<vmem>>
      %dma_start3A_287 = tpu.memref_slice %arg3[%add3A_15] : memref<16384xi32, #tpu.memory_space<hbm>> -> memref<128xi32, #tpu.memory_space<hbm>>
      %dma_start3A_288 = arith.constant 0 : i32
      %dma_start3A_289 = tpu.memref_slice %arg10[%run_scoped3A_16, %dma_start3A_288] : memref<4x128xi32, #tpu.memory_space<vmem>> -> memref<1x128xi32, #tpu.memory_space<vmem>>
      %dma_start3A_290 = tpu.memref_squeeze %dma_start3A_289 : memref<1x128xi32, #tpu.memory_space<vmem>> -> memref<128xi32, #tpu.memory_space<vmem>>
      %dma_start3A_291 = tpu.memref_slice %arg3[%add3A_15] : memref<16384xi32, #tpu.memory_space<hbm>> -> memref<128xi32, #tpu.memory_space<hbm>>
      tpu.enqueue_dma source(%dma_start3A_291 : memref<128xi32, #tpu.memory_space<hbm>>) target(%dma_start3A_290 : memref<128xi32, #tpu.memory_space<vmem>>) target_semaphore(%run_scoped3A_283 : memref<!tpu.dma_semaphore, #tpu.memory_space<semaphore_mem>>)
      %dma_wait3A_292 = arith.constant 0 : i32
      %dma_wait3A_293 = tpu.memref_slice %arg10[%run_scoped3A_16, %dma_wait3A_292] : memref<4x128xi32, #tpu.memory_space<vmem>> -> memref<1x128xi32, #tpu.memory_space<vmem>>
      %dma_wait3A_294 = tpu.memref_squeeze %dma_wait3A_293 : memref<1x128xi32, #tpu.memory_space<vmem>> -> memref<128xi32, #tpu.memory_space<vmem>>
      %dma_wait3A_295 = tpu.memref_slice %arg3[%add3A_15] : memref<16384xi32, #tpu.memory_space<hbm>> -> memref<128xi32, #tpu.memory_space<hbm>>
      %dma_wait3A_296 = arith.constant 0 : i32
      %dma_wait3A_297 = tpu.memref_slice %arg10[%run_scoped3A_16, %dma_wait3A_296] : memref<4x128xi32, #tpu.memory_space<vmem>> -> memref<1x128xi32, #tpu.memory_space<vmem>>
      %dma_wait3A_298 = tpu.memref_squeeze %dma_wait3A_297 : memref<1x128xi32, #tpu.memory_space<vmem>> -> memref<128xi32, #tpu.memory_space<vmem>>
      %dma_wait3A_299 = tpu.memref_slice %arg3[%add3A_15] : memref<16384xi32, #tpu.memory_space<hbm>> -> memref<128xi32, #tpu.memory_space<hbm>>
      tpu.wait_dma2 semaphore(%run_scoped3A_283 : memref<!tpu.dma_semaphore, #tpu.memory_space<semaphore_mem>>) src(%dma_wait3A_299 : memref<128xi32, #tpu.memory_space<hbm>>) dst(%dma_wait3A_298 : memref<128xi32, #tpu.memory_space<vmem>>)
      tpu.yield
    }) : () -> ()
    %add3A_17 = arith.constant 128 : i32
    %add3A_18 = arith.addi %mul3A_2, %add3A_17 : i32
    %run_scoped3A_19 = arith.constant 1 : i32
    "tpu.region"() ({
      %run_scoped3A_283 = tpu.sem_alloc : memref<!tpu.dma_semaphore, #tpu.memory_space<semaphore_mem>>
      %dma_start3A_284 = arith.constant 0 : i32
      %dma_start3A_285 = tpu.memref_slice %arg11[%run_scoped3A_19, %dma_start3A_284] : memref<4x128xi32, #tpu.memory_space<vmem>> -> memref<1x128xi32, #tpu.memory_space<vmem>>
      %dma_start3A_286 = tpu.memref_squeeze %dma_start3A_285 : memref<1x128xi32, #tpu.memory_space<vmem>> -> memref<128xi32, #tpu.memory_space<vmem>>
      %dma_start3A_287 = tpu.memref_slice %arg4[%add3A_18] : memref<16384xi32, #tpu.memory_space<hbm>> -> memref<128xi32, #tpu.memory_space<hbm>>
      %dma_start3A_288 = arith.constant 0 : i32
      %dma_start3A_289 = tpu.memref_slice %arg11[%run_scoped3A_19, %dma_start3A_288] : memref<4x128xi32, #tpu.memory_space<vmem>> -> memref<1x128xi32, #tpu.memory_space<vmem>>
      %dma_start3A_290 = tpu.memref_squeeze %dma_start3A_289 : memref<1x128xi32, #tpu.memory_space<vmem>> -> memref<128xi32, #tpu.memory_space<vmem>>
      %dma_start3A_291 = tpu.memref_slice %arg4[%add3A_18] : memref<16384xi32, #tpu.memory_space<hbm>> -> memref<128xi32, #tpu.memory_space<hbm>>
      tpu.enqueue_dma source(%dma_start3A_291 : memref<128xi32, #tpu.memory_space<hbm>>) target(%dma_start3A_290 : memref<128xi32, #tpu.memory_space<vmem>>) target_semaphore(%run_scoped3A_283 : memref<!tpu.dma_semaphore, #tpu.memory_space<semaphore_mem>>)
      %dma_wait3A_292 = arith.constant 0 : i32
      %dma_wait3A_293 = tpu.memref_slice %arg11[%run_scoped3A_19, %dma_wait3A_292] : memref<4x128xi32, #tpu.memory_space<vmem>> -> memref<1x128xi32, #tpu.memory_space<vmem>>
      %dma_wait3A_294 = tpu.memref_squeeze %dma_wait3A_293 : memref<1x128xi32, #tpu.memory_space<vmem>> -> memref<128xi32, #tpu.memory_space<vmem>>
      %dma_wait3A_295 = tpu.memref_slice %arg4[%add3A_18] : memref<16384xi32, #tpu.memory_space<hbm>> -> memref<128xi32, #tpu.memory_space<hbm>>
      %dma_wait3A_296 = arith.constant 0 : i32
      %dma_wait3A_297 = tpu.memref_slice %arg11[%run_scoped3A_19, %dma_wait3A_296] : memref<4x128xi32, #tpu.memory_space<vmem>> -> memref<1x128xi32, #tpu.memory_space<vmem>>
      %dma_wait3A_298 = tpu.memref_squeeze %dma_wait3A_297 : memref<1x128xi32, #tpu.memory_space<vmem>> -> memref<128xi32, #tpu.memory_space<vmem>>
      %dma_wait3A_299 = tpu.memref_slice %arg4[%add3A_18] : memref<16384xi32, #tpu.memory_space<hbm>> -> memref<128xi32, #tpu.memory_space<hbm>>
      tpu.wait_dma2 semaphore(%run_scoped3A_283 : memref<!tpu.dma_semaphore, #tpu.memory_space<semaphore_mem>>) src(%dma_wait3A_299 : memref<128xi32, #tpu.memory_space<hbm>>) dst(%dma_wait3A_298 : memref<128xi32, #tpu.memory_space<vmem>>)
      tpu.yield
    }) : () -> ()
    %add3A_20 = arith.constant 256 : i32
    %add3A_21 = arith.addi %mul3A_2, %add3A_20 : i32
    %run_scoped3A_22 = arith.constant 2 : i32
    "tpu.region"() ({
      %run_scoped3A_283 = tpu.sem_alloc : memref<!tpu.dma_semaphore, #tpu.memory_space<semaphore_mem>>
      %dma_start3A_284 = arith.constant 0 : i32
      %dma_start3A_285 = tpu.memref_slice %arg9[%run_scoped3A_22, %dma_start3A_284] : memref<4x128xi32, #tpu.memory_space<vmem>> -> memref<1x128xi32, #tpu.memory_space<vmem>>
      %dma_start3A_286 = tpu.memref_squeeze %dma_start3A_285 : memref<1x128xi32, #tpu.memory_space<vmem>> -> memref<128xi32, #tpu.memory_space<vmem>>
      %dma_start3A_287 = tpu.memref_slice %arg2[%add3A_21] : memref<16384xi32, #tpu.memory_space<hbm>> -> memref<128xi32, #tpu.memory_space<hbm>>
      %dma_start3A_288 = arith.constant 0 : i32
      %dma_start3A_289 = tpu.memref_slice %arg9[%run_scoped3A_22, %dma_start3A_288] : memref<4x128xi32, #tpu.memory_space<vmem>> -> memref<1x128xi32, #tpu.memory_space<vmem>>
      %dma_start3A_290 = tpu.memref_squeeze %dma_start3A_289 : memref<1x128xi32, #tpu.memory_space<vmem>> -> memref<128xi32, #tpu.memory_space<vmem>>
      %dma_start3A_291 = tpu.memref_slice %arg2[%add3A_21] : memref<16384xi32, #tpu.memory_space<hbm>> -> memref<128xi32, #tpu.memory_space<hbm>>
      tpu.enqueue_dma source(%dma_start3A_291 : memref<128xi32, #tpu.memory_space<hbm>>) target(%dma_start3A_290 : memref<128xi32, #tpu.memory_space<vmem>>) target_semaphore(%run_scoped3A_283 : memref<!tpu.dma_semaphore, #tpu.memory_space<semaphore_mem>>)
      %dma_wait3A_292 = arith.constant 0 : i32
      %dma_wait3A_293 = tpu.memref_slice %arg9[%run_scoped3A_22, %dma_wait3A_292] : memref<4x128xi32, #tpu.memory_space<vmem>> -> memref<1x128xi32, #tpu.memory_space<vmem>>
      %dma_wait3A_294 = tpu.memref_squeeze %dma_wait3A_293 : memref<1x128xi32, #tpu.memory_space<vmem>> -> memref<128xi32, #tpu.memory_space<vmem>>
      %dma_wait3A_295 = tpu.memref_slice %arg2[%add3A_21] : memref<16384xi32, #tpu.memory_space<hbm>> -> memref<128xi32, #tpu.memory_space<hbm>>
      %dma_wait3A_296 = arith.constant 0 : i32
      %dma_wait3A_297 = tpu.memref_slice %arg9[%run_scoped3A_22, %dma_wait3A_296] : memref<4x128xi32, #tpu.memory_space<vmem>> -> memref<1x128xi32, #tpu.memory_space<vmem>>
      %dma_wait3A_298 = tpu.memref_squeeze %dma_wait3A_297 : memref<1x128xi32, #tpu.memory_space<vmem>> -> memref<128xi32, #tpu.memory_space<vmem>>
      %dma_wait3A_299 = tpu.memref_slice %arg2[%add3A_21] : memref<16384xi32, #tpu.memory_space<hbm>> -> memref<128xi32, #tpu.memory_space<hbm>>
      tpu.wait_dma2 semaphore(%run_scoped3A_283 : memref<!tpu.dma_semaphore, #tpu.memory_space<semaphore_mem>>) src(%dma_wait3A_299 : memref<128xi32, #tpu.memory_space<hbm>>) dst(%dma_wait3A_298 : memref<128xi32, #tpu.memory_space<vmem>>)
      tpu.yield
    }) : () -> ()
    %add3A_23 = arith.constant 256 : i32
    %add3A_24 = arith.addi %mul3A_2, %add3A_23 : i32
    %run_scoped3A_25 = arith.constant 2 : i32
    "tpu.region"() ({
      %run_scoped3A_283 = tpu.sem_alloc : memref<!tpu.dma_semaphore, #tpu.memory_space<semaphore_mem>>
      %dma_start3A_284 = arith.constant 0 : i32
      %dma_start3A_285 = tpu.memref_slice %arg10[%run_scoped3A_25, %dma_start3A_284] : memref<4x128xi32, #tpu.memory_space<vmem>> -> memref<1x128xi32, #tpu.memory_space<vmem>>
      %dma_start3A_286 = tpu.memref_squeeze %dma_start3A_285 : memref<1x128xi32, #tpu.memory_space<vmem>> -> memref<128xi32, #tpu.memory_space<vmem>>
      %dma_start3A_287 = tpu.memref_slice %arg3[%add3A_24] : memref<16384xi32, #tpu.memory_space<hbm>> -> memref<128xi32, #tpu.memory_space<hbm>>
      %dma_start3A_288 = arith.constant 0 : i32
      %dma_start3A_289 = tpu.memref_slice %arg10[%run_scoped3A_25, %dma_start3A_288] : memref<4x128xi32, #tpu.memory_space<vmem>> -> memref<1x128xi32, #tpu.memory_space<vmem>>
      %dma_start3A_290 = tpu.memref_squeeze %dma_start3A_289 : memref<1x128xi32, #tpu.memory_space<vmem>> -> memref<128xi32, #tpu.memory_space<vmem>>
      %dma_start3A_291 = tpu.memref_slice %arg3[%add3A_24] : memref<16384xi32, #tpu.memory_space<hbm>> -> memref<128xi32, #tpu.memory_space<hbm>>
      tpu.enqueue_dma source(%dma_start3A_291 : memref<128xi32, #tpu.memory_space<hbm>>) target(%dma_start3A_290 : memref<128xi32, #tpu.memory_space<vmem>>) target_semaphore(%run_scoped3A_283 : memref<!tpu.dma_semaphore, #tpu.memory_space<semaphore_mem>>)
      %dma_wait3A_292 = arith.constant 0 : i32
      %dma_wait3A_293 = tpu.memref_slice %arg10[%run_scoped3A_25, %dma_wait3A_292] : memref<4x128xi32, #tpu.memory_space<vmem>> -> memref<1x128xi32, #tpu.memory_space<vmem>>
      %dma_wait3A_294 = tpu.memref_squeeze %dma_wait3A_293 : memref<1x128xi32, #tpu.memory_space<vmem>> -> memref<128xi32, #tpu.memory_space<vmem>>
      %dma_wait3A_295 = tpu.memref_slice %arg3[%add3A_24] : memref<16384xi32, #tpu.memory_space<hbm>> -> memref<128xi32, #tpu.memory_space<hbm>>
      %dma_wait3A_296 = arith.constant 0 : i32
      %dma_wait3A_297 = tpu.memref_slice %arg10[%run_scoped3A_25, %dma_wait3A_296] : memref<4x128xi32, #tpu.memory_space<vmem>> -> memref<1x128xi32, #tpu.memory_space<vmem>>
      %dma_wait3A_298 = tpu.memref_squeeze %dma_wait3A_297 : memref<1x128xi32, #tpu.memory_space<vmem>> -> memref<128xi32, #tpu.memory_space<vmem>>
      %dma_wait3A_299 = tpu.memref_slice %arg3[%add3A_24] : memref<16384xi32, #tpu.memory_space<hbm>> -> memref<128xi32, #tpu.memory_space<hbm>>
      tpu.wait_dma2 semaphore(%run_scoped3A_283 : memref<!tpu.dma_semaphore, #tpu.memory_space<semaphore_mem>>) src(%dma_wait3A_299 : memref<128xi32, #tpu.memory_space<hbm>>) dst(%dma_wait3A_298 : memref<128xi32, #tpu.memory_space<vmem>>)
      tpu.yield
    }) : () -> ()
    %add3A_26 = arith.constant 256 : i32
    %add3A_27 = arith.addi %mul3A_2, %add3A_26 : i32
    %run_scoped3A_28 = arith.constant 2 : i32
    "tpu.region"() ({
      %run_scoped3A_283 = tpu.sem_alloc : memref<!tpu.dma_semaphore, #tpu.memory_space<semaphore_mem>>
      %dma_start3A_284 = arith.constant 0 : i32
      %dma_start3A_285 = tpu.memref_slice %arg11[%run_scoped3A_28, %dma_start3A_284] : memref<4x128xi32, #tpu.memory_space<vmem>> -> memref<1x128xi32, #tpu.memory_space<vmem>>
      %dma_start3A_286 = tpu.memref_squeeze %dma_start3A_285 : memref<1x128xi32, #tpu.memory_space<vmem>> -> memref<128xi32, #tpu.memory_space<vmem>>
      %dma_start3A_287 = tpu.memref_slice %arg4[%add3A_27] : memref<16384xi32, #tpu.memory_space<hbm>> -> memref<128xi32, #tpu.memory_space<hbm>>
      %dma_start3A_288 = arith.constant 0 : i32
      %dma_start3A_289 = tpu.memref_slice %arg11[%run_scoped3A_28, %dma_start3A_288] : memref<4x128xi32, #tpu.memory_space<vmem>> -> memref<1x128xi32, #tpu.memory_space<vmem>>
      %dma_start3A_290 = tpu.memref_squeeze %dma_start3A_289 : memref<1x128xi32, #tpu.memory_space<vmem>> -> memref<128xi32, #tpu.memory_space<vmem>>
      %dma_start3A_291 = tpu.memref_slice %arg4[%add3A_27] : memref<16384xi32, #tpu.memory_space<hbm>> -> memref<128xi32, #tpu.memory_space<hbm>>
      tpu.enqueue_dma source(%dma_start3A_291 : memref<128xi32, #tpu.memory_space<hbm>>) target(%dma_start3A_290 : memref<128xi32, #tpu.memory_space<vmem>>) target_semaphore(%run_scoped3A_283 : memref<!tpu.dma_semaphore, #tpu.memory_space<semaphore_mem>>)
      %dma_wait3A_292 = arith.constant 0 : i32
      %dma_wait3A_293 = tpu.memref_slice %arg11[%run_scoped3A_28, %dma_wait3A_292] : memref<4x128xi32, #tpu.memory_space<vmem>> -> memref<1x128xi32, #tpu.memory_space<vmem>>
      %dma_wait3A_294 = tpu.memref_squeeze %dma_wait3A_293 : memref<1x128xi32, #tpu.memory_space<vmem>> -> memref<128xi32, #tpu.memory_space<vmem>>
      %dma_wait3A_295 = tpu.memref_slice %arg4[%add3A_27] : memref<16384xi32, #tpu.memory_space<hbm>> -> memref<128xi32, #tpu.memory_space<hbm>>
      %dma_wait3A_296 = arith.constant 0 : i32
      %dma_wait3A_297 = tpu.memref_slice %arg11[%run_scoped3A_28, %dma_wait3A_296] : memref<4x128xi32, #tpu.memory_space<vmem>> -> memref<1x128xi32, #tpu.memory_space<vmem>>
      %dma_wait3A_298 = tpu.memref_squeeze %dma_wait3A_297 : memref<1x128xi32, #tpu.memory_space<vmem>> -> memref<128xi32, #tpu.memory_space<vmem>>
      %dma_wait3A_299 = tpu.memref_slice %arg4[%add3A_27] : memref<16384xi32, #tpu.memory_space<hbm>> -> memref<128xi32, #tpu.memory_space<hbm>>
      tpu.wait_dma2 semaphore(%run_scoped3A_283 : memref<!tpu.dma_semaphore, #tpu.memory_space<semaphore_mem>>) src(%dma_wait3A_299 : memref<128xi32, #tpu.memory_space<hbm>>) dst(%dma_wait3A_298 : memref<128xi32, #tpu.memory_space<vmem>>)
      tpu.yield
    }) : () -> ()
    %add3A_29 = arith.constant 384 : i32
    %add3A_30 = arith.addi %mul3A_2, %add3A_29 : i32
    %run_scoped3A_31 = arith.constant 3 : i32
    "tpu.region"() ({
      %run_scoped3A_283 = tpu.sem_alloc : memref<!tpu.dma_semaphore, #tpu.memory_space<semaphore_mem>>
      %dma_start3A_284 = arith.constant 0 : i32
      %dma_start3A_285 = tpu.memref_slice %arg9[%run_scoped3A_31, %dma_start3A_284] : memref<4x128xi32, #tpu.memory_space<vmem>> -> memref<1x128xi32, #tpu.memory_space<vmem>>
      %dma_start3A_286 = tpu.memref_squeeze %dma_start3A_285 : memref<1x128xi32, #tpu.memory_space<vmem>> -> memref<128xi32, #tpu.memory_space<vmem>>
      %dma_start3A_287 = tpu.memref_slice %arg2[%add3A_30] : memref<16384xi32, #tpu.memory_space<hbm>> -> memref<128xi32, #tpu.memory_space<hbm>>
      %dma_start3A_288 = arith.constant 0 : i32
      %dma_start3A_289 = tpu.memref_slice %arg9[%run_scoped3A_31, %dma_start3A_288] : memref<4x128xi32, #tpu.memory_space<vmem>> -> memref<1x128xi32, #tpu.memory_space<vmem>>
      %dma_start3A_290 = tpu.memref_squeeze %dma_start3A_289 : memref<1x128xi32, #tpu.memory_space<vmem>> -> memref<128xi32, #tpu.memory_space<vmem>>
      %dma_start3A_291 = tpu.memref_slice %arg2[%add3A_30] : memref<16384xi32, #tpu.memory_space<hbm>> -> memref<128xi32, #tpu.memory_space<hbm>>
      tpu.enqueue_dma source(%dma_start3A_291 : memref<128xi32, #tpu.memory_space<hbm>>) target(%dma_start3A_290 : memref<128xi32, #tpu.memory_space<vmem>>) target_semaphore(%run_scoped3A_283 : memref<!tpu.dma_semaphore, #tpu.memory_space<semaphore_mem>>)
      %dma_wait3A_292 = arith.constant 0 : i32
      %dma_wait3A_293 = tpu.memref_slice %arg9[%run_scoped3A_31, %dma_wait3A_292] : memref<4x128xi32, #tpu.memory_space<vmem>> -> memref<1x128xi32, #tpu.memory_space<vmem>>
      %dma_wait3A_294 = tpu.memref_squeeze %dma_wait3A_293 : memref<1x128xi32, #tpu.memory_space<vmem>> -> memref<128xi32, #tpu.memory_space<vmem>>
      %dma_wait3A_295 = tpu.memref_slice %arg2[%add3A_30] : memref<16384xi32, #tpu.memory_space<hbm>> -> memref<128xi32, #tpu.memory_space<hbm>>
      %dma_wait3A_296 = arith.constant 0 : i32
      %dma_wait3A_297 = tpu.memref_slice %arg9[%run_scoped3A_31, %dma_wait3A_296] : memref<4x128xi32, #tpu.memory_space<vmem>> -> memref<1x128xi32, #tpu.memory_space<vmem>>
      %dma_wait3A_298 = tpu.memref_squeeze %dma_wait3A_297 : memref<1x128xi32, #tpu.memory_space<vmem>> -> memref<128xi32, #tpu.memory_space<vmem>>
      %dma_wait3A_299 = tpu.memref_slice %arg2[%add3A_30] : memref<16384xi32, #tpu.memory_space<hbm>> -> memref<128xi32, #tpu.memory_space<hbm>>
      tpu.wait_dma2 semaphore(%run_scoped3A_283 : memref<!tpu.dma_semaphore, #tpu.memory_space<semaphore_mem>>) src(%dma_wait3A_299 : memref<128xi32, #tpu.memory_space<hbm>>) dst(%dma_wait3A_298 : memref<128xi32, #tpu.memory_space<vmem>>)
      tpu.yield
    }) : () -> ()
    %add3A_32 = arith.constant 384 : i32
    %add3A_33 = arith.addi %mul3A_2, %add3A_32 : i32
    %run_scoped3A_34 = arith.constant 3 : i32
    "tpu.region"() ({
      %run_scoped3A_283 = tpu.sem_alloc : memref<!tpu.dma_semaphore, #tpu.memory_space<semaphore_mem>>
      %dma_start3A_284 = arith.constant 0 : i32
      %dma_start3A_285 = tpu.memref_slice %arg10[%run_scoped3A_34, %dma_start3A_284] : memref<4x128xi32, #tpu.memory_space<vmem>> -> memref<1x128xi32, #tpu.memory_space<vmem>>
      %dma_start3A_286 = tpu.memref_squeeze %dma_start3A_285 : memref<1x128xi32, #tpu.memory_space<vmem>> -> memref<128xi32, #tpu.memory_space<vmem>>
      %dma_start3A_287 = tpu.memref_slice %arg3[%add3A_33] : memref<16384xi32, #tpu.memory_space<hbm>> -> memref<128xi32, #tpu.memory_space<hbm>>
      %dma_start3A_288 = arith.constant 0 : i32
      %dma_start3A_289 = tpu.memref_slice %arg10[%run_scoped3A_34, %dma_start3A_288] : memref<4x128xi32, #tpu.memory_space<vmem>> -> memref<1x128xi32, #tpu.memory_space<vmem>>
      %dma_start3A_290 = tpu.memref_squeeze %dma_start3A_289 : memref<1x128xi32, #tpu.memory_space<vmem>> -> memref<128xi32, #tpu.memory_space<vmem>>
      %dma_start3A_291 = tpu.memref_slice %arg3[%add3A_33] : memref<16384xi32, #tpu.memory_space<hbm>> -> memref<128xi32, #tpu.memory_space<hbm>>
      tpu.enqueue_dma source(%dma_start3A_291 : memref<128xi32, #tpu.memory_space<hbm>>) target(%dma_start3A_290 : memref<128xi32, #tpu.memory_space<vmem>>) target_semaphore(%run_scoped3A_283 : memref<!tpu.dma_semaphore, #tpu.memory_space<semaphore_mem>>)
      %dma_wait3A_292 = arith.constant 0 : i32
      %dma_wait3A_293 = tpu.memref_slice %arg10[%run_scoped3A_34, %dma_wait3A_292] : memref<4x128xi32, #tpu.memory_space<vmem>> -> memref<1x128xi32, #tpu.memory_space<vmem>>
      %dma_wait3A_294 = tpu.memref_squeeze %dma_wait3A_293 : memref<1x128xi32, #tpu.memory_space<vmem>> -> memref<128xi32, #tpu.memory_space<vmem>>
      %dma_wait3A_295 = tpu.memref_slice %arg3[%add3A_33] : memref<16384xi32, #tpu.memory_space<hbm>> -> memref<128xi32, #tpu.memory_space<hbm>>
      %dma_wait3A_296 = arith.constant 0 : i32
      %dma_wait3A_297 = tpu.memref_slice %arg10[%run_scoped3A_34, %dma_wait3A_296] : memref<4x128xi32, #tpu.memory_space<vmem>> -> memref<1x128xi32, #tpu.memory_space<vmem>>
      %dma_wait3A_298 = tpu.memref_squeeze %dma_wait3A_297 : memref<1x128xi32, #tpu.memory_space<vmem>> -> memref<128xi32, #tpu.memory_space<vmem>>
      %dma_wait3A_299 = tpu.memref_slice %arg3[%add3A_33] : memref<16384xi32, #tpu.memory_space<hbm>> -> memref<128xi32, #tpu.memory_space<hbm>>
      tpu.wait_dma2 semaphore(%run_scoped3A_283 : memref<!tpu.dma_semaphore, #tpu.memory_space<semaphore_mem>>) src(%dma_wait3A_299 : memref<128xi32, #tpu.memory_space<hbm>>) dst(%dma_wait3A_298 : memref<128xi32, #tpu.memory_space<vmem>>)
      tpu.yield
    }) : () -> ()
    %add3A_35 = arith.constant 384 : i32
    %add3A_36 = arith.addi %mul3A_2, %add3A_35 : i32
    %run_scoped3A_37 = arith.constant 3 : i32
    "tpu.region"() ({
      %run_scoped3A_283 = tpu.sem_alloc : memref<!tpu.dma_semaphore, #tpu.memory_space<semaphore_mem>>
      %dma_start3A_284 = arith.constant 0 : i32
      %dma_start3A_285 = tpu.memref_slice %arg11[%run_scoped3A_37, %dma_start3A_284] : memref<4x128xi32, #tpu.memory_space<vmem>> -> memref<1x128xi32, #tpu.memory_space<vmem>>
      %dma_start3A_286 = tpu.memref_squeeze %dma_start3A_285 : memref<1x128xi32, #tpu.memory_space<vmem>> -> memref<128xi32, #tpu.memory_space<vmem>>
      %dma_start3A_287 = tpu.memref_slice %arg4[%add3A_36] : memref<16384xi32, #tpu.memory_space<hbm>> -> memref<128xi32, #tpu.memory_space<hbm>>
      %dma_start3A_288 = arith.constant 0 : i32
      %dma_start3A_289 = tpu.memref_slice %arg11[%run_scoped3A_37, %dma_start3A_288] : memref<4x128xi32, #tpu.memory_space<vmem>> -> memref<1x128xi32, #tpu.memory_space<vmem>>
      %dma_start3A_290 = tpu.memref_squeeze %dma_start3A_289 : memref<1x128xi32, #tpu.memory_space<vmem>> -> memref<128xi32, #tpu.memory_space<vmem>>
      %dma_start3A_291 = tpu.memref_slice %arg4[%add3A_36] : memref<16384xi32, #tpu.memory_space<hbm>> -> memref<128xi32, #tpu.memory_space<hbm>>
      tpu.enqueue_dma source(%dma_start3A_291 : memref<128xi32, #tpu.memory_space<hbm>>) target(%dma_start3A_290 : memref<128xi32, #tpu.memory_space<vmem>>) target_semaphore(%run_scoped3A_283 : memref<!tpu.dma_semaphore, #tpu.memory_space<semaphore_mem>>)
      %dma_wait3A_292 = arith.constant 0 : i32
      %dma_wait3A_293 = tpu.memref_slice %arg11[%run_scoped3A_37, %dma_wait3A_292] : memref<4x128xi32, #tpu.memory_space<vmem>> -> memref<1x128xi32, #tpu.memory_space<vmem>>
      %dma_wait3A_294 = tpu.memref_squeeze %dma_wait3A_293 : memref<1x128xi32, #tpu.memory_space<vmem>> -> memref<128xi32, #tpu.memory_space<vmem>>
      %dma_wait3A_295 = tpu.memref_slice %arg4[%add3A_36] : memref<16384xi32, #tpu.memory_space<hbm>> -> memref<128xi32, #tpu.memory_space<hbm>>
      %dma_wait3A_296 = arith.constant 0 : i32
      %dma_wait3A_297 = tpu.memref_slice %arg11[%run_scoped3A_37, %dma_wait3A_296] : memref<4x128xi32, #tpu.memory_space<vmem>> -> memref<1x128xi32, #tpu.memory_space<vmem>>
      %dma_wait3A_298 = tpu.memref_squeeze %dma_wait3A_297 : memref<1x128xi32, #tpu.memory_space<vmem>> -> memref<128xi32, #tpu.memory_space<vmem>>
      %dma_wait3A_299 = tpu.memref_slice %arg4[%add3A_36] : memref<16384xi32, #tpu.memory_space<hbm>> -> memref<128xi32, #tpu.memory_space<hbm>>
      tpu.wait_dma2 semaphore(%run_scoped3A_283 : memref<!tpu.dma_semaphore, #tpu.memory_space<semaphore_mem>>) src(%dma_wait3A_299 : memref<128xi32, #tpu.memory_space<hbm>>) dst(%dma_wait3A_298 : memref<128xi32, #tpu.memory_space<vmem>>)
      tpu.yield
    }) : () -> ()
    %dma_start3A = arith.constant 0 : i32
    %dma_start3A_38 = arith.constant 0 : i32
    %dma_start3A_39 = arith.constant 0 : i32
    %dma_start3A_40 = tpu.memref_slice %arg12[%dma_start3A_38, %dma_start3A_39] : memref<512x64xf32, #tpu.memory_space<vmem>> -> memref<128x64xf32, #tpu.memory_space<vmem>>
    %dma_start3A_41 = arith.constant 0 : i32
    %dma_start3A_42 = tpu.memref_slice %arg9[%dma_start3A, %dma_start3A_41] : memref<4x128xi32, #tpu.memory_space<vmem>> -> memref<1x128xi32, #tpu.memory_space<vmem>>
    %dma_start3A_43 = tpu.memref_squeeze %dma_start3A_42 : memref<1x128xi32, #tpu.memory_space<vmem>> -> memref<128xi32, #tpu.memory_space<vmem>>
    %dma_start3A_44 = arith.constant 0 : i32
    %dma_start3A_45 = arith.constant 0 : i32
    %dma_start3A_46 = tpu.memref_slice %arg5[%dma_start3A_44, %dma_start3A_45] : memref<1000000x64xf32, #tpu.memory_space<hbm>> -> memref<1000000x64xf32, #tpu.memory_space<hbm>>
    tpu.enqueue_indirect_dma source(%dma_start3A_46 : memref<1000000x64xf32, #tpu.memory_space<hbm>>) target(%dma_start3A_40 : memref<128x64xf32, #tpu.memory_space<vmem>>) offsets(%dma_start3A_43 : memref<128xi32, #tpu.memory_space<vmem>>) semaphore(%arg17 : memref<!tpu.dma_semaphore, #tpu.memory_space<semaphore_mem>>)
    %dma_start3A_47 = arith.constant 0 : i32
    %dma_start3A_48 = arith.constant 0 : i32
    %dma_start3A_49 = arith.constant 0 : i32
    %dma_start3A_50 = tpu.memref_slice %arg13[%dma_start3A_48, %dma_start3A_49] : memref<512x64xf32, #tpu.memory_space<vmem>> -> memref<128x64xf32, #tpu.memory_space<vmem>>
    %dma_start3A_51 = arith.constant 0 : i32
    %dma_start3A_52 = tpu.memref_slice %arg10[%dma_start3A_47, %dma_start3A_51] : memref<4x128xi32, #tpu.memory_space<vmem>> -> memref<1x128xi32, #tpu.memory_space<vmem>>
    %dma_start3A_53 = tpu.memref_squeeze %dma_start3A_52 : memref<1x128xi32, #tpu.memory_space<vmem>> -> memref<128xi32, #tpu.memory_space<vmem>>
    %dma_start3A_54 = arith.constant 0 : i32
    %dma_start3A_55 = arith.constant 0 : i32
    %dma_start3A_56 = tpu.memref_slice %arg6[%dma_start3A_54, %dma_start3A_55] : memref<1000000x64xf32, #tpu.memory_space<hbm>> -> memref<1000000x64xf32, #tpu.memory_space<hbm>>
    tpu.enqueue_indirect_dma source(%dma_start3A_56 : memref<1000000x64xf32, #tpu.memory_space<hbm>>) target(%dma_start3A_50 : memref<128x64xf32, #tpu.memory_space<vmem>>) offsets(%dma_start3A_53 : memref<128xi32, #tpu.memory_space<vmem>>) semaphore(%arg17 : memref<!tpu.dma_semaphore, #tpu.memory_space<semaphore_mem>>)
    %dma_start3A_57 = arith.constant 0 : i32
    %dma_start3A_58 = arith.constant 0 : i32
    %dma_start3A_59 = arith.constant 0 : i32
    %dma_start3A_60 = tpu.memref_slice %arg14[%dma_start3A_58, %dma_start3A_59] : memref<512x64xf32, #tpu.memory_space<vmem>> -> memref<128x64xf32, #tpu.memory_space<vmem>>
    %dma_start3A_61 = arith.constant 0 : i32
    %dma_start3A_62 = tpu.memref_slice %arg11[%dma_start3A_57, %dma_start3A_61] : memref<4x128xi32, #tpu.memory_space<vmem>> -> memref<1x128xi32, #tpu.memory_space<vmem>>
    %dma_start3A_63 = tpu.memref_squeeze %dma_start3A_62 : memref<1x128xi32, #tpu.memory_space<vmem>> -> memref<128xi32, #tpu.memory_space<vmem>>
    %dma_start3A_64 = arith.constant 0 : i32
    %dma_start3A_65 = arith.constant 0 : i32
    %dma_start3A_66 = tpu.memref_slice %arg6[%dma_start3A_64, %dma_start3A_65] : memref<1000000x64xf32, #tpu.memory_space<hbm>> -> memref<1000000x64xf32, #tpu.memory_space<hbm>>
    tpu.enqueue_indirect_dma source(%dma_start3A_66 : memref<1000000x64xf32, #tpu.memory_space<hbm>>) target(%dma_start3A_60 : memref<128x64xf32, #tpu.memory_space<vmem>>) offsets(%dma_start3A_63 : memref<128xi32, #tpu.memory_space<vmem>>) semaphore(%arg17 : memref<!tpu.dma_semaphore, #tpu.memory_space<semaphore_mem>>)
    %dma_start3A_67 = arith.constant 1 : i32
    %dma_start3A_68 = arith.constant 128 : i32
    %dma_start3A_69 = arith.constant 0 : i32
    %dma_start3A_70 = tpu.memref_slice %arg12[%dma_start3A_68, %dma_start3A_69] : memref<512x64xf32, #tpu.memory_space<vmem>> -> memref<128x64xf32, #tpu.memory_space<vmem>>
    %dma_start3A_71 = arith.constant 0 : i32
    %dma_start3A_72 = tpu.memref_slice %arg9[%dma_start3A_67, %dma_start3A_71] : memref<4x128xi32, #tpu.memory_space<vmem>> -> memref<1x128xi32, #tpu.memory_space<vmem>>
    %dma_start3A_73 = tpu.memref_squeeze %dma_start3A_72 : memref<1x128xi32, #tpu.memory_space<vmem>> -> memref<128xi32, #tpu.memory_space<vmem>>
    %dma_start3A_74 = arith.constant 0 : i32
    %dma_start3A_75 = arith.constant 0 : i32
    %dma_start3A_76 = tpu.memref_slice %arg5[%dma_start3A_74, %dma_start3A_75] : memref<1000000x64xf32, #tpu.memory_space<hbm>> -> memref<1000000x64xf32, #tpu.memory_space<hbm>>
    tpu.enqueue_indirect_dma source(%dma_start3A_76 : memref<1000000x64xf32, #tpu.memory_space<hbm>>) target(%dma_start3A_70 : memref<128x64xf32, #tpu.memory_space<vmem>>) offsets(%dma_start3A_73 : memref<128xi32, #tpu.memory_space<vmem>>) semaphore(%arg17 : memref<!tpu.dma_semaphore, #tpu.memory_space<semaphore_mem>>)
    %dma_start3A_77 = arith.constant 1 : i32
    %dma_start3A_78 = arith.constant 128 : i32
    %dma_start3A_79 = arith.constant 0 : i32
    %dma_start3A_80 = tpu.memref_slice %arg13[%dma_start3A_78, %dma_start3A_79] : memref<512x64xf32, #tpu.memory_space<vmem>> -> memref<128x64xf32, #tpu.memory_space<vmem>>
    %dma_start3A_81 = arith.constant 0 : i32
    %dma_start3A_82 = tpu.memref_slice %arg10[%dma_start3A_77, %dma_start3A_81] : memref<4x128xi32, #tpu.memory_space<vmem>> -> memref<1x128xi32, #tpu.memory_space<vmem>>
    %dma_start3A_83 = tpu.memref_squeeze %dma_start3A_82 : memref<1x128xi32, #tpu.memory_space<vmem>> -> memref<128xi32, #tpu.memory_space<vmem>>
    %dma_start3A_84 = arith.constant 0 : i32
    %dma_start3A_85 = arith.constant 0 : i32
    %dma_start3A_86 = tpu.memref_slice %arg6[%dma_start3A_84, %dma_start3A_85] : memref<1000000x64xf32, #tpu.memory_space<hbm>> -> memref<1000000x64xf32, #tpu.memory_space<hbm>>
    tpu.enqueue_indirect_dma source(%dma_start3A_86 : memref<1000000x64xf32, #tpu.memory_space<hbm>>) target(%dma_start3A_80 : memref<128x64xf32, #tpu.memory_space<vmem>>) offsets(%dma_start3A_83 : memref<128xi32, #tpu.memory_space<vmem>>) semaphore(%arg17 : memref<!tpu.dma_semaphore, #tpu.memory_space<semaphore_mem>>)
    %dma_start3A_87 = arith.constant 1 : i32
    %dma_start3A_88 = arith.constant 128 : i32
    %dma_start3A_89 = arith.constant 0 : i32
    %dma_start3A_90 = tpu.memref_slice %arg14[%dma_start3A_88, %dma_start3A_89] : memref<512x64xf32, #tpu.memory_space<vmem>> -> memref<128x64xf32, #tpu.memory_space<vmem>>
    %dma_start3A_91 = arith.constant 0 : i32
    %dma_start3A_92 = tpu.memref_slice %arg11[%dma_start3A_87, %dma_start3A_91] : memref<4x128xi32, #tpu.memory_space<vmem>> -> memref<1x128xi32, #tpu.memory_space<vmem>>
    %dma_start3A_93 = tpu.memref_squeeze %dma_start3A_92 : memref<1x128xi32, #tpu.memory_space<vmem>> -> memref<128xi32, #tpu.memory_space<vmem>>
    %dma_start3A_94 = arith.constant 0 : i32
    %dma_start3A_95 = arith.constant 0 : i32
    %dma_start3A_96 = tpu.memref_slice %arg6[%dma_start3A_94, %dma_start3A_95] : memref<1000000x64xf32, #tpu.memory_space<hbm>> -> memref<1000000x64xf32, #tpu.memory_space<hbm>>
    tpu.enqueue_indirect_dma source(%dma_start3A_96 : memref<1000000x64xf32, #tpu.memory_space<hbm>>) target(%dma_start3A_90 : memref<128x64xf32, #tpu.memory_space<vmem>>) offsets(%dma_start3A_93 : memref<128xi32, #tpu.memory_space<vmem>>) semaphore(%arg17 : memref<!tpu.dma_semaphore, #tpu.memory_space<semaphore_mem>>)
    %dma_start3A_97 = arith.constant 2 : i32
    %dma_start3A_98 = arith.constant 256 : i32
    %dma_start3A_99 = arith.constant 0 : i32
    %dma_start3A_100 = tpu.memref_slice %arg12[%dma_start3A_98, %dma_start3A_99] : memref<512x64xf32, #tpu.memory_space<vmem>> -> memref<128x64xf32, #tpu.memory_space<vmem>>
    %dma_start3A_101 = arith.constant 0 : i32
    %dma_start3A_102 = tpu.memref_slice %arg9[%dma_start3A_97, %dma_start3A_101] : memref<4x128xi32, #tpu.memory_space<vmem>> -> memref<1x128xi32, #tpu.memory_space<vmem>>
    %dma_start3A_103 = tpu.memref_squeeze %dma_start3A_102 : memref<1x128xi32, #tpu.memory_space<vmem>> -> memref<128xi32, #tpu.memory_space<vmem>>
    %dma_start3A_104 = arith.constant 0 : i32
    %dma_start3A_105 = arith.constant 0 : i32
    %dma_start3A_106 = tpu.memref_slice %arg5[%dma_start3A_104, %dma_start3A_105] : memref<1000000x64xf32, #tpu.memory_space<hbm>> -> memref<1000000x64xf32, #tpu.memory_space<hbm>>
    tpu.enqueue_indirect_dma source(%dma_start3A_106 : memref<1000000x64xf32, #tpu.memory_space<hbm>>) target(%dma_start3A_100 : memref<128x64xf32, #tpu.memory_space<vmem>>) offsets(%dma_start3A_103 : memref<128xi32, #tpu.memory_space<vmem>>) semaphore(%arg17 : memref<!tpu.dma_semaphore, #tpu.memory_space<semaphore_mem>>)
    %dma_start3A_107 = arith.constant 2 : i32
    %dma_start3A_108 = arith.constant 256 : i32
    %dma_start3A_109 = arith.constant 0 : i32
    %dma_start3A_110 = tpu.memref_slice %arg13[%dma_start3A_108, %dma_start3A_109] : memref<512x64xf32, #tpu.memory_space<vmem>> -> memref<128x64xf32, #tpu.memory_space<vmem>>
    %dma_start3A_111 = arith.constant 0 : i32
    %dma_start3A_112 = tpu.memref_slice %arg10[%dma_start3A_107, %dma_start3A_111] : memref<4x128xi32, #tpu.memory_space<vmem>> -> memref<1x128xi32, #tpu.memory_space<vmem>>
    %dma_start3A_113 = tpu.memref_squeeze %dma_start3A_112 : memref<1x128xi32, #tpu.memory_space<vmem>> -> memref<128xi32, #tpu.memory_space<vmem>>
    %dma_start3A_114 = arith.constant 0 : i32
    %dma_start3A_115 = arith.constant 0 : i32
    %dma_start3A_116 = tpu.memref_slice %arg6[%dma_start3A_114, %dma_start3A_115] : memref<1000000x64xf32, #tpu.memory_space<hbm>> -> memref<1000000x64xf32, #tpu.memory_space<hbm>>
    tpu.enqueue_indirect_dma source(%dma_start3A_116 : memref<1000000x64xf32, #tpu.memory_space<hbm>>) target(%dma_start3A_110 : memref<128x64xf32, #tpu.memory_space<vmem>>) offsets(%dma_start3A_113 : memref<128xi32, #tpu.memory_space<vmem>>) semaphore(%arg17 : memref<!tpu.dma_semaphore, #tpu.memory_space<semaphore_mem>>)
    %dma_start3A_117 = arith.constant 2 : i32
    %dma_start3A_118 = arith.constant 256 : i32
    %dma_start3A_119 = arith.constant 0 : i32
    %dma_start3A_120 = tpu.memref_slice %arg14[%dma_start3A_118, %dma_start3A_119] : memref<512x64xf32, #tpu.memory_space<vmem>> -> memref<128x64xf32, #tpu.memory_space<vmem>>
    %dma_start3A_121 = arith.constant 0 : i32
    %dma_start3A_122 = tpu.memref_slice %arg11[%dma_start3A_117, %dma_start3A_121] : memref<4x128xi32, #tpu.memory_space<vmem>> -> memref<1x128xi32, #tpu.memory_space<vmem>>
    %dma_start3A_123 = tpu.memref_squeeze %dma_start3A_122 : memref<1x128xi32, #tpu.memory_space<vmem>> -> memref<128xi32, #tpu.memory_space<vmem>>
    %dma_start3A_124 = arith.constant 0 : i32
    %dma_start3A_125 = arith.constant 0 : i32
    %dma_start3A_126 = tpu.memref_slice %arg6[%dma_start3A_124, %dma_start3A_125] : memref<1000000x64xf32, #tpu.memory_space<hbm>> -> memref<1000000x64xf32, #tpu.memory_space<hbm>>
    tpu.enqueue_indirect_dma source(%dma_start3A_126 : memref<1000000x64xf32, #tpu.memory_space<hbm>>) target(%dma_start3A_120 : memref<128x64xf32, #tpu.memory_space<vmem>>) offsets(%dma_start3A_123 : memref<128xi32, #tpu.memory_space<vmem>>) semaphore(%arg17 : memref<!tpu.dma_semaphore, #tpu.memory_space<semaphore_mem>>)
    %dma_start3A_127 = arith.constant 3 : i32
    %dma_start3A_128 = arith.constant 384 : i32
    %dma_start3A_129 = arith.constant 0 : i32
    %dma_start3A_130 = tpu.memref_slice %arg12[%dma_start3A_128, %dma_start3A_129] : memref<512x64xf32, #tpu.memory_space<vmem>> -> memref<128x64xf32, #tpu.memory_space<vmem>>
    %dma_start3A_131 = arith.constant 0 : i32
    %dma_start3A_132 = tpu.memref_slice %arg9[%dma_start3A_127, %dma_start3A_131] : memref<4x128xi32, #tpu.memory_space<vmem>> -> memref<1x128xi32, #tpu.memory_space<vmem>>
    %dma_start3A_133 = tpu.memref_squeeze %dma_start3A_132 : memref<1x128xi32, #tpu.memory_space<vmem>> -> memref<128xi32, #tpu.memory_space<vmem>>
    %dma_start3A_134 = arith.constant 0 : i32
    %dma_start3A_135 = arith.constant 0 : i32
    %dma_start3A_136 = tpu.memref_slice %arg5[%dma_start3A_134, %dma_start3A_135] : memref<1000000x64xf32, #tpu.memory_space<hbm>> -> memref<1000000x64xf32, #tpu.memory_space<hbm>>
    tpu.enqueue_indirect_dma source(%dma_start3A_136 : memref<1000000x64xf32, #tpu.memory_space<hbm>>) target(%dma_start3A_130 : memref<128x64xf32, #tpu.memory_space<vmem>>) offsets(%dma_start3A_133 : memref<128xi32, #tpu.memory_space<vmem>>) semaphore(%arg17 : memref<!tpu.dma_semaphore, #tpu.memory_space<semaphore_mem>>)
    %dma_start3A_137 = arith.constant 3 : i32
    %dma_start3A_138 = arith.constant 384 : i32
    %dma_start3A_139 = arith.constant 0 : i32
    %dma_start3A_140 = tpu.memref_slice %arg13[%dma_start3A_138, %dma_start3A_139] : memref<512x64xf32, #tpu.memory_space<vmem>> -> memref<128x64xf32, #tpu.memory_space<vmem>>
    %dma_start3A_141 = arith.constant 0 : i32
    %dma_start3A_142 = tpu.memref_slice %arg10[%dma_start3A_137, %dma_start3A_141] : memref<4x128xi32, #tpu.memory_space<vmem>> -> memref<1x128xi32, #tpu.memory_space<vmem>>
    %dma_start3A_143 = tpu.memref_squeeze %dma_start3A_142 : memref<1x128xi32, #tpu.memory_space<vmem>> -> memref<128xi32, #tpu.memory_space<vmem>>
    %dma_start3A_144 = arith.constant 0 : i32
    %dma_start3A_145 = arith.constant 0 : i32
    %dma_start3A_146 = tpu.memref_slice %arg6[%dma_start3A_144, %dma_start3A_145] : memref<1000000x64xf32, #tpu.memory_space<hbm>> -> memref<1000000x64xf32, #tpu.memory_space<hbm>>
    tpu.enqueue_indirect_dma source(%dma_start3A_146 : memref<1000000x64xf32, #tpu.memory_space<hbm>>) target(%dma_start3A_140 : memref<128x64xf32, #tpu.memory_space<vmem>>) offsets(%dma_start3A_143 : memref<128xi32, #tpu.memory_space<vmem>>) semaphore(%arg17 : memref<!tpu.dma_semaphore, #tpu.memory_space<semaphore_mem>>)
    %dma_start3A_147 = arith.constant 3 : i32
    %dma_start3A_148 = arith.constant 384 : i32
    %dma_start3A_149 = arith.constant 0 : i32
    %dma_start3A_150 = tpu.memref_slice %arg14[%dma_start3A_148, %dma_start3A_149] : memref<512x64xf32, #tpu.memory_space<vmem>> -> memref<128x64xf32, #tpu.memory_space<vmem>>
    %dma_start3A_151 = arith.constant 0 : i32
    %dma_start3A_152 = tpu.memref_slice %arg11[%dma_start3A_147, %dma_start3A_151] : memref<4x128xi32, #tpu.memory_space<vmem>> -> memref<1x128xi32, #tpu.memory_space<vmem>>
    %dma_start3A_153 = tpu.memref_squeeze %dma_start3A_152 : memref<1x128xi32, #tpu.memory_space<vmem>> -> memref<128xi32, #tpu.memory_space<vmem>>
    %dma_start3A_154 = arith.constant 0 : i32
    %dma_start3A_155 = arith.constant 0 : i32
    %dma_start3A_156 = tpu.memref_slice %arg6[%dma_start3A_154, %dma_start3A_155] : memref<1000000x64xf32, #tpu.memory_space<hbm>> -> memref<1000000x64xf32, #tpu.memory_space<hbm>>
    tpu.enqueue_indirect_dma source(%dma_start3A_156 : memref<1000000x64xf32, #tpu.memory_space<hbm>>) target(%dma_start3A_150 : memref<128x64xf32, #tpu.memory_space<vmem>>) offsets(%dma_start3A_153 : memref<128xi32, #tpu.memory_space<vmem>>) semaphore(%arg17 : memref<!tpu.dma_semaphore, #tpu.memory_space<semaphore_mem>>)
    %dma_wait3A = arith.constant 0 : i32
    %dma_wait3A_157 = arith.constant 0 : i32
    %dma_wait3A_158 = arith.constant 0 : i32
    %dma_wait3A_159 = tpu.memref_slice %arg12[%dma_wait3A_157, %dma_wait3A_158] : memref<512x64xf32, #tpu.memory_space<vmem>> -> memref<128x64xf32, #tpu.memory_space<vmem>>
    %dma_wait3A_160 = arith.constant 0 : i32
    %dma_wait3A_161 = tpu.memref_slice %arg9[%dma_wait3A, %dma_wait3A_160] : memref<4x128xi32, #tpu.memory_space<vmem>> -> memref<1x128xi32, #tpu.memory_space<vmem>>
    %dma_wait3A_162 = tpu.memref_squeeze %dma_wait3A_161 : memref<1x128xi32, #tpu.memory_space<vmem>> -> memref<128xi32, #tpu.memory_space<vmem>>
    %dma_wait3A_163 = arith.constant 0 : i32
    %dma_wait3A_164 = arith.constant 0 : i32
    %dma_wait3A_165 = tpu.memref_slice %arg5[%dma_wait3A_163, %dma_wait3A_164] : memref<1000000x64xf32, #tpu.memory_space<hbm>> -> memref<1000000x64xf32, #tpu.memory_space<hbm>>
    tpu.wait_indirect_dma semaphore(%arg17 : memref<!tpu.dma_semaphore, #tpu.memory_space<semaphore_mem>>) src(%dma_wait3A_165 : memref<1000000x64xf32, #tpu.memory_space<hbm>>) dst(%dma_wait3A_159 : memref<128x64xf32, #tpu.memory_space<vmem>>)
    %dma_wait3A_166 = arith.constant 0 : i32
    %dma_wait3A_167 = arith.constant 0 : i32
    %dma_wait3A_168 = arith.constant 0 : i32
    %dma_wait3A_169 = tpu.memref_slice %arg13[%dma_wait3A_167, %dma_wait3A_168] : memref<512x64xf32, #tpu.memory_space<vmem>> -> memref<128x64xf32, #tpu.memory_space<vmem>>
    %dma_wait3A_170 = arith.constant 0 : i32
    %dma_wait3A_171 = tpu.memref_slice %arg10[%dma_wait3A_166, %dma_wait3A_170] : memref<4x128xi32, #tpu.memory_space<vmem>> -> memref<1x128xi32, #tpu.memory_space<vmem>>
    %dma_wait3A_172 = tpu.memref_squeeze %dma_wait3A_171 : memref<1x128xi32, #tpu.memory_space<vmem>> -> memref<128xi32, #tpu.memory_space<vmem>>
    %dma_wait3A_173 = arith.constant 0 : i32
    %dma_wait3A_174 = arith.constant 0 : i32
    %dma_wait3A_175 = tpu.memref_slice %arg6[%dma_wait3A_173, %dma_wait3A_174] : memref<1000000x64xf32, #tpu.memory_space<hbm>> -> memref<1000000x64xf32, #tpu.memory_space<hbm>>
    tpu.wait_indirect_dma semaphore(%arg17 : memref<!tpu.dma_semaphore, #tpu.memory_space<semaphore_mem>>) src(%dma_wait3A_175 : memref<1000000x64xf32, #tpu.memory_space<hbm>>) dst(%dma_wait3A_169 : memref<128x64xf32, #tpu.memory_space<vmem>>)
    %dma_wait3A_176 = arith.constant 0 : i32
    %dma_wait3A_177 = arith.constant 0 : i32
    %dma_wait3A_178 = arith.constant 0 : i32
    %dma_wait3A_179 = tpu.memref_slice %arg14[%dma_wait3A_177, %dma_wait3A_178] : memref<512x64xf32, #tpu.memory_space<vmem>> -> memref<128x64xf32, #tpu.memory_space<vmem>>
    %dma_wait3A_180 = arith.constant 0 : i32
    %dma_wait3A_181 = tpu.memref_slice %arg11[%dma_wait3A_176, %dma_wait3A_180] : memref<4x128xi32, #tpu.memory_space<vmem>> -> memref<1x128xi32, #tpu.memory_space<vmem>>
    %dma_wait3A_182 = tpu.memref_squeeze %dma_wait3A_181 : memref<1x128xi32, #tpu.memory_space<vmem>> -> memref<128xi32, #tpu.memory_space<vmem>>
    %dma_wait3A_183 = arith.constant 0 : i32
    %dma_wait3A_184 = arith.constant 0 : i32
    %dma_wait3A_185 = tpu.memref_slice %arg6[%dma_wait3A_183, %dma_wait3A_184] : memref<1000000x64xf32, #tpu.memory_space<hbm>> -> memref<1000000x64xf32, #tpu.memory_space<hbm>>
    tpu.wait_indirect_dma semaphore(%arg17 : memref<!tpu.dma_semaphore, #tpu.memory_space<semaphore_mem>>) src(%dma_wait3A_185 : memref<1000000x64xf32, #tpu.memory_space<hbm>>) dst(%dma_wait3A_179 : memref<128x64xf32, #tpu.memory_space<vmem>>)
    %dma_wait3A_186 = arith.constant 1 : i32
    %dma_wait3A_187 = arith.constant 128 : i32
    %dma_wait3A_188 = arith.constant 0 : i32
    %dma_wait3A_189 = tpu.memref_slice %arg12[%dma_wait3A_187, %dma_wait3A_188] : memref<512x64xf32, #tpu.memory_space<vmem>> -> memref<128x64xf32, #tpu.memory_space<vmem>>
    %dma_wait3A_190 = arith.constant 0 : i32
    %dma_wait3A_191 = tpu.memref_slice %arg9[%dma_wait3A_186, %dma_wait3A_190] : memref<4x128xi32, #tpu.memory_space<vmem>> -> memref<1x128xi32, #tpu.memory_space<vmem>>
    %dma_wait3A_192 = tpu.memref_squeeze %dma_wait3A_191 : memref<1x128xi32, #tpu.memory_space<vmem>> -> memref<128xi32, #tpu.memory_space<vmem>>
    %dma_wait3A_193 = arith.constant 0 : i32
    %dma_wait3A_194 = arith.constant 0 : i32
    %dma_wait3A_195 = tpu.memref_slice %arg5[%dma_wait3A_193, %dma_wait3A_194] : memref<1000000x64xf32, #tpu.memory_space<hbm>> -> memref<1000000x64xf32, #tpu.memory_space<hbm>>
    tpu.wait_indirect_dma semaphore(%arg17 : memref<!tpu.dma_semaphore, #tpu.memory_space<semaphore_mem>>) src(%dma_wait3A_195 : memref<1000000x64xf32, #tpu.memory_space<hbm>>) dst(%dma_wait3A_189 : memref<128x64xf32, #tpu.memory_space<vmem>>)
    %dma_wait3A_196 = arith.constant 1 : i32
    %dma_wait3A_197 = arith.constant 128 : i32
    %dma_wait3A_198 = arith.constant 0 : i32
    %dma_wait3A_199 = tpu.memref_slice %arg13[%dma_wait3A_197, %dma_wait3A_198] : memref<512x64xf32, #tpu.memory_space<vmem>> -> memref<128x64xf32, #tpu.memory_space<vmem>>
    %dma_wait3A_200 = arith.constant 0 : i32
    %dma_wait3A_201 = tpu.memref_slice %arg10[%dma_wait3A_196, %dma_wait3A_200] : memref<4x128xi32, #tpu.memory_space<vmem>> -> memref<1x128xi32, #tpu.memory_space<vmem>>
    %dma_wait3A_202 = tpu.memref_squeeze %dma_wait3A_201 : memref<1x128xi32, #tpu.memory_space<vmem>> -> memref<128xi32, #tpu.memory_space<vmem>>
    %dma_wait3A_203 = arith.constant 0 : i32
    %dma_wait3A_204 = arith.constant 0 : i32
    %dma_wait3A_205 = tpu.memref_slice %arg6[%dma_wait3A_203, %dma_wait3A_204] : memref<1000000x64xf32, #tpu.memory_space<hbm>> -> memref<1000000x64xf32, #tpu.memory_space<hbm>>
    tpu.wait_indirect_dma semaphore(%arg17 : memref<!tpu.dma_semaphore, #tpu.memory_space<semaphore_mem>>) src(%dma_wait3A_205 : memref<1000000x64xf32, #tpu.memory_space<hbm>>) dst(%dma_wait3A_199 : memref<128x64xf32, #tpu.memory_space<vmem>>)
    %dma_wait3A_206 = arith.constant 1 : i32
    %dma_wait3A_207 = arith.constant 128 : i32
    %dma_wait3A_208 = arith.constant 0 : i32
    %dma_wait3A_209 = tpu.memref_slice %arg14[%dma_wait3A_207, %dma_wait3A_208] : memref<512x64xf32, #tpu.memory_space<vmem>> -> memref<128x64xf32, #tpu.memory_space<vmem>>
    %dma_wait3A_210 = arith.constant 0 : i32
    %dma_wait3A_211 = tpu.memref_slice %arg11[%dma_wait3A_206, %dma_wait3A_210] : memref<4x128xi32, #tpu.memory_space<vmem>> -> memref<1x128xi32, #tpu.memory_space<vmem>>
    %dma_wait3A_212 = tpu.memref_squeeze %dma_wait3A_211 : memref<1x128xi32, #tpu.memory_space<vmem>> -> memref<128xi32, #tpu.memory_space<vmem>>
    %dma_wait3A_213 = arith.constant 0 : i32
    %dma_wait3A_214 = arith.constant 0 : i32
    %dma_wait3A_215 = tpu.memref_slice %arg6[%dma_wait3A_213, %dma_wait3A_214] : memref<1000000x64xf32, #tpu.memory_space<hbm>> -> memref<1000000x64xf32, #tpu.memory_space<hbm>>
    tpu.wait_indirect_dma semaphore(%arg17 : memref<!tpu.dma_semaphore, #tpu.memory_space<semaphore_mem>>) src(%dma_wait3A_215 : memref<1000000x64xf32, #tpu.memory_space<hbm>>) dst(%dma_wait3A_209 : memref<128x64xf32, #tpu.memory_space<vmem>>)
    %dma_wait3A_216 = arith.constant 2 : i32
    %dma_wait3A_217 = arith.constant 256 : i32
    %dma_wait3A_218 = arith.constant 0 : i32
    %dma_wait3A_219 = tpu.memref_slice %arg12[%dma_wait3A_217, %dma_wait3A_218] : memref<512x64xf32, #tpu.memory_space<vmem>> -> memref<128x64xf32, #tpu.memory_space<vmem>>
    %dma_wait3A_220 = arith.constant 0 : i32
    %dma_wait3A_221 = tpu.memref_slice %arg9[%dma_wait3A_216, %dma_wait3A_220] : memref<4x128xi32, #tpu.memory_space<vmem>> -> memref<1x128xi32, #tpu.memory_space<vmem>>
    %dma_wait3A_222 = tpu.memref_squeeze %dma_wait3A_221 : memref<1x128xi32, #tpu.memory_space<vmem>> -> memref<128xi32, #tpu.memory_space<vmem>>
    %dma_wait3A_223 = arith.constant 0 : i32
    %dma_wait3A_224 = arith.constant 0 : i32
    %dma_wait3A_225 = tpu.memref_slice %arg5[%dma_wait3A_223, %dma_wait3A_224] : memref<1000000x64xf32, #tpu.memory_space<hbm>> -> memref<1000000x64xf32, #tpu.memory_space<hbm>>
    tpu.wait_indirect_dma semaphore(%arg17 : memref<!tpu.dma_semaphore, #tpu.memory_space<semaphore_mem>>) src(%dma_wait3A_225 : memref<1000000x64xf32, #tpu.memory_space<hbm>>) dst(%dma_wait3A_219 : memref<128x64xf32, #tpu.memory_space<vmem>>)
    %dma_wait3A_226 = arith.constant 2 : i32
    %dma_wait3A_227 = arith.constant 256 : i32
    %dma_wait3A_228 = arith.constant 0 : i32
    %dma_wait3A_229 = tpu.memref_slice %arg13[%dma_wait3A_227, %dma_wait3A_228] : memref<512x64xf32, #tpu.memory_space<vmem>> -> memref<128x64xf32, #tpu.memory_space<vmem>>
    %dma_wait3A_230 = arith.constant 0 : i32
    %dma_wait3A_231 = tpu.memref_slice %arg10[%dma_wait3A_226, %dma_wait3A_230] : memref<4x128xi32, #tpu.memory_space<vmem>> -> memref<1x128xi32, #tpu.memory_space<vmem>>
    %dma_wait3A_232 = tpu.memref_squeeze %dma_wait3A_231 : memref<1x128xi32, #tpu.memory_space<vmem>> -> memref<128xi32, #tpu.memory_space<vmem>>
    %dma_wait3A_233 = arith.constant 0 : i32
    %dma_wait3A_234 = arith.constant 0 : i32
    %dma_wait3A_235 = tpu.memref_slice %arg6[%dma_wait3A_233, %dma_wait3A_234] : memref<1000000x64xf32, #tpu.memory_space<hbm>> -> memref<1000000x64xf32, #tpu.memory_space<hbm>>
    tpu.wait_indirect_dma semaphore(%arg17 : memref<!tpu.dma_semaphore, #tpu.memory_space<semaphore_mem>>) src(%dma_wait3A_235 : memref<1000000x64xf32, #tpu.memory_space<hbm>>) dst(%dma_wait3A_229 : memref<128x64xf32, #tpu.memory_space<vmem>>)
    %dma_wait3A_236 = arith.constant 2 : i32
    %dma_wait3A_237 = arith.constant 256 : i32
    %dma_wait3A_238 = arith.constant 0 : i32
    %dma_wait3A_239 = tpu.memref_slice %arg14[%dma_wait3A_237, %dma_wait3A_238] : memref<512x64xf32, #tpu.memory_space<vmem>> -> memref<128x64xf32, #tpu.memory_space<vmem>>
    %dma_wait3A_240 = arith.constant 0 : i32
    %dma_wait3A_241 = tpu.memref_slice %arg11[%dma_wait3A_236, %dma_wait3A_240] : memref<4x128xi32, #tpu.memory_space<vmem>> -> memref<1x128xi32, #tpu.memory_space<vmem>>
    %dma_wait3A_242 = tpu.memref_squeeze %dma_wait3A_241 : memref<1x128xi32, #tpu.memory_space<vmem>> -> memref<128xi32, #tpu.memory_space<vmem>>
    %dma_wait3A_243 = arith.constant 0 : i32
    %dma_wait3A_244 = arith.constant 0 : i32
    %dma_wait3A_245 = tpu.memref_slice %arg6[%dma_wait3A_243, %dma_wait3A_244] : memref<1000000x64xf32, #tpu.memory_space<hbm>> -> memref<1000000x64xf32, #tpu.memory_space<hbm>>
    tpu.wait_indirect_dma semaphore(%arg17 : memref<!tpu.dma_semaphore, #tpu.memory_space<semaphore_mem>>) src(%dma_wait3A_245 : memref<1000000x64xf32, #tpu.memory_space<hbm>>) dst(%dma_wait3A_239 : memref<128x64xf32, #tpu.memory_space<vmem>>)
    %dma_wait3A_246 = arith.constant 3 : i32
    %dma_wait3A_247 = arith.constant 384 : i32
    %dma_wait3A_248 = arith.constant 0 : i32
    %dma_wait3A_249 = tpu.memref_slice %arg12[%dma_wait3A_247, %dma_wait3A_248] : memref<512x64xf32, #tpu.memory_space<vmem>> -> memref<128x64xf32, #tpu.memory_space<vmem>>
    %dma_wait3A_250 = arith.constant 0 : i32
    %dma_wait3A_251 = tpu.memref_slice %arg9[%dma_wait3A_246, %dma_wait3A_250] : memref<4x128xi32, #tpu.memory_space<vmem>> -> memref<1x128xi32, #tpu.memory_space<vmem>>
    %dma_wait3A_252 = tpu.memref_squeeze %dma_wait3A_251 : memref<1x128xi32, #tpu.memory_space<vmem>> -> memref<128xi32, #tpu.memory_space<vmem>>
    %dma_wait3A_253 = arith.constant 0 : i32
    %dma_wait3A_254 = arith.constant 0 : i32
    %dma_wait3A_255 = tpu.memref_slice %arg5[%dma_wait3A_253, %dma_wait3A_254] : memref<1000000x64xf32, #tpu.memory_space<hbm>> -> memref<1000000x64xf32, #tpu.memory_space<hbm>>
    tpu.wait_indirect_dma semaphore(%arg17 : memref<!tpu.dma_semaphore, #tpu.memory_space<semaphore_mem>>) src(%dma_wait3A_255 : memref<1000000x64xf32, #tpu.memory_space<hbm>>) dst(%dma_wait3A_249 : memref<128x64xf32, #tpu.memory_space<vmem>>)
    %dma_wait3A_256 = arith.constant 3 : i32
    %dma_wait3A_257 = arith.constant 384 : i32
    %dma_wait3A_258 = arith.constant 0 : i32
    %dma_wait3A_259 = tpu.memref_slice %arg13[%dma_wait3A_257, %dma_wait3A_258] : memref<512x64xf32, #tpu.memory_space<vmem>> -> memref<128x64xf32, #tpu.memory_space<vmem>>
    %dma_wait3A_260 = arith.constant 0 : i32
    %dma_wait3A_261 = tpu.memref_slice %arg10[%dma_wait3A_256, %dma_wait3A_260] : memref<4x128xi32, #tpu.memory_space<vmem>> -> memref<1x128xi32, #tpu.memory_space<vmem>>
    %dma_wait3A_262 = tpu.memref_squeeze %dma_wait3A_261 : memref<1x128xi32, #tpu.memory_space<vmem>> -> memref<128xi32, #tpu.memory_space<vmem>>
    %dma_wait3A_263 = arith.constant 0 : i32
    %dma_wait3A_264 = arith.constant 0 : i32
    %dma_wait3A_265 = tpu.memref_slice %arg6[%dma_wait3A_263, %dma_wait3A_264] : memref<1000000x64xf32, #tpu.memory_space<hbm>> -> memref<1000000x64xf32, #tpu.memory_space<hbm>>
    tpu.wait_indirect_dma semaphore(%arg17 : memref<!tpu.dma_semaphore, #tpu.memory_space<semaphore_mem>>) src(%dma_wait3A_265 : memref<1000000x64xf32, #tpu.memory_space<hbm>>) dst(%dma_wait3A_259 : memref<128x64xf32, #tpu.memory_space<vmem>>)
    %dma_wait3A_266 = arith.constant 3 : i32
    %dma_wait3A_267 = arith.constant 384 : i32
    %dma_wait3A_268 = arith.constant 0 : i32
    %dma_wait3A_269 = tpu.memref_slice %arg14[%dma_wait3A_267, %dma_wait3A_268] : memref<512x64xf32, #tpu.memory_space<vmem>> -> memref<128x64xf32, #tpu.memory_space<vmem>>
    %dma_wait3A_270 = arith.constant 0 : i32
    %dma_wait3A_271 = tpu.memref_slice %arg11[%dma_wait3A_266, %dma_wait3A_270] : memref<4x128xi32, #tpu.memory_space<vmem>> -> memref<1x128xi32, #tpu.memory_space<vmem>>
    %dma_wait3A_272 = tpu.memref_squeeze %dma_wait3A_271 : memref<1x128xi32, #tpu.memory_space<vmem>> -> memref<128xi32, #tpu.memory_space<vmem>>
    %dma_wait3A_273 = arith.constant 0 : i32
    %dma_wait3A_274 = arith.constant 0 : i32
    %dma_wait3A_275 = tpu.memref_slice %arg6[%dma_wait3A_273, %dma_wait3A_274] : memref<1000000x64xf32, #tpu.memory_space<hbm>> -> memref<1000000x64xf32, #tpu.memory_space<hbm>>
    tpu.wait_indirect_dma semaphore(%arg17 : memref<!tpu.dma_semaphore, #tpu.memory_space<semaphore_mem>>) src(%dma_wait3A_275 : memref<1000000x64xf32, #tpu.memory_space<hbm>>) dst(%dma_wait3A_269 : memref<128x64xf32, #tpu.memory_space<vmem>>)
    %iota3A = tpu.iota {dimensions = array<i32: 0>} : vector<16xi32>
    %broadcast_in_dim3A = arith.constant 0.000000e+00 : f32
    %broadcast_in_dim3A_276 = vector.broadcast %broadcast_in_dim3A : f32 to vector<16xf32>
    %scan3A = arith.constant 0 : i32
    %scan3A_277 = arith.constant 0 : i32
    %scan3A_278 = arith.constant 32 : i32
    %scan3A_279 = arith.addi %scan3A_277, %scan3A_278 : i32
    %scan3A_280 = arith.constant 1 : i32
    %scan3A_281 = scf.for %scan3A_283 = %scan3A_277 to %scan3A_279 step %scan3A_280 iter_args(%scan3A_284 = %scan3A) -> (i32)  : i32 {
      %mul3A_285 = arith.constant 16 : i32
      %mul3A_286 = arith.muli %scan3A_283, %mul3A_285 : i32
      %add3A_287 = arith.constant 0 : i32
      %add3A_288 = arith.addi %mul3A_286, %add3A_287 : i32
      %get3A = arith.index_cast %add3A_288 : i32 to index
      %get3A_289 = arith.constant 0 : index
      %get3A_290 = tpu.vector_load %arg12[%get3A, %get3A_289] {strides = array<i32>} : memref<512x64xf32, #tpu.memory_space<vmem>>, vector<16xf32>,
      %get3A_291 = arith.index_cast %add3A_288 : i32 to index
      %get3A_292 = arith.constant 0 : index
      %get3A_293 = tpu.vector_load %arg13[%get3A_291, %get3A_292] {strides = array<i32>} : memref<512x64xf32, #tpu.memory_space<vmem>>, vector<16xf32>,
      %mul3A_294 = arith.mulf %get3A_290, %get3A_293 : vector<16xf32>
      %add3A_295 = arith.addf %broadcast_in_dim3A_276, %mul3A_294 : vector<16xf32>
      %get3A_296 = arith.index_cast %add3A_288 : i32 to index
      %get3A_297 = arith.constant 0 : index
      %get3A_298 = tpu.vector_load %arg14[%get3A_296, %get3A_297] {strides = array<i32>} : memref<512x64xf32, #tpu.memory_space<vmem>>, vector<16xf32>,
      %mul3A_299 = arith.mulf %get3A_290, %get3A_298 : vector<16xf32>
      %add3A_300 = arith.addf %broadcast_in_dim3A_276, %mul3A_299 : vector<16xf32>
      %get3A_301 = arith.index_cast %add3A_288 : i32 to index
      %get3A_302 = arith.constant 16 : index
      %get3A_303 = tpu.vector_load %arg12[%get3A_301, %get3A_302] {strides = array<i32>} : memref<512x64xf32, #tpu.memory_space<vmem>>, vector<16xf32>,
      %get3A_304 = arith.index_cast %add3A_288 : i32 to index
      %get3A_305 = arith.constant 16 : index
      %get3A_306 = tpu.vector_load %arg13[%get3A_304, %get3A_305] {strides = array<i32>} : memref<512x64xf32, #tpu.memory_space<vmem>>, vector<16xf32>,
      %mul3A_307 = arith.mulf %get3A_303, %get3A_306 : vector<16xf32>
      %add3A_308 = arith.addf %add3A_295, %mul3A_307 : vector<16xf32>
      %get3A_309 = arith.index_cast %add3A_288 : i32 to index
      %get3A_310 = arith.constant 16 : index
      %get3A_311 = tpu.vector_load %arg14[%get3A_309, %get3A_310] {strides = array<i32>} : memref<512x64xf32, #tpu.memory_space<vmem>>, vector<16xf32>,
      %mul3A_312 = arith.mulf %get3A_303, %get3A_311 : vector<16xf32>
      %add3A_313 = arith.addf %add3A_300, %mul3A_312 : vector<16xf32>
      %get3A_314 = arith.index_cast %add3A_288 : i32 to index
      %get3A_315 = arith.constant 32 : index
      %get3A_316 = tpu.vector_load %arg12[%get3A_314, %get3A_315] {strides = array<i32>} : memref<512x64xf32, #tpu.memory_space<vmem>>, vector<16xf32>,
      %get3A_317 = arith.index_cast %add3A_288 : i32 to index
      %get3A_318 = arith.constant 32 : index
      %get3A_319 = tpu.vector_load %arg13[%get3A_317, %get3A_318] {strides = array<i32>} : memref<512x64xf32, #tpu.memory_space<vmem>>, vector<16xf32>,
      %mul3A_320 = arith.mulf %get3A_316, %get3A_319 : vector<16xf32>
      %add3A_321 = arith.addf %add3A_308, %mul3A_320 : vector<16xf32>
      %get3A_322 = arith.index_cast %add3A_288 : i32 to index
      %get3A_323 = arith.constant 32 : index
      %get3A_324 = tpu.vector_load %arg14[%get3A_322, %get3A_323] {strides = array<i32>} : memref<512x64xf32, #tpu.memory_space<vmem>>, vector<16xf32>,
      %mul3A_325 = arith.mulf %get3A_316, %get3A_324 : vector<16xf32>
      %add3A_326 = arith.addf %add3A_313, %mul3A_325 : vector<16xf32>
      %get3A_327 = arith.index_cast %add3A_288 : i32 to index
      %get3A_328 = arith.constant 48 : index
      %get3A_329 = tpu.vector_load %arg12[%get3A_327, %get3A_328] {strides = array<i32>} : memref<512x64xf32, #tpu.memory_space<vmem>>, vector<16xf32>,
      %get3A_330 = arith.index_cast %add3A_288 : i32 to index
      %get3A_331 = arith.constant 48 : index
      %get3A_332 = tpu.vector_load %arg13[%get3A_330, %get3A_331] {strides = array<i32>} : memref<512x64xf32, #tpu.memory_space<vmem>>, vector<16xf32>,
      %mul3A_333 = arith.mulf %get3A_329, %get3A_332 : vector<16xf32>
      %add3A_334 = arith.addf %add3A_321, %mul3A_333 : vector<16xf32>
      %get3A_335 = arith.index_cast %add3A_288 : i32 to index
      %get3A_336 = arith.constant 48 : index
      %get3A_337 = tpu.vector_load %arg14[%get3A_335, %get3A_336] {strides = array<i32>} : memref<512x64xf32, #tpu.memory_space<vmem>>, vector<16xf32>,
      %mul3A_338 = arith.mulf %get3A_329, %get3A_337 : vector<16xf32>
      %add3A_339 = arith.addf %add3A_326, %mul3A_338 : vector<16xf32>
      %reduce_sum3A = arith.constant true
      %reduce_sum3A_340 = vector.broadcast %reduce_sum3A : i1 to vector<16xi1>
      %reduce_sum3A_341 = tpu.scan <sum>, %add3A_334 masked %reduce_sum3A_340 : vector<16xf32>, vector<16xi1> -> vector<16xf32>
      %reduce_sum3A_342 = vector.extract %reduce_sum3A_341[15] : f32 from vector<16xf32>
      %reduce_sum3A_343 = arith.constant true
      %reduce_sum3A_344 = vector.broadcast %reduce_sum3A_343 : i1 to vector<16xi1>
      %reduce_sum3A_345 = tpu.scan <sum>, %add3A_339 masked %reduce_sum3A_344 : vector<16xf32>, vector<16xi1> -> vector<16xf32>
      %reduce_sum3A_346 = vector.extract %reduce_sum3A_345[15] : f32 from vector<16xf32>
      %eq3A = arith.constant 0 : i32
      %eq3A_347 = vector.broadcast %eq3A : i32 to vector<16xi32>
      %eq3A_348 = arith.cmpi eq, %iota3A, %eq3A_347 : vector<16xi32>
      %broadcast_in_dim3A_349 = vector.broadcast %reduce_sum3A_342 : f32 to vector<16xf32>
      %select_n3A = arith.select %eq3A_348, %broadcast_in_dim3A_349, %broadcast_in_dim3A_276 : vector<16xi1>, vector<16xf32>
      %broadcast_in_dim3A_350 = vector.broadcast %reduce_sum3A_346 : f32 to vector<16xf32>
      %select_n3A_351 = arith.select %eq3A_348, %broadcast_in_dim3A_350, %broadcast_in_dim3A_276 : vector<16xi1>, vector<16xf32>
      %add3A_352 = arith.constant 1 : i32
      %add3A_353 = arith.addi %mul3A_286, %add3A_352 : i32
      %get3A_354 = arith.index_cast %add3A_353 : i32 to index
      %get3A_355 = arith.constant 0 : index
      %get3A_356 = tpu.vector_load %arg12[%get3A_354, %get3A_355] {strides = array<i32>} : memref<512x64xf32, #tpu.memory_space<vmem>>, vector<16xf32>,
      %get3A_357 = arith.index_cast %add3A_353 : i32 to index
      %get3A_358 = arith.constant 0 : index
      %get3A_359 = tpu.vector_load %arg13[%get3A_357, %get3A_358] {strides = array<i32>} : memref<512x64xf32, #tpu.memory_space<vmem>>, vector<16xf32>,
      %mul3A_360 = arith.mulf %get3A_356, %get3A_359 : vector<16xf32>
      %add3A_361 = arith.addf %broadcast_in_dim3A_276, %mul3A_360 : vector<16xf32>
      %get3A_362 = arith.index_cast %add3A_353 : i32 to index
      %get3A_363 = arith.constant 0 : index
      %get3A_364 = tpu.vector_load %arg14[%get3A_362, %get3A_363] {strides = array<i32>} : memref<512x64xf32, #tpu.memory_space<vmem>>, vector<16xf32>,
      %mul3A_365 = arith.mulf %get3A_356, %get3A_364 : vector<16xf32>
      %add3A_366 = arith.addf %broadcast_in_dim3A_276, %mul3A_365 : vector<16xf32>
      %get3A_367 = arith.index_cast %add3A_353 : i32 to index
      %get3A_368 = arith.constant 16 : index
      %get3A_369 = tpu.vector_load %arg12[%get3A_367, %get3A_368] {strides = array<i32>} : memref<512x64xf32, #tpu.memory_space<vmem>>, vector<16xf32>,
      %get3A_370 = arith.index_cast %add3A_353 : i32 to index
      %get3A_371 = arith.constant 16 : index
      %get3A_372 = tpu.vector_load %arg13[%get3A_370, %get3A_371] {strides = array<i32>} : memref<512x64xf32, #tpu.memory_space<vmem>>, vector<16xf32>,
      %mul3A_373 = arith.mulf %get3A_369, %get3A_372 : vector<16xf32>
      %add3A_374 = arith.addf %add3A_361, %mul3A_373 : vector<16xf32>
      %get3A_375 = arith.index_cast %add3A_353 : i32 to index
      %get3A_376 = arith.constant 16 : index
      %get3A_377 = tpu.vector_load %arg14[%get3A_375, %get3A_376] {strides = array<i32>} : memref<512x64xf32, #tpu.memory_space<vmem>>, vector<16xf32>,
      %mul3A_378 = arith.mulf %get3A_369, %get3A_377 : vector<16xf32>
      %add3A_379 = arith.addf %add3A_366, %mul3A_378 : vector<16xf32>
      %get3A_380 = arith.index_cast %add3A_353 : i32 to index
      %get3A_381 = arith.constant 32 : index
      %get3A_382 = tpu.vector_load %arg12[%get3A_380, %get3A_381] {strides = array<i32>} : memref<512x64xf32, #tpu.memory_space<vmem>>, vector<16xf32>,
      %get3A_383 = arith.index_cast %add3A_353 : i32 to index
      %get3A_384 = arith.constant 32 : index
      %get3A_385 = tpu.vector_load %arg13[%get3A_383, %get3A_384] {strides = array<i32>} : memref<512x64xf32, #tpu.memory_space<vmem>>, vector<16xf32>,
      %mul3A_386 = arith.mulf %get3A_382, %get3A_385 : vector<16xf32>
      %add3A_387 = arith.addf %add3A_374, %mul3A_386 : vector<16xf32>
      %get3A_388 = arith.index_cast %add3A_353 : i32 to index
      %get3A_389 = arith.constant 32 : index
      %get3A_390 = tpu.vector_load %arg14[%get3A_388, %get3A_389] {strides = array<i32>} : memref<512x64xf32, #tpu.memory_space<vmem>>, vector<16xf32>,
      %mul3A_391 = arith.mulf %get3A_382, %get3A_390 : vector<16xf32>
      %add3A_392 = arith.addf %add3A_379, %mul3A_391 : vector<16xf32>
      %get3A_393 = arith.index_cast %add3A_353 : i32 to index
      %get3A_394 = arith.constant 48 : index
      %get3A_395 = tpu.vector_load %arg12[%get3A_393, %get3A_394] {strides = array<i32>} : memref<512x64xf32, #tpu.memory_space<vmem>>, vector<16xf32>,
      %get3A_396 = arith.index_cast %add3A_353 : i32 to index
      %get3A_397 = arith.constant 48 : index
      %get3A_398 = tpu.vector_load %arg13[%get3A_396, %get3A_397] {strides = array<i32>} : memref<512x64xf32, #tpu.memory_space<vmem>>, vector<16xf32>,
      %mul3A_399 = arith.mulf %get3A_395, %get3A_398 : vector<16xf32>
      %add3A_400 = arith.addf %add3A_387, %mul3A_399 : vector<16xf32>
      %get3A_401 = arith.index_cast %add3A_353 : i32 to index
      %get3A_402 = arith.constant 48 : index
      %get3A_403 = tpu.vector_load %arg14[%get3A_401, %get3A_402] {strides = array<i32>} : memref<512x64xf32, #tpu.memory_space<vmem>>, vector<16xf32>,
      %mul3A_404 = arith.mulf %get3A_395, %get3A_403 : vector<16xf32>
      %add3A_405 = arith.addf %add3A_392, %mul3A_404 : vector<16xf32>
      %reduce_sum3A_406 = arith.constant true
      %reduce_sum3A_407 = vector.broadcast %reduce_sum3A_406 : i1 to vector<16xi1>
      %reduce_sum3A_408 = tpu.scan <sum>, %add3A_400 masked %reduce_sum3A_407 : vector<16xf32>, vector<16xi1> -> vector<16xf32>
      %reduce_sum3A_409 = vector.extract %reduce_sum3A_408[15] : f32 from vector<16xf32>
      %reduce_sum3A_410 = arith.constant true
      %reduce_sum3A_411 = vector.broadcast %reduce_sum3A_410 : i1 to vector<16xi1>
      %reduce_sum3A_412 = tpu.scan <sum>, %add3A_405 masked %reduce_sum3A_411 : vector<16xf32>, vector<16xi1> -> vector<16xf32>
      %reduce_sum3A_413 = vector.extract %reduce_sum3A_412[15] : f32 from vector<16xf32>
      %eq3A_414 = arith.constant 1 : i32
      %eq3A_415 = vector.broadcast %eq3A_414 : i32 to vector<16xi32>
      %eq3A_416 = arith.cmpi eq, %iota3A, %eq3A_415 : vector<16xi32>
      %broadcast_in_dim3A_417 = vector.broadcast %reduce_sum3A_409 : f32 to vector<16xf32>
      %select_n3A_418 = arith.select %eq3A_416, %broadcast_in_dim3A_417, %select_n3A : vector<16xi1>, vector<16xf32>
      %broadcast_in_dim3A_419 = vector.broadcast %reduce_sum3A_413 : f32 to vector<16xf32>
      %select_n3A_420 = arith.select %eq3A_416, %broadcast_in_dim3A_419, %select_n3A_351 : vector<16xi1>, vector<16xf32>
      %add3A_421 = arith.constant 2 : i32
      %add3A_422 = arith.addi %mul3A_286, %add3A_421 : i32
      %get3A_423 = arith.index_cast %add3A_422 : i32 to index
      %get3A_424 = arith.constant 0 : index
      %get3A_425 = tpu.vector_load %arg12[%get3A_423, %get3A_424] {strides = array<i32>} : memref<512x64xf32, #tpu.memory_space<vmem>>, vector<16xf32>,
      %get3A_426 = arith.index_cast %add3A_422 : i32 to index
      %get3A_427 = arith.constant 0 : index
      %get3A_428 = tpu.vector_load %arg13[%get3A_426, %get3A_427] {strides = array<i32>} : memref<512x64xf32, #tpu.memory_space<vmem>>, vector<16xf32>,
      %mul3A_429 = arith.mulf %get3A_425, %get3A_428 : vector<16xf32>
      %add3A_430 = arith.addf %broadcast_in_dim3A_276, %mul3A_429 : vector<16xf32>
      %get3A_431 = arith.index_cast %add3A_422 : i32 to index
      %get3A_432 = arith.constant 0 : index
      %get3A_433 = tpu.vector_load %arg14[%get3A_431, %get3A_432] {strides = array<i32>} : memref<512x64xf32, #tpu.memory_space<vmem>>, vector<16xf32>,
      %mul3A_434 = arith.mulf %get3A_425, %get3A_433 : vector<16xf32>
      %add3A_435 = arith.addf %broadcast_in_dim3A_276, %mul3A_434 : vector<16xf32>
      %get3A_436 = arith.index_cast %add3A_422 : i32 to index
      %get3A_437 = arith.constant 16 : index
      %get3A_438 = tpu.vector_load %arg12[%get3A_436, %get3A_437] {strides = array<i32>} : memref<512x64xf32, #tpu.memory_space<vmem>>, vector<16xf32>,
      %get3A_439 = arith.index_cast %add3A_422 : i32 to index
      %get3A_440 = arith.constant 16 : index
      %get3A_441 = tpu.vector_load %arg13[%get3A_439, %get3A_440] {strides = array<i32>} : memref<512x64xf32, #tpu.memory_space<vmem>>, vector<16xf32>,
      %mul3A_442 = arith.mulf %get3A_438, %get3A_441 : vector<16xf32>
      %add3A_443 = arith.addf %add3A_430, %mul3A_442 : vector<16xf32>
      %get3A_444 = arith.index_cast %add3A_422 : i32 to index
      %get3A_445 = arith.constant 16 : index
      %get3A_446 = tpu.vector_load %arg14[%get3A_444, %get3A_445] {strides = array<i32>} : memref<512x64xf32, #tpu.memory_space<vmem>>, vector<16xf32>,
      %mul3A_447 = arith.mulf %get3A_438, %get3A_446 : vector<16xf32>
      %add3A_448 = arith.addf %add3A_435, %mul3A_447 : vector<16xf32>
      %get3A_449 = arith.index_cast %add3A_422 : i32 to index
      %get3A_450 = arith.constant 32 : index
      %get3A_451 = tpu.vector_load %arg12[%get3A_449, %get3A_450] {strides = array<i32>} : memref<512x64xf32, #tpu.memory_space<vmem>>, vector<16xf32>,
      %get3A_452 = arith.index_cast %add3A_422 : i32 to index
      %get3A_453 = arith.constant 32 : index
      %get3A_454 = tpu.vector_load %arg13[%get3A_452, %get3A_453] {strides = array<i32>} : memref<512x64xf32, #tpu.memory_space<vmem>>, vector<16xf32>,
      %mul3A_455 = arith.mulf %get3A_451, %get3A_454 : vector<16xf32>
      %add3A_456 = arith.addf %add3A_443, %mul3A_455 : vector<16xf32>
      %get3A_457 = arith.index_cast %add3A_422 : i32 to index
      %get3A_458 = arith.constant 32 : index
      %get3A_459 = tpu.vector_load %arg14[%get3A_457, %get3A_458] {strides = array<i32>} : memref<512x64xf32, #tpu.memory_space<vmem>>, vector<16xf32>,
      %mul3A_460 = arith.mulf %get3A_451, %get3A_459 : vector<16xf32>
      %add3A_461 = arith.addf %add3A_448, %mul3A_460 : vector<16xf32>
      %get3A_462 = arith.index_cast %add3A_422 : i32 to index
      %get3A_463 = arith.constant 48 : index
      %get3A_464 = tpu.vector_load %arg12[%get3A_462, %get3A_463] {strides = array<i32>} : memref<512x64xf32, #tpu.memory_space<vmem>>, vector<16xf32>,
      %get3A_465 = arith.index_cast %add3A_422 : i32 to index
      %get3A_466 = arith.constant 48 : index
      %get3A_467 = tpu.vector_load %arg13[%get3A_465, %get3A_466] {strides = array<i32>} : memref<512x64xf32, #tpu.memory_space<vmem>>, vector<16xf32>,
      %mul3A_468 = arith.mulf %get3A_464, %get3A_467 : vector<16xf32>
      %add3A_469 = arith.addf %add3A_456, %mul3A_468 : vector<16xf32>
      %get3A_470 = arith.index_cast %add3A_422 : i32 to index
      %get3A_471 = arith.constant 48 : index
      %get3A_472 = tpu.vector_load %arg14[%get3A_470, %get3A_471] {strides = array<i32>} : memref<512x64xf32, #tpu.memory_space<vmem>>, vector<16xf32>,
      %mul3A_473 = arith.mulf %get3A_464, %get3A_472 : vector<16xf32>
      %add3A_474 = arith.addf %add3A_461, %mul3A_473 : vector<16xf32>
      %reduce_sum3A_475 = arith.constant true
      %reduce_sum3A_476 = vector.broadcast %reduce_sum3A_475 : i1 to vector<16xi1>
      %reduce_sum3A_477 = tpu.scan <sum>, %add3A_469 masked %reduce_sum3A_476 : vector<16xf32>, vector<16xi1> -> vector<16xf32>
      %reduce_sum3A_478 = vector.extract %reduce_sum3A_477[15] : f32 from vector<16xf32>
      %reduce_sum3A_479 = arith.constant true
      %reduce_sum3A_480 = vector.broadcast %reduce_sum3A_479 : i1 to vector<16xi1>
      %reduce_sum3A_481 = tpu.scan <sum>, %add3A_474 masked %reduce_sum3A_480 : vector<16xf32>, vector<16xi1> -> vector<16xf32>
      %reduce_sum3A_482 = vector.extract %reduce_sum3A_481[15] : f32 from vector<16xf32>
      %eq3A_483 = arith.constant 2 : i32
      %eq3A_484 = vector.broadcast %eq3A_483 : i32 to vector<16xi32>
      %eq3A_485 = arith.cmpi eq, %iota3A, %eq3A_484 : vector<16xi32>
      %broadcast_in_dim3A_486 = vector.broadcast %reduce_sum3A_478 : f32 to vector<16xf32>
      %select_n3A_487 = arith.select %eq3A_485, %broadcast_in_dim3A_486, %select_n3A_418 : vector<16xi1>, vector<16xf32>
      %broadcast_in_dim3A_488 = vector.broadcast %reduce_sum3A_482 : f32 to vector<16xf32>
      %select_n3A_489 = arith.select %eq3A_485, %broadcast_in_dim3A_488, %select_n3A_420 : vector<16xi1>, vector<16xf32>
      %add3A_490 = arith.constant 3 : i32
      %add3A_491 = arith.addi %mul3A_286, %add3A_490 : i32
      %get3A_492 = arith.index_cast %add3A_491 : i32 to index
      %get3A_493 = arith.constant 0 : index
      %get3A_494 = tpu.vector_load %arg12[%get3A_492, %get3A_493] {strides = array<i32>} : memref<512x64xf32, #tpu.memory_space<vmem>>, vector<16xf32>,
      %get3A_495 = arith.index_cast %add3A_491 : i32 to index
      %get3A_496 = arith.constant 0 : index
      %get3A_497 = tpu.vector_load %arg13[%get3A_495, %get3A_496] {strides = array<i32>} : memref<512x64xf32, #tpu.memory_space<vmem>>, vector<16xf32>,
      %mul3A_498 = arith.mulf %get3A_494, %get3A_497 : vector<16xf32>
      %add3A_499 = arith.addf %broadcast_in_dim3A_276, %mul3A_498 : vector<16xf32>
      %get3A_500 = arith.index_cast %add3A_491 : i32 to index
      %get3A_501 = arith.constant 0 : index
      %get3A_502 = tpu.vector_load %arg14[%get3A_500, %get3A_501] {strides = array<i32>} : memref<512x64xf32, #tpu.memory_space<vmem>>, vector<16xf32>,
      %mul3A_503 = arith.mulf %get3A_494, %get3A_502 : vector<16xf32>
      %add3A_504 = arith.addf %broadcast_in_dim3A_276, %mul3A_503 : vector<16xf32>
      %get3A_505 = arith.index_cast %add3A_491 : i32 to index
      %get3A_506 = arith.constant 16 : index
      %get3A_507 = tpu.vector_load %arg12[%get3A_505, %get3A_506] {strides = array<i32>} : memref<512x64xf32, #tpu.memory_space<vmem>>, vector<16xf32>,
      %get3A_508 = arith.index_cast %add3A_491 : i32 to index
      %get3A_509 = arith.constant 16 : index
      %get3A_510 = tpu.vector_load %arg13[%get3A_508, %get3A_509] {strides = array<i32>} : memref<512x64xf32, #tpu.memory_space<vmem>>, vector<16xf32>,
      %mul3A_511 = arith.mulf %get3A_507, %get3A_510 : vector<16xf32>
      %add3A_512 = arith.addf %add3A_499, %mul3A_511 : vector<16xf32>
      %get3A_513 = arith.index_cast %add3A_491 : i32 to index
      %get3A_514 = arith.constant 16 : index
      %get3A_515 = tpu.vector_load %arg14[%get3A_513, %get3A_514] {strides = array<i32>} : memref<512x64xf32, #tpu.memory_space<vmem>>, vector<16xf32>,
      %mul3A_516 = arith.mulf %get3A_507, %get3A_515 : vector<16xf32>
      %add3A_517 = arith.addf %add3A_504, %mul3A_516 : vector<16xf32>
      %get3A_518 = arith.index_cast %add3A_491 : i32 to index
      %get3A_519 = arith.constant 32 : index
      %get3A_520 = tpu.vector_load %arg12[%get3A_518, %get3A_519] {strides = array<i32>} : memref<512x64xf32, #tpu.memory_space<vmem>>, vector<16xf32>,
      %get3A_521 = arith.index_cast %add3A_491 : i32 to index
      %get3A_522 = arith.constant 32 : index
      %get3A_523 = tpu.vector_load %arg13[%get3A_521, %get3A_522] {strides = array<i32>} : memref<512x64xf32, #tpu.memory_space<vmem>>, vector<16xf32>,
      %mul3A_524 = arith.mulf %get3A_520, %get3A_523 : vector<16xf32>
      %add3A_525 = arith.addf %add3A_512, %mul3A_524 : vector<16xf32>
      %get3A_526 = arith.index_cast %add3A_491 : i32 to index
      %get3A_527 = arith.constant 32 : index
      %get3A_528 = tpu.vector_load %arg14[%get3A_526, %get3A_527] {strides = array<i32>} : memref<512x64xf32, #tpu.memory_space<vmem>>, vector<16xf32>,
      %mul3A_529 = arith.mulf %get3A_520, %get3A_528 : vector<16xf32>
      %add3A_530 = arith.addf %add3A_517, %mul3A_529 : vector<16xf32>
      %get3A_531 = arith.index_cast %add3A_491 : i32 to index
      %get3A_532 = arith.constant 48 : index
      %get3A_533 = tpu.vector_load %arg12[%get3A_531, %get3A_532] {strides = array<i32>} : memref<512x64xf32, #tpu.memory_space<vmem>>, vector<16xf32>,
      %get3A_534 = arith.index_cast %add3A_491 : i32 to index
      %get3A_535 = arith.constant 48 : index
      %get3A_536 = tpu.vector_load %arg13[%get3A_534, %get3A_535] {strides = array<i32>} : memref<512x64xf32, #tpu.memory_space<vmem>>, vector<16xf32>,
      %mul3A_537 = arith.mulf %get3A_533, %get3A_536 : vector<16xf32>
      %add3A_538 = arith.addf %add3A_525, %mul3A_537 : vector<16xf32>
      %get3A_539 = arith.index_cast %add3A_491 : i32 to index
      %get3A_540 = arith.constant 48 : index
      %get3A_541 = tpu.vector_load %arg14[%get3A_539, %get3A_540] {strides = array<i32>} : memref<512x64xf32, #tpu.memory_space<vmem>>, vector<16xf32>,
      %mul3A_542 = arith.mulf %get3A_533, %get3A_541 : vector<16xf32>
      %add3A_543 = arith.addf %add3A_530, %mul3A_542 : vector<16xf32>
      %reduce_sum3A_544 = arith.constant true
      %reduce_sum3A_545 = vector.broadcast %reduce_sum3A_544 : i1 to vector<16xi1>
      %reduce_sum3A_546 = tpu.scan <sum>, %add3A_538 masked %reduce_sum3A_545 : vector<16xf32>, vector<16xi1> -> vector<16xf32>
      %reduce_sum3A_547 = vector.extract %reduce_sum3A_546[15] : f32 from vector<16xf32>
      %reduce_sum3A_548 = arith.constant true
      %reduce_sum3A_549 = vector.broadcast %reduce_sum3A_548 : i1 to vector<16xi1>
      %reduce_sum3A_550 = tpu.scan <sum>, %add3A_543 masked %reduce_sum3A_549 : vector<16xf32>, vector<16xi1> -> vector<16xf32>
      %reduce_sum3A_551 = vector.extract %reduce_sum3A_550[15] : f32 from vector<16xf32>
      %eq3A_552 = arith.constant 3 : i32
      %eq3A_553 = vector.broadcast %eq3A_552 : i32 to vector<16xi32>
      %eq3A_554 = arith.cmpi eq, %iota3A, %eq3A_553 : vector<16xi32>
      %broadcast_in_dim3A_555 = vector.broadcast %reduce_sum3A_547 : f32 to vector<16xf32>
      %select_n3A_556 = arith.select %eq3A_554, %broadcast_in_dim3A_555, %select_n3A_487 : vector<16xi1>, vector<16xf32>
      %broadcast_in_dim3A_557 = vector.broadcast %reduce_sum3A_551 : f32 to vector<16xf32>
      %select_n3A_558 = arith.select %eq3A_554, %broadcast_in_dim3A_557, %select_n3A_489 : vector<16xi1>, vector<16xf32>
      %add3A_559 = arith.constant 4 : i32
      %add3A_560 = arith.addi %mul3A_286, %add3A_559 : i32
      %get3A_561 = arith.index_cast %add3A_560 : i32 to index
      %get3A_562 = arith.constant 0 : index
      %get3A_563 = tpu.vector_load %arg12[%get3A_561, %get3A_562] {strides = array<i32>} : memref<512x64xf32, #tpu.memory_space<vmem>>, vector<16xf32>,
      %get3A_564 = arith.index_cast %add3A_560 : i32 to index
      %get3A_565 = arith.constant 0 : index
      %get3A_566 = tpu.vector_load %arg13[%get3A_564, %get3A_565] {strides = array<i32>} : memref<512x64xf32, #tpu.memory_space<vmem>>, vector<16xf32>,
      %mul3A_567 = arith.mulf %get3A_563, %get3A_566 : vector<16xf32>
      %add3A_568 = arith.addf %broadcast_in_dim3A_276, %mul3A_567 : vector<16xf32>
      %get3A_569 = arith.index_cast %add3A_560 : i32 to index
      %get3A_570 = arith.constant 0 : index
      %get3A_571 = tpu.vector_load %arg14[%get3A_569, %get3A_570] {strides = array<i32>} : memref<512x64xf32, #tpu.memory_space<vmem>>, vector<16xf32>,
      %mul3A_572 = arith.mulf %get3A_563, %get3A_571 : vector<16xf32>
      %add3A_573 = arith.addf %broadcast_in_dim3A_276, %mul3A_572 : vector<16xf32>
      %get3A_574 = arith.index_cast %add3A_560 : i32 to index
      %get3A_575 = arith.constant 16 : index
      %get3A_576 = tpu.vector_load %arg12[%get3A_574, %get3A_575] {strides = array<i32>} : memref<512x64xf32, #tpu.memory_space<vmem>>, vector<16xf32>,
      %get3A_577 = arith.index_cast %add3A_560 : i32 to index
      %get3A_578 = arith.constant 16 : index
      %get3A_579 = tpu.vector_load %arg13[%get3A_577, %get3A_578] {strides = array<i32>} : memref<512x64xf32, #tpu.memory_space<vmem>>, vector<16xf32>,
      %mul3A_580 = arith.mulf %get3A_576, %get3A_579 : vector<16xf32>
      %add3A_581 = arith.addf %add3A_568, %mul3A_580 : vector<16xf32>
      %get3A_582 = arith.index_cast %add3A_560 : i32 to index
      %get3A_583 = arith.constant 16 : index
      %get3A_584 = tpu.vector_load %arg14[%get3A_582, %get3A_583] {strides = array<i32>} : memref<512x64xf32, #tpu.memory_space<vmem>>, vector<16xf32>,
      %mul3A_585 = arith.mulf %get3A_576, %get3A_584 : vector<16xf32>
      %add3A_586 = arith.addf %add3A_573, %mul3A_585 : vector<16xf32>
      %get3A_587 = arith.index_cast %add3A_560 : i32 to index
      %get3A_588 = arith.constant 32 : index
      %get3A_589 = tpu.vector_load %arg12[%get3A_587, %get3A_588] {strides = array<i32>} : memref<512x64xf32, #tpu.memory_space<vmem>>, vector<16xf32>,
      %get3A_590 = arith.index_cast %add3A_560 : i32 to index
      %get3A_591 = arith.constant 32 : index
      %get3A_592 = tpu.vector_load %arg13[%get3A_590, %get3A_591] {strides = array<i32>} : memref<512x64xf32, #tpu.memory_space<vmem>>, vector<16xf32>,
      %mul3A_593 = arith.mulf %get3A_589, %get3A_592 : vector<16xf32>
      %add3A_594 = arith.addf %add3A_581, %mul3A_593 : vector<16xf32>
      %get3A_595 = arith.index_cast %add3A_560 : i32 to index
      %get3A_596 = arith.constant 32 : index
      %get3A_597 = tpu.vector_load %arg14[%get3A_595, %get3A_596] {strides = array<i32>} : memref<512x64xf32, #tpu.memory_space<vmem>>, vector<16xf32>,
      %mul3A_598 = arith.mulf %get3A_589, %get3A_597 : vector<16xf32>
      %add3A_599 = arith.addf %add3A_586, %mul3A_598 : vector<16xf32>
      %get3A_600 = arith.index_cast %add3A_560 : i32 to index
      %get3A_601 = arith.constant 48 : index
      %get3A_602 = tpu.vector_load %arg12[%get3A_600, %get3A_601] {strides = array<i32>} : memref<512x64xf32, #tpu.memory_space<vmem>>, vector<16xf32>,
      %get3A_603 = arith.index_cast %add3A_560 : i32 to index
      %get3A_604 = arith.constant 48 : index
      %get3A_605 = tpu.vector_load %arg13[%get3A_603, %get3A_604] {strides = array<i32>} : memref<512x64xf32, #tpu.memory_space<vmem>>, vector<16xf32>,
      %mul3A_606 = arith.mulf %get3A_602, %get3A_605 : vector<16xf32>
      %add3A_607 = arith.addf %add3A_594, %mul3A_606 : vector<16xf32>
      %get3A_608 = arith.index_cast %add3A_560 : i32 to index
      %get3A_609 = arith.constant 48 : index
      %get3A_610 = tpu.vector_load %arg14[%get3A_608, %get3A_609] {strides = array<i32>} : memref<512x64xf32, #tpu.memory_space<vmem>>, vector<16xf32>,
      %mul3A_611 = arith.mulf %get3A_602, %get3A_610 : vector<16xf32>
      %add3A_612 = arith.addf %add3A_599, %mul3A_611 : vector<16xf32>
      %reduce_sum3A_613 = arith.constant true
      %reduce_sum3A_614 = vector.broadcast %reduce_sum3A_613 : i1 to vector<16xi1>
      %reduce_sum3A_615 = tpu.scan <sum>, %add3A_607 masked %reduce_sum3A_614 : vector<16xf32>, vector<16xi1> -> vector<16xf32>
      %reduce_sum3A_616 = vector.extract %reduce_sum3A_615[15] : f32 from vector<16xf32>
      %reduce_sum3A_617 = arith.constant true
      %reduce_sum3A_618 = vector.broadcast %reduce_sum3A_617 : i1 to vector<16xi1>
      %reduce_sum3A_619 = tpu.scan <sum>, %add3A_612 masked %reduce_sum3A_618 : vector<16xf32>, vector<16xi1> -> vector<16xf32>
      %reduce_sum3A_620 = vector.extract %reduce_sum3A_619[15] : f32 from vector<16xf32>
      %eq3A_621 = arith.constant 4 : i32
      %eq3A_622 = vector.broadcast %eq3A_621 : i32 to vector<16xi32>
      %eq3A_623 = arith.cmpi eq, %iota3A, %eq3A_622 : vector<16xi32>
      %broadcast_in_dim3A_624 = vector.broadcast %reduce_sum3A_616 : f32 to vector<16xf32>
      %select_n3A_625 = arith.select %eq3A_623, %broadcast_in_dim3A_624, %select_n3A_556 : vector<16xi1>, vector<16xf32>
      %broadcast_in_dim3A_626 = vector.broadcast %reduce_sum3A_620 : f32 to vector<16xf32>
      %select_n3A_627 = arith.select %eq3A_623, %broadcast_in_dim3A_626, %select_n3A_558 : vector<16xi1>, vector<16xf32>
      %add3A_628 = arith.constant 5 : i32
      %add3A_629 = arith.addi %mul3A_286, %add3A_628 : i32
      %get3A_630 = arith.index_cast %add3A_629 : i32 to index
      %get3A_631 = arith.constant 0 : index
      %get3A_632 = tpu.vector_load %arg12[%get3A_630, %get3A_631] {strides = array<i32>} : memref<512x64xf32, #tpu.memory_space<vmem>>, vector<16xf32>,
      %get3A_633 = arith.index_cast %add3A_629 : i32 to index
      %get3A_634 = arith.constant 0 : index
      %get3A_635 = tpu.vector_load %arg13[%get3A_633, %get3A_634] {strides = array<i32>} : memref<512x64xf32, #tpu.memory_space<vmem>>, vector<16xf32>,
      %mul3A_636 = arith.mulf %get3A_632, %get3A_635 : vector<16xf32>
      %add3A_637 = arith.addf %broadcast_in_dim3A_276, %mul3A_636 : vector<16xf32>
      %get3A_638 = arith.index_cast %add3A_629 : i32 to index
      %get3A_639 = arith.constant 0 : index
      %get3A_640 = tpu.vector_load %arg14[%get3A_638, %get3A_639] {strides = array<i32>} : memref<512x64xf32, #tpu.memory_space<vmem>>, vector<16xf32>,
      %mul3A_641 = arith.mulf %get3A_632, %get3A_640 : vector<16xf32>
      %add3A_642 = arith.addf %broadcast_in_dim3A_276, %mul3A_641 : vector<16xf32>
      %get3A_643 = arith.index_cast %add3A_629 : i32 to index
      %get3A_644 = arith.constant 16 : index
      %get3A_645 = tpu.vector_load %arg12[%get3A_643, %get3A_644] {strides = array<i32>} : memref<512x64xf32, #tpu.memory_space<vmem>>, vector<16xf32>,
      %get3A_646 = arith.index_cast %add3A_629 : i32 to index
      %get3A_647 = arith.constant 16 : index
      %get3A_648 = tpu.vector_load %arg13[%get3A_646, %get3A_647] {strides = array<i32>} : memref<512x64xf32, #tpu.memory_space<vmem>>, vector<16xf32>,
      %mul3A_649 = arith.mulf %get3A_645, %get3A_648 : vector<16xf32>
      %add3A_650 = arith.addf %add3A_637, %mul3A_649 : vector<16xf32>
      %get3A_651 = arith.index_cast %add3A_629 : i32 to index
      %get3A_652 = arith.constant 16 : index
      %get3A_653 = tpu.vector_load %arg14[%get3A_651, %get3A_652] {strides = array<i32>} : memref<512x64xf32, #tpu.memory_space<vmem>>, vector<16xf32>,
      %mul3A_654 = arith.mulf %get3A_645, %get3A_653 : vector<16xf32>
      %add3A_655 = arith.addf %add3A_642, %mul3A_654 : vector<16xf32>
      %get3A_656 = arith.index_cast %add3A_629 : i32 to index
      %get3A_657 = arith.constant 32 : index
      %get3A_658 = tpu.vector_load %arg12[%get3A_656, %get3A_657] {strides = array<i32>} : memref<512x64xf32, #tpu.memory_space<vmem>>, vector<16xf32>,
      %get3A_659 = arith.index_cast %add3A_629 : i32 to index
      %get3A_660 = arith.constant 32 : index
      %get3A_661 = tpu.vector_load %arg13[%get3A_659, %get3A_660] {strides = array<i32>} : memref<512x64xf32, #tpu.memory_space<vmem>>, vector<16xf32>,
      %mul3A_662 = arith.mulf %get3A_658, %get3A_661 : vector<16xf32>
      %add3A_663 = arith.addf %add3A_650, %mul3A_662 : vector<16xf32>
      %get3A_664 = arith.index_cast %add3A_629 : i32 to index
      %get3A_665 = arith.constant 32 : index
      %get3A_666 = tpu.vector_load %arg14[%get3A_664, %get3A_665] {strides = array<i32>} : memref<512x64xf32, #tpu.memory_space<vmem>>, vector<16xf32>,
      %mul3A_667 = arith.mulf %get3A_658, %get3A_666 : vector<16xf32>
      %add3A_668 = arith.addf %add3A_655, %mul3A_667 : vector<16xf32>
      %get3A_669 = arith.index_cast %add3A_629 : i32 to index
      %get3A_670 = arith.constant 48 : index
      %get3A_671 = tpu.vector_load %arg12[%get3A_669, %get3A_670] {strides = array<i32>} : memref<512x64xf32, #tpu.memory_space<vmem>>, vector<16xf32>,
      %get3A_672 = arith.index_cast %add3A_629 : i32 to index
      %get3A_673 = arith.constant 48 : index
      %get3A_674 = tpu.vector_load %arg13[%get3A_672, %get3A_673] {strides = array<i32>} : memref<512x64xf32, #tpu.memory_space<vmem>>, vector<16xf32>,
      %mul3A_675 = arith.mulf %get3A_671, %get3A_674 : vector<16xf32>
      %add3A_676 = arith.addf %add3A_663, %mul3A_675 : vector<16xf32>
      %get3A_677 = arith.index_cast %add3A_629 : i32 to index
      %get3A_678 = arith.constant 48 : index
      %get3A_679 = tpu.vector_load %arg14[%get3A_677, %get3A_678] {strides = array<i32>} : memref<512x64xf32, #tpu.memory_space<vmem>>, vector<16xf32>,
      %mul3A_680 = arith.mulf %get3A_671, %get3A_679 : vector<16xf32>
      %add3A_681 = arith.addf %add3A_668, %mul3A_680 : vector<16xf32>
      %reduce_sum3A_682 = arith.constant true
      %reduce_sum3A_683 = vector.broadcast %reduce_sum3A_682 : i1 to vector<16xi1>
      %reduce_sum3A_684 = tpu.scan <sum>, %add3A_676 masked %reduce_sum3A_683 : vector<16xf32>, vector<16xi1> -> vector<16xf32>
      %reduce_sum3A_685 = vector.extract %reduce_sum3A_684[15] : f32 from vector<16xf32>
      %reduce_sum3A_686 = arith.constant true
      %reduce_sum3A_687 = vector.broadcast %reduce_sum3A_686 : i1 to vector<16xi1>
      %reduce_sum3A_688 = tpu.scan <sum>, %add3A_681 masked %reduce_sum3A_687 : vector<16xf32>, vector<16xi1> -> vector<16xf32>
      %reduce_sum3A_689 = vector.extract %reduce_sum3A_688[15] : f32 from vector<16xf32>
      %eq3A_690 = arith.constant 5 : i32
      %eq3A_691 = vector.broadcast %eq3A_690 : i32 to vector<16xi32>
      %eq3A_692 = arith.cmpi eq, %iota3A, %eq3A_691 : vector<16xi32>
      %broadcast_in_dim3A_693 = vector.broadcast %reduce_sum3A_685 : f32 to vector<16xf32>
      %select_n3A_694 = arith.select %eq3A_692, %broadcast_in_dim3A_693, %select_n3A_625 : vector<16xi1>, vector<16xf32>
      %broadcast_in_dim3A_695 = vector.broadcast %reduce_sum3A_689 : f32 to vector<16xf32>
      %select_n3A_696 = arith.select %eq3A_692, %broadcast_in_dim3A_695, %select_n3A_627 : vector<16xi1>, vector<16xf32>
      %add3A_697 = arith.constant 6 : i32
      %add3A_698 = arith.addi %mul3A_286, %add3A_697 : i32
      %get3A_699 = arith.index_cast %add3A_698 : i32 to index
      %get3A_700 = arith.constant 0 : index
      %get3A_701 = tpu.vector_load %arg12[%get3A_699, %get3A_700] {strides = array<i32>} : memref<512x64xf32, #tpu.memory_space<vmem>>, vector<16xf32>,
      %get3A_702 = arith.index_cast %add3A_698 : i32 to index
      %get3A_703 = arith.constant 0 : index
      %get3A_704 = tpu.vector_load %arg13[%get3A_702, %get3A_703] {strides = array<i32>} : memref<512x64xf32, #tpu.memory_space<vmem>>, vector<16xf32>,
      %mul3A_705 = arith.mulf %get3A_701, %get3A_704 : vector<16xf32>
      %add3A_706 = arith.addf %broadcast_in_dim3A_276, %mul3A_705 : vector<16xf32>
      %get3A_707 = arith.index_cast %add3A_698 : i32 to index
      %get3A_708 = arith.constant 0 : index
      %get3A_709 = tpu.vector_load %arg14[%get3A_707, %get3A_708] {strides = array<i32>} : memref<512x64xf32, #tpu.memory_space<vmem>>, vector<16xf32>,
      %mul3A_710 = arith.mulf %get3A_701, %get3A_709 : vector<16xf32>
      %add3A_711 = arith.addf %broadcast_in_dim3A_276, %mul3A_710 : vector<16xf32>
      %get3A_712 = arith.index_cast %add3A_698 : i32 to index
      %get3A_713 = arith.constant 16 : index
      %get3A_714 = tpu.vector_load %arg12[%get3A_712, %get3A_713] {strides = array<i32>} : memref<512x64xf32, #tpu.memory_space<vmem>>, vector<16xf32>,
      %get3A_715 = arith.index_cast %add3A_698 : i32 to index
      %get3A_716 = arith.constant 16 : index
      %get3A_717 = tpu.vector_load %arg13[%get3A_715, %get3A_716] {strides = array<i32>} : memref<512x64xf32, #tpu.memory_space<vmem>>, vector<16xf32>,
      %mul3A_718 = arith.mulf %get3A_714, %get3A_717 : vector<16xf32>
      %add3A_719 = arith.addf %add3A_706, %mul3A_718 : vector<16xf32>
      %get3A_720 = arith.index_cast %add3A_698 : i32 to index
      %get3A_721 = arith.constant 16 : index
      %get3A_722 = tpu.vector_load %arg14[%get3A_720, %get3A_721] {strides = array<i32>} : memref<512x64xf32, #tpu.memory_space<vmem>>, vector<16xf32>,
      %mul3A_723 = arith.mulf %get3A_714, %get3A_722 : vector<16xf32>
      %add3A_724 = arith.addf %add3A_711, %mul3A_723 : vector<16xf32>
      %get3A_725 = arith.index_cast %add3A_698 : i32 to index
      %get3A_726 = arith.constant 32 : index
      %get3A_727 = tpu.vector_load %arg12[%get3A_725, %get3A_726] {strides = array<i32>} : memref<512x64xf32, #tpu.memory_space<vmem>>, vector<16xf32>,
      %get3A_728 = arith.index_cast %add3A_698 : i32 to index
      %get3A_729 = arith.constant 32 : index
      %get3A_730 = tpu.vector_load %arg13[%get3A_728, %get3A_729] {strides = array<i32>} : memref<512x64xf32, #tpu.memory_space<vmem>>, vector<16xf32>,
      %mul3A_731 = arith.mulf %get3A_727, %get3A_730 : vector<16xf32>
      %add3A_732 = arith.addf %add3A_719, %mul3A_731 : vector<16xf32>
      %get3A_733 = arith.index_cast %add3A_698 : i32 to index
      %get3A_734 = arith.constant 32 : index
      %get3A_735 = tpu.vector_load %arg14[%get3A_733, %get3A_734] {strides = array<i32>} : memref<512x64xf32, #tpu.memory_space<vmem>>, vector<16xf32>,
      %mul3A_736 = arith.mulf %get3A_727, %get3A_735 : vector<16xf32>
      %add3A_737 = arith.addf %add3A_724, %mul3A_736 : vector<16xf32>
      %get3A_738 = arith.index_cast %add3A_698 : i32 to index
      %get3A_739 = arith.constant 48 : index
      %get3A_740 = tpu.vector_load %arg12[%get3A_738, %get3A_739] {strides = array<i32>} : memref<512x64xf32, #tpu.memory_space<vmem>>, vector<16xf32>,
      %get3A_741 = arith.index_cast %add3A_698 : i32 to index
      %get3A_742 = arith.constant 48 : index
      %get3A_743 = tpu.vector_load %arg13[%get3A_741, %get3A_742] {strides = array<i32>} : memref<512x64xf32, #tpu.memory_space<vmem>>, vector<16xf32>,
      %mul3A_744 = arith.mulf %get3A_740, %get3A_743 : vector<16xf32>
      %add3A_745 = arith.addf %add3A_732, %mul3A_744 : vector<16xf32>
      %get3A_746 = arith.index_cast %add3A_698 : i32 to index
      %get3A_747 = arith.constant 48 : index
      %get3A_748 = tpu.vector_load %arg14[%get3A_746, %get3A_747] {strides = array<i32>} : memref<512x64xf32, #tpu.memory_space<vmem>>, vector<16xf32>,
      %mul3A_749 = arith.mulf %get3A_740, %get3A_748 : vector<16xf32>
      %add3A_750 = arith.addf %add3A_737, %mul3A_749 : vector<16xf32>
      %reduce_sum3A_751 = arith.constant true
      %reduce_sum3A_752 = vector.broadcast %reduce_sum3A_751 : i1 to vector<16xi1>
      %reduce_sum3A_753 = tpu.scan <sum>, %add3A_745 masked %reduce_sum3A_752 : vector<16xf32>, vector<16xi1> -> vector<16xf32>
      %reduce_sum3A_754 = vector.extract %reduce_sum3A_753[15] : f32 from vector<16xf32>
      %reduce_sum3A_755 = arith.constant true
      %reduce_sum3A_756 = vector.broadcast %reduce_sum3A_755 : i1 to vector<16xi1>
      %reduce_sum3A_757 = tpu.scan <sum>, %add3A_750 masked %reduce_sum3A_756 : vector<16xf32>, vector<16xi1> -> vector<16xf32>
      %reduce_sum3A_758 = vector.extract %reduce_sum3A_757[15] : f32 from vector<16xf32>
      %eq3A_759 = arith.constant 6 : i32
      %eq3A_760 = vector.broadcast %eq3A_759 : i32 to vector<16xi32>
      %eq3A_761 = arith.cmpi eq, %iota3A, %eq3A_760 : vector<16xi32>
      %broadcast_in_dim3A_762 = vector.broadcast %reduce_sum3A_754 : f32 to vector<16xf32>
      %select_n3A_763 = arith.select %eq3A_761, %broadcast_in_dim3A_762, %select_n3A_694 : vector<16xi1>, vector<16xf32>
      %broadcast_in_dim3A_764 = vector.broadcast %reduce_sum3A_758 : f32 to vector<16xf32>
      %select_n3A_765 = arith.select %eq3A_761, %broadcast_in_dim3A_764, %select_n3A_696 : vector<16xi1>, vector<16xf32>
      %add3A_766 = arith.constant 7 : i32
      %add3A_767 = arith.addi %mul3A_286, %add3A_766 : i32
      %get3A_768 = arith.index_cast %add3A_767 : i32 to index
      %get3A_769 = arith.constant 0 : index
      %get3A_770 = tpu.vector_load %arg12[%get3A_768, %get3A_769] {strides = array<i32>} : memref<512x64xf32, #tpu.memory_space<vmem>>, vector<16xf32>,
      %get3A_771 = arith.index_cast %add3A_767 : i32 to index
      %get3A_772 = arith.constant 0 : index
      %get3A_773 = tpu.vector_load %arg13[%get3A_771, %get3A_772] {strides = array<i32>} : memref<512x64xf32, #tpu.memory_space<vmem>>, vector<16xf32>,
      %mul3A_774 = arith.mulf %get3A_770, %get3A_773 : vector<16xf32>
      %add3A_775 = arith.addf %broadcast_in_dim3A_276, %mul3A_774 : vector<16xf32>
      %get3A_776 = arith.index_cast %add3A_767 : i32 to index
      %get3A_777 = arith.constant 0 : index
      %get3A_778 = tpu.vector_load %arg14[%get3A_776, %get3A_777] {strides = array<i32>} : memref<512x64xf32, #tpu.memory_space<vmem>>, vector<16xf32>,
      %mul3A_779 = arith.mulf %get3A_770, %get3A_778 : vector<16xf32>
      %add3A_780 = arith.addf %broadcast_in_dim3A_276, %mul3A_779 : vector<16xf32>
      %get3A_781 = arith.index_cast %add3A_767 : i32 to index
      %get3A_782 = arith.constant 16 : index
      %get3A_783 = tpu.vector_load %arg12[%get3A_781, %get3A_782] {strides = array<i32>} : memref<512x64xf32, #tpu.memory_space<vmem>>, vector<16xf32>,
      %get3A_784 = arith.index_cast %add3A_767 : i32 to index
      %get3A_785 = arith.constant 16 : index
      %get3A_786 = tpu.vector_load %arg13[%get3A_784, %get3A_785] {strides = array<i32>} : memref<512x64xf32, #tpu.memory_space<vmem>>, vector<16xf32>,
      %mul3A_787 = arith.mulf %get3A_783, %get3A_786 : vector<16xf32>
      %add3A_788 = arith.addf %add3A_775, %mul3A_787 : vector<16xf32>
      %get3A_789 = arith.index_cast %add3A_767 : i32 to index
      %get3A_790 = arith.constant 16 : index
      %get3A_791 = tpu.vector_load %arg14[%get3A_789, %get3A_790] {strides = array<i32>} : memref<512x64xf32, #tpu.memory_space<vmem>>, vector<16xf32>,
      %mul3A_792 = arith.mulf %get3A_783, %get3A_791 : vector<16xf32>
      %add3A_793 = arith.addf %add3A_780, %mul3A_792 : vector<16xf32>
      %get3A_794 = arith.index_cast %add3A_767 : i32 to index
      %get3A_795 = arith.constant 32 : index
      %get3A_796 = tpu.vector_load %arg12[%get3A_794, %get3A_795] {strides = array<i32>} : memref<512x64xf32, #tpu.memory_space<vmem>>, vector<16xf32>,
      %get3A_797 = arith.index_cast %add3A_767 : i32 to index
      %get3A_798 = arith.constant 32 : index
      %get3A_799 = tpu.vector_load %arg13[%get3A_797, %get3A_798] {strides = array<i32>} : memref<512x64xf32, #tpu.memory_space<vmem>>, vector<16xf32>,
      %mul3A_800 = arith.mulf %get3A_796, %get3A_799 : vector<16xf32>
      %add3A_801 = arith.addf %add3A_788, %mul3A_800 : vector<16xf32>
      %get3A_802 = arith.index_cast %add3A_767 : i32 to index
      %get3A_803 = arith.constant 32 : index
      %get3A_804 = tpu.vector_load %arg14[%get3A_802, %get3A_803] {strides = array<i32>} : memref<512x64xf32, #tpu.memory_space<vmem>>, vector<16xf32>,
      %mul3A_805 = arith.mulf %get3A_796, %get3A_804 : vector<16xf32>
      %add3A_806 = arith.addf %add3A_793, %mul3A_805 : vector<16xf32>
      %get3A_807 = arith.index_cast %add3A_767 : i32 to index
      %get3A_808 = arith.constant 48 : index
      %get3A_809 = tpu.vector_load %arg12[%get3A_807, %get3A_808] {strides = array<i32>} : memref<512x64xf32, #tpu.memory_space<vmem>>, vector<16xf32>,
      %get3A_810 = arith.index_cast %add3A_767 : i32 to index
      %get3A_811 = arith.constant 48 : index
      %get3A_812 = tpu.vector_load %arg13[%get3A_810, %get3A_811] {strides = array<i32>} : memref<512x64xf32, #tpu.memory_space<vmem>>, vector<16xf32>,
      %mul3A_813 = arith.mulf %get3A_809, %get3A_812 : vector<16xf32>
      %add3A_814 = arith.addf %add3A_801, %mul3A_813 : vector<16xf32>
      %get3A_815 = arith.index_cast %add3A_767 : i32 to index
      %get3A_816 = arith.constant 48 : index
      %get3A_817 = tpu.vector_load %arg14[%get3A_815, %get3A_816] {strides = array<i32>} : memref<512x64xf32, #tpu.memory_space<vmem>>, vector<16xf32>,
      %mul3A_818 = arith.mulf %get3A_809, %get3A_817 : vector<16xf32>
      %add3A_819 = arith.addf %add3A_806, %mul3A_818 : vector<16xf32>
      %reduce_sum3A_820 = arith.constant true
      %reduce_sum3A_821 = vector.broadcast %reduce_sum3A_820 : i1 to vector<16xi1>
      %reduce_sum3A_822 = tpu.scan <sum>, %add3A_814 masked %reduce_sum3A_821 : vector<16xf32>, vector<16xi1> -> vector<16xf32>
      %reduce_sum3A_823 = vector.extract %reduce_sum3A_822[15] : f32 from vector<16xf32>
      %reduce_sum3A_824 = arith.constant true
      %reduce_sum3A_825 = vector.broadcast %reduce_sum3A_824 : i1 to vector<16xi1>
      %reduce_sum3A_826 = tpu.scan <sum>, %add3A_819 masked %reduce_sum3A_825 : vector<16xf32>, vector<16xi1> -> vector<16xf32>
      %reduce_sum3A_827 = vector.extract %reduce_sum3A_826[15] : f32 from vector<16xf32>
      %eq3A_828 = arith.constant 7 : i32
      %eq3A_829 = vector.broadcast %eq3A_828 : i32 to vector<16xi32>
      %eq3A_830 = arith.cmpi eq, %iota3A, %eq3A_829 : vector<16xi32>
      %broadcast_in_dim3A_831 = vector.broadcast %reduce_sum3A_823 : f32 to vector<16xf32>
      %select_n3A_832 = arith.select %eq3A_830, %broadcast_in_dim3A_831, %select_n3A_763 : vector<16xi1>, vector<16xf32>
      %broadcast_in_dim3A_833 = vector.broadcast %reduce_sum3A_827 : f32 to vector<16xf32>
      %select_n3A_834 = arith.select %eq3A_830, %broadcast_in_dim3A_833, %select_n3A_765 : vector<16xi1>, vector<16xf32>
      %add3A_835 = arith.constant 8 : i32
      %add3A_836 = arith.addi %mul3A_286, %add3A_835 : i32
      %get3A_837 = arith.index_cast %add3A_836 : i32 to index
      %get3A_838 = arith.constant 0 : index
      %get3A_839 = tpu.vector_load %arg12[%get3A_837, %get3A_838] {strides = array<i32>} : memref<512x64xf32, #tpu.memory_space<vmem>>, vector<16xf32>,
      %get3A_840 = arith.index_cast %add3A_836 : i32 to index
      %get3A_841 = arith.constant 0 : index
      %get3A_842 = tpu.vector_load %arg13[%get3A_840, %get3A_841] {strides = array<i32>} : memref<512x64xf32, #tpu.memory_space<vmem>>, vector<16xf32>,
      %mul3A_843 = arith.mulf %get3A_839, %get3A_842 : vector<16xf32>
      %add3A_844 = arith.addf %broadcast_in_dim3A_276, %mul3A_843 : vector<16xf32>
      %get3A_845 = arith.index_cast %add3A_836 : i32 to index
      %get3A_846 = arith.constant 0 : index
      %get3A_847 = tpu.vector_load %arg14[%get3A_845, %get3A_846] {strides = array<i32>} : memref<512x64xf32, #tpu.memory_space<vmem>>, vector<16xf32>,
      %mul3A_848 = arith.mulf %get3A_839, %get3A_847 : vector<16xf32>
      %add3A_849 = arith.addf %broadcast_in_dim3A_276, %mul3A_848 : vector<16xf32>
      %get3A_850 = arith.index_cast %add3A_836 : i32 to index
      %get3A_851 = arith.constant 16 : index
      %get3A_852 = tpu.vector_load %arg12[%get3A_850, %get3A_851] {strides = array<i32>} : memref<512x64xf32, #tpu.memory_space<vmem>>, vector<16xf32>,
      %get3A_853 = arith.index_cast %add3A_836 : i32 to index
      %get3A_854 = arith.constant 16 : index
      %get3A_855 = tpu.vector_load %arg13[%get3A_853, %get3A_854] {strides = array<i32>} : memref<512x64xf32, #tpu.memory_space<vmem>>, vector<16xf32>,
      %mul3A_856 = arith.mulf %get3A_852, %get3A_855 : vector<16xf32>
      %add3A_857 = arith.addf %add3A_844, %mul3A_856 : vector<16xf32>
      %get3A_858 = arith.index_cast %add3A_836 : i32 to index
      %get3A_859 = arith.constant 16 : index
      %get3A_860 = tpu.vector_load %arg14[%get3A_858, %get3A_859] {strides = array<i32>} : memref<512x64xf32, #tpu.memory_space<vmem>>, vector<16xf32>,
      %mul3A_861 = arith.mulf %get3A_852, %get3A_860 : vector<16xf32>
      %add3A_862 = arith.addf %add3A_849, %mul3A_861 : vector<16xf32>
      %get3A_863 = arith.index_cast %add3A_836 : i32 to index
      %get3A_864 = arith.constant 32 : index
      %get3A_865 = tpu.vector_load %arg12[%get3A_863, %get3A_864] {strides = array<i32>} : memref<512x64xf32, #tpu.memory_space<vmem>>, vector<16xf32>,
      %get3A_866 = arith.index_cast %add3A_836 : i32 to index
      %get3A_867 = arith.constant 32 : index
      %get3A_868 = tpu.vector_load %arg13[%get3A_866, %get3A_867] {strides = array<i32>} : memref<512x64xf32, #tpu.memory_space<vmem>>, vector<16xf32>,
      %mul3A_869 = arith.mulf %get3A_865, %get3A_868 : vector<16xf32>
      %add3A_870 = arith.addf %add3A_857, %mul3A_869 : vector<16xf32>
      %get3A_871 = arith.index_cast %add3A_836 : i32 to index
      %get3A_872 = arith.constant 32 : index
      %get3A_873 = tpu.vector_load %arg14[%get3A_871, %get3A_872] {strides = array<i32>} : memref<512x64xf32, #tpu.memory_space<vmem>>, vector<16xf32>,
      %mul3A_874 = arith.mulf %get3A_865, %get3A_873 : vector<16xf32>
      %add3A_875 = arith.addf %add3A_862, %mul3A_874 : vector<16xf32>
      %get3A_876 = arith.index_cast %add3A_836 : i32 to index
      %get3A_877 = arith.constant 48 : index
      %get3A_878 = tpu.vector_load %arg12[%get3A_876, %get3A_877] {strides = array<i32>} : memref<512x64xf32, #tpu.memory_space<vmem>>, vector<16xf32>,
      %get3A_879 = arith.index_cast %add3A_836 : i32 to index
      %get3A_880 = arith.constant 48 : index
      %get3A_881 = tpu.vector_load %arg13[%get3A_879, %get3A_880] {strides = array<i32>} : memref<512x64xf32, #tpu.memory_space<vmem>>, vector<16xf32>,
      %mul3A_882 = arith.mulf %get3A_878, %get3A_881 : vector<16xf32>
      %add3A_883 = arith.addf %add3A_870, %mul3A_882 : vector<16xf32>
      %get3A_884 = arith.index_cast %add3A_836 : i32 to index
      %get3A_885 = arith.constant 48 : index
      %get3A_886 = tpu.vector_load %arg14[%get3A_884, %get3A_885] {strides = array<i32>} : memref<512x64xf32, #tpu.memory_space<vmem>>, vector<16xf32>,
      %mul3A_887 = arith.mulf %get3A_878, %get3A_886 : vector<16xf32>
      %add3A_888 = arith.addf %add3A_875, %mul3A_887 : vector<16xf32>
      %reduce_sum3A_889 = arith.constant true
      %reduce_sum3A_890 = vector.broadcast %reduce_sum3A_889 : i1 to vector<16xi1>
      %reduce_sum3A_891 = tpu.scan <sum>, %add3A_883 masked %reduce_sum3A_890 : vector<16xf32>, vector<16xi1> -> vector<16xf32>
      %reduce_sum3A_892 = vector.extract %reduce_sum3A_891[15] : f32 from vector<16xf32>
      %reduce_sum3A_893 = arith.constant true
      %reduce_sum3A_894 = vector.broadcast %reduce_sum3A_893 : i1 to vector<16xi1>
      %reduce_sum3A_895 = tpu.scan <sum>, %add3A_888 masked %reduce_sum3A_894 : vector<16xf32>, vector<16xi1> -> vector<16xf32>
      %reduce_sum3A_896 = vector.extract %reduce_sum3A_895[15] : f32 from vector<16xf32>
      %eq3A_897 = arith.constant 8 : i32
      %eq3A_898 = vector.broadcast %eq3A_897 : i32 to vector<16xi32>
      %eq3A_899 = arith.cmpi eq, %iota3A, %eq3A_898 : vector<16xi32>
      %broadcast_in_dim3A_900 = vector.broadcast %reduce_sum3A_892 : f32 to vector<16xf32>
      %select_n3A_901 = arith.select %eq3A_899, %broadcast_in_dim3A_900, %select_n3A_832 : vector<16xi1>, vector<16xf32>
      %broadcast_in_dim3A_902 = vector.broadcast %reduce_sum3A_896 : f32 to vector<16xf32>
      %select_n3A_903 = arith.select %eq3A_899, %broadcast_in_dim3A_902, %select_n3A_834 : vector<16xi1>, vector<16xf32>
      %add3A_904 = arith.constant 9 : i32
      %add3A_905 = arith.addi %mul3A_286, %add3A_904 : i32
      %get3A_906 = arith.index_cast %add3A_905 : i32 to index
      %get3A_907 = arith.constant 0 : index
      %get3A_908 = tpu.vector_load %arg12[%get3A_906, %get3A_907] {strides = array<i32>} : memref<512x64xf32, #tpu.memory_space<vmem>>, vector<16xf32>,
      %get3A_909 = arith.index_cast %add3A_905 : i32 to index
      %get3A_910 = arith.constant 0 : index
      %get3A_911 = tpu.vector_load %arg13[%get3A_909, %get3A_910] {strides = array<i32>} : memref<512x64xf32, #tpu.memory_space<vmem>>, vector<16xf32>,
      %mul3A_912 = arith.mulf %get3A_908, %get3A_911 : vector<16xf32>
      %add3A_913 = arith.addf %broadcast_in_dim3A_276, %mul3A_912 : vector<16xf32>
      %get3A_914 = arith.index_cast %add3A_905 : i32 to index
      %get3A_915 = arith.constant 0 : index
      %get3A_916 = tpu.vector_load %arg14[%get3A_914, %get3A_915] {strides = array<i32>} : memref<512x64xf32, #tpu.memory_space<vmem>>, vector<16xf32>,
      %mul3A_917 = arith.mulf %get3A_908, %get3A_916 : vector<16xf32>
      %add3A_918 = arith.addf %broadcast_in_dim3A_276, %mul3A_917 : vector<16xf32>
      %get3A_919 = arith.index_cast %add3A_905 : i32 to index
      %get3A_920 = arith.constant 16 : index
      %get3A_921 = tpu.vector_load %arg12[%get3A_919, %get3A_920] {strides = array<i32>} : memref<512x64xf32, #tpu.memory_space<vmem>>, vector<16xf32>,
      %get3A_922 = arith.index_cast %add3A_905 : i32 to index
      %get3A_923 = arith.constant 16 : index
      %get3A_924 = tpu.vector_load %arg13[%get3A_922, %get3A_923] {strides = array<i32>} : memref<512x64xf32, #tpu.memory_space<vmem>>, vector<16xf32>,
      %mul3A_925 = arith.mulf %get3A_921, %get3A_924 : vector<16xf32>
      %add3A_926 = arith.addf %add3A_913, %mul3A_925 : vector<16xf32>
      %get3A_927 = arith.index_cast %add3A_905 : i32 to index
      %get3A_928 = arith.constant 16 : index
      %get3A_929 = tpu.vector_load %arg14[%get3A_927, %get3A_928] {strides = array<i32>} : memref<512x64xf32, #tpu.memory_space<vmem>>, vector<16xf32>,
      %mul3A_930 = arith.mulf %get3A_921, %get3A_929 : vector<16xf32>
      %add3A_931 = arith.addf %add3A_918, %mul3A_930 : vector<16xf32>
      %get3A_932 = arith.index_cast %add3A_905 : i32 to index
      %get3A_933 = arith.constant 32 : index
      %get3A_934 = tpu.vector_load %arg12[%get3A_932, %get3A_933] {strides = array<i32>} : memref<512x64xf32, #tpu.memory_space<vmem>>, vector<16xf32>,
      %get3A_935 = arith.index_cast %add3A_905 : i32 to index
      %get3A_936 = arith.constant 32 : index
      %get3A_937 = tpu.vector_load %arg13[%get3A_935, %get3A_936] {strides = array<i32>} : memref<512x64xf32, #tpu.memory_space<vmem>>, vector<16xf32>,
      %mul3A_938 = arith.mulf %get3A_934, %get3A_937 : vector<16xf32>
      %add3A_939 = arith.addf %add3A_926, %mul3A_938 : vector<16xf32>
      %get3A_940 = arith.index_cast %add3A_905 : i32 to index
      %get3A_941 = arith.constant 32 : index
      %get3A_942 = tpu.vector_load %arg14[%get3A_940, %get3A_941] {strides = array<i32>} : memref<512x64xf32, #tpu.memory_space<vmem>>, vector<16xf32>,
      %mul3A_943 = arith.mulf %get3A_934, %get3A_942 : vector<16xf32>
      %add3A_944 = arith.addf %add3A_931, %mul3A_943 : vector<16xf32>
      %get3A_945 = arith.index_cast %add3A_905 : i32 to index
      %get3A_946 = arith.constant 48 : index
      %get3A_947 = tpu.vector_load %arg12[%get3A_945, %get3A_946] {strides = array<i32>} : memref<512x64xf32, #tpu.memory_space<vmem>>, vector<16xf32>,
      %get3A_948 = arith.index_cast %add3A_905 : i32 to index
      %get3A_949 = arith.constant 48 : index
      %get3A_950 = tpu.vector_load %arg13[%get3A_948, %get3A_949] {strides = array<i32>} : memref<512x64xf32, #tpu.memory_space<vmem>>, vector<16xf32>,
      %mul3A_951 = arith.mulf %get3A_947, %get3A_950 : vector<16xf32>
      %add3A_952 = arith.addf %add3A_939, %mul3A_951 : vector<16xf32>
      %get3A_953 = arith.index_cast %add3A_905 : i32 to index
      %get3A_954 = arith.constant 48 : index
      %get3A_955 = tpu.vector_load %arg14[%get3A_953, %get3A_954] {strides = array<i32>} : memref<512x64xf32, #tpu.memory_space<vmem>>, vector<16xf32>,
      %mul3A_956 = arith.mulf %get3A_947, %get3A_955 : vector<16xf32>
      %add3A_957 = arith.addf %add3A_944, %mul3A_956 : vector<16xf32>
      %reduce_sum3A_958 = arith.constant true
      %reduce_sum3A_959 = vector.broadcast %reduce_sum3A_958 : i1 to vector<16xi1>
      %reduce_sum3A_960 = tpu.scan <sum>, %add3A_952 masked %reduce_sum3A_959 : vector<16xf32>, vector<16xi1> -> vector<16xf32>
      %reduce_sum3A_961 = vector.extract %reduce_sum3A_960[15] : f32 from vector<16xf32>
      %reduce_sum3A_962 = arith.constant true
      %reduce_sum3A_963 = vector.broadcast %reduce_sum3A_962 : i1 to vector<16xi1>
      %reduce_sum3A_964 = tpu.scan <sum>, %add3A_957 masked %reduce_sum3A_963 : vector<16xf32>, vector<16xi1> -> vector<16xf32>
      %reduce_sum3A_965 = vector.extract %reduce_sum3A_964[15] : f32 from vector<16xf32>
      %eq3A_966 = arith.constant 9 : i32
      %eq3A_967 = vector.broadcast %eq3A_966 : i32 to vector<16xi32>
      %eq3A_968 = arith.cmpi eq, %iota3A, %eq3A_967 : vector<16xi32>
      %broadcast_in_dim3A_969 = vector.broadcast %reduce_sum3A_961 : f32 to vector<16xf32>
      %select_n3A_970 = arith.select %eq3A_968, %broadcast_in_dim3A_969, %select_n3A_901 : vector<16xi1>, vector<16xf32>
      %broadcast_in_dim3A_971 = vector.broadcast %reduce_sum3A_965 : f32 to vector<16xf32>
      %select_n3A_972 = arith.select %eq3A_968, %broadcast_in_dim3A_971, %select_n3A_903 : vector<16xi1>, vector<16xf32>
      %add3A_973 = arith.constant 10 : i32
      %add3A_974 = arith.addi %mul3A_286, %add3A_973 : i32
      %get3A_975 = arith.index_cast %add3A_974 : i32 to index
      %get3A_976 = arith.constant 0 : index
      %get3A_977 = tpu.vector_load %arg12[%get3A_975, %get3A_976] {strides = array<i32>} : memref<512x64xf32, #tpu.memory_space<vmem>>, vector<16xf32>,
      %get3A_978 = arith.index_cast %add3A_974 : i32 to index
      %get3A_979 = arith.constant 0 : index
      %get3A_980 = tpu.vector_load %arg13[%get3A_978, %get3A_979] {strides = array<i32>} : memref<512x64xf32, #tpu.memory_space<vmem>>, vector<16xf32>,
      %mul3A_981 = arith.mulf %get3A_977, %get3A_980 : vector<16xf32>
      %add3A_982 = arith.addf %broadcast_in_dim3A_276, %mul3A_981 : vector<16xf32>
      %get3A_983 = arith.index_cast %add3A_974 : i32 to index
      %get3A_984 = arith.constant 0 : index
      %get3A_985 = tpu.vector_load %arg14[%get3A_983, %get3A_984] {strides = array<i32>} : memref<512x64xf32, #tpu.memory_space<vmem>>, vector<16xf32>,
      %mul3A_986 = arith.mulf %get3A_977, %get3A_985 : vector<16xf32>
      %add3A_987 = arith.addf %broadcast_in_dim3A_276, %mul3A_986 : vector<16xf32>
      %get3A_988 = arith.index_cast %add3A_974 : i32 to index
      %get3A_989 = arith.constant 16 : index
      %get3A_990 = tpu.vector_load %arg12[%get3A_988, %get3A_989] {strides = array<i32>} : memref<512x64xf32, #tpu.memory_space<vmem>>, vector<16xf32>,
      %get3A_991 = arith.index_cast %add3A_974 : i32 to index
      %get3A_992 = arith.constant 16 : index
      %get3A_993 = tpu.vector_load %arg13[%get3A_991, %get3A_992] {strides = array<i32>} : memref<512x64xf32, #tpu.memory_space<vmem>>, vector<16xf32>,
      %mul3A_994 = arith.mulf %get3A_990, %get3A_993 : vector<16xf32>
      %add3A_995 = arith.addf %add3A_982, %mul3A_994 : vector<16xf32>
      %get3A_996 = arith.index_cast %add3A_974 : i32 to index
      %get3A_997 = arith.constant 16 : index
      %get3A_998 = tpu.vector_load %arg14[%get3A_996, %get3A_997] {strides = array<i32>} : memref<512x64xf32, #tpu.memory_space<vmem>>, vector<16xf32>,
      %mul3A_999 = arith.mulf %get3A_990, %get3A_998 : vector<16xf32>
      %add3A_1000 = arith.addf %add3A_987, %mul3A_999 : vector<16xf32>
      %get3A_1001 = arith.index_cast %add3A_974 : i32 to index
      %get3A_1002 = arith.constant 32 : index
      %get3A_1003 = tpu.vector_load %arg12[%get3A_1001, %get3A_1002] {strides = array<i32>} : memref<512x64xf32, #tpu.memory_space<vmem>>, vector<16xf32>,
      %get3A_1004 = arith.index_cast %add3A_974 : i32 to index
      %get3A_1005 = arith.constant 32 : index
      %get3A_1006 = tpu.vector_load %arg13[%get3A_1004, %get3A_1005] {strides = array<i32>} : memref<512x64xf32, #tpu.memory_space<vmem>>, vector<16xf32>,
      %mul3A_1007 = arith.mulf %get3A_1003, %get3A_1006 : vector<16xf32>
      %add3A_1008 = arith.addf %add3A_995, %mul3A_1007 : vector<16xf32>
      %get3A_1009 = arith.index_cast %add3A_974 : i32 to index
      %get3A_1010 = arith.constant 32 : index
      %get3A_1011 = tpu.vector_load %arg14[%get3A_1009, %get3A_1010] {strides = array<i32>} : memref<512x64xf32, #tpu.memory_space<vmem>>, vector<16xf32>,
      %mul3A_1012 = arith.mulf %get3A_1003, %get3A_1011 : vector<16xf32>
      %add3A_1013 = arith.addf %add3A_1000, %mul3A_1012 : vector<16xf32>
      %get3A_1014 = arith.index_cast %add3A_974 : i32 to index
      %get3A_1015 = arith.constant 48 : index
      %get3A_1016 = tpu.vector_load %arg12[%get3A_1014, %get3A_1015] {strides = array<i32>} : memref<512x64xf32, #tpu.memory_space<vmem>>, vector<16xf32>,
      %get3A_1017 = arith.index_cast %add3A_974 : i32 to index
      %get3A_1018 = arith.constant 48 : index
      %get3A_1019 = tpu.vector_load %arg13[%get3A_1017, %get3A_1018] {strides = array<i32>} : memref<512x64xf32, #tpu.memory_space<vmem>>, vector<16xf32>,
      %mul3A_1020 = arith.mulf %get3A_1016, %get3A_1019 : vector<16xf32>
      %add3A_1021 = arith.addf %add3A_1008, %mul3A_1020 : vector<16xf32>
      %get3A_1022 = arith.index_cast %add3A_974 : i32 to index
      %get3A_1023 = arith.constant 48 : index
      %get3A_1024 = tpu.vector_load %arg14[%get3A_1022, %get3A_1023] {strides = array<i32>} : memref<512x64xf32, #tpu.memory_space<vmem>>, vector<16xf32>,
      %mul3A_1025 = arith.mulf %get3A_1016, %get3A_1024 : vector<16xf32>
      %add3A_1026 = arith.addf %add3A_1013, %mul3A_1025 : vector<16xf32>
      %reduce_sum3A_1027 = arith.constant true
      %reduce_sum3A_1028 = vector.broadcast %reduce_sum3A_1027 : i1 to vector<16xi1>
      %reduce_sum3A_1029 = tpu.scan <sum>, %add3A_1021 masked %reduce_sum3A_1028 : vector<16xf32>, vector<16xi1> -> vector<16xf32>
      %reduce_sum3A_1030 = vector.extract %reduce_sum3A_1029[15] : f32 from vector<16xf32>
      %reduce_sum3A_1031 = arith.constant true
      %reduce_sum3A_1032 = vector.broadcast %reduce_sum3A_1031 : i1 to vector<16xi1>
      %reduce_sum3A_1033 = tpu.scan <sum>, %add3A_1026 masked %reduce_sum3A_1032 : vector<16xf32>, vector<16xi1> -> vector<16xf32>
      %reduce_sum3A_1034 = vector.extract %reduce_sum3A_1033[15] : f32 from vector<16xf32>
      %eq3A_1035 = arith.constant 10 : i32
      %eq3A_1036 = vector.broadcast %eq3A_1035 : i32 to vector<16xi32>
      %eq3A_1037 = arith.cmpi eq, %iota3A, %eq3A_1036 : vector<16xi32>
      %broadcast_in_dim3A_1038 = vector.broadcast %reduce_sum3A_1030 : f32 to vector<16xf32>
      %select_n3A_1039 = arith.select %eq3A_1037, %broadcast_in_dim3A_1038, %select_n3A_970 : vector<16xi1>, vector<16xf32>
      %broadcast_in_dim3A_1040 = vector.broadcast %reduce_sum3A_1034 : f32 to vector<16xf32>
      %select_n3A_1041 = arith.select %eq3A_1037, %broadcast_in_dim3A_1040, %select_n3A_972 : vector<16xi1>, vector<16xf32>
      %add3A_1042 = arith.constant 11 : i32
      %add3A_1043 = arith.addi %mul3A_286, %add3A_1042 : i32
      %get3A_1044 = arith.index_cast %add3A_1043 : i32 to index
      %get3A_1045 = arith.constant 0 : index
      %get3A_1046 = tpu.vector_load %arg12[%get3A_1044, %get3A_1045] {strides = array<i32>} : memref<512x64xf32, #tpu.memory_space<vmem>>, vector<16xf32>,
      %get3A_1047 = arith.index_cast %add3A_1043 : i32 to index
      %get3A_1048 = arith.constant 0 : index
      %get3A_1049 = tpu.vector_load %arg13[%get3A_1047, %get3A_1048] {strides = array<i32>} : memref<512x64xf32, #tpu.memory_space<vmem>>, vector<16xf32>,
      %mul3A_1050 = arith.mulf %get3A_1046, %get3A_1049 : vector<16xf32>
      %add3A_1051 = arith.addf %broadcast_in_dim3A_276, %mul3A_1050 : vector<16xf32>
      %get3A_1052 = arith.index_cast %add3A_1043 : i32 to index
      %get3A_1053 = arith.constant 0 : index
      %get3A_1054 = tpu.vector_load %arg14[%get3A_1052, %get3A_1053] {strides = array<i32>} : memref<512x64xf32, #tpu.memory_space<vmem>>, vector<16xf32>,
      %mul3A_1055 = arith.mulf %get3A_1046, %get3A_1054 : vector<16xf32>
      %add3A_1056 = arith.addf %broadcast_in_dim3A_276, %mul3A_1055 : vector<16xf32>
      %get3A_1057 = arith.index_cast %add3A_1043 : i32 to index
      %get3A_1058 = arith.constant 16 : index
      %get3A_1059 = tpu.vector_load %arg12[%get3A_1057, %get3A_1058] {strides = array<i32>} : memref<512x64xf32, #tpu.memory_space<vmem>>, vector<16xf32>,
      %get3A_1060 = arith.index_cast %add3A_1043 : i32 to index
      %get3A_1061 = arith.constant 16 : index
      %get3A_1062 = tpu.vector_load %arg13[%get3A_1060, %get3A_1061] {strides = array<i32>} : memref<512x64xf32, #tpu.memory_space<vmem>>, vector<16xf32>,
      %mul3A_1063 = arith.mulf %get3A_1059, %get3A_1062 : vector<16xf32>
      %add3A_1064 = arith.addf %add3A_1051, %mul3A_1063 : vector<16xf32>
      %get3A_1065 = arith.index_cast %add3A_1043 : i32 to index
      %get3A_1066 = arith.constant 16 : index
      %get3A_1067 = tpu.vector_load %arg14[%get3A_1065, %get3A_1066] {strides = array<i32>} : memref<512x64xf32, #tpu.memory_space<vmem>>, vector<16xf32>,
      %mul3A_1068 = arith.mulf %get3A_1059, %get3A_1067 : vector<16xf32>
      %add3A_1069 = arith.addf %add3A_1056, %mul3A_1068 : vector<16xf32>
      %get3A_1070 = arith.index_cast %add3A_1043 : i32 to index
      %get3A_1071 = arith.constant 32 : index
      %get3A_1072 = tpu.vector_load %arg12[%get3A_1070, %get3A_1071] {strides = array<i32>} : memref<512x64xf32, #tpu.memory_space<vmem>>, vector<16xf32>,
      %get3A_1073 = arith.index_cast %add3A_1043 : i32 to index
      %get3A_1074 = arith.constant 32 : index
      %get3A_1075 = tpu.vector_load %arg13[%get3A_1073, %get3A_1074] {strides = array<i32>} : memref<512x64xf32, #tpu.memory_space<vmem>>, vector<16xf32>,
      %mul3A_1076 = arith.mulf %get3A_1072, %get3A_1075 : vector<16xf32>
      %add3A_1077 = arith.addf %add3A_1064, %mul3A_1076 : vector<16xf32>
      %get3A_1078 = arith.index_cast %add3A_1043 : i32 to index
      %get3A_1079 = arith.constant 32 : index
      %get3A_1080 = tpu.vector_load %arg14[%get3A_1078, %get3A_1079] {strides = array<i32>} : memref<512x64xf32, #tpu.memory_space<vmem>>, vector<16xf32>,
      %mul3A_1081 = arith.mulf %get3A_1072, %get3A_1080 : vector<16xf32>
      %add3A_1082 = arith.addf %add3A_1069, %mul3A_1081 : vector<16xf32>
      %get3A_1083 = arith.index_cast %add3A_1043 : i32 to index
      %get3A_1084 = arith.constant 48 : index
      %get3A_1085 = tpu.vector_load %arg12[%get3A_1083, %get3A_1084] {strides = array<i32>} : memref<512x64xf32, #tpu.memory_space<vmem>>, vector<16xf32>,
      %get3A_1086 = arith.index_cast %add3A_1043 : i32 to index
      %get3A_1087 = arith.constant 48 : index
      %get3A_1088 = tpu.vector_load %arg13[%get3A_1086, %get3A_1087] {strides = array<i32>} : memref<512x64xf32, #tpu.memory_space<vmem>>, vector<16xf32>,
      %mul3A_1089 = arith.mulf %get3A_1085, %get3A_1088 : vector<16xf32>
      %add3A_1090 = arith.addf %add3A_1077, %mul3A_1089 : vector<16xf32>
      %get3A_1091 = arith.index_cast %add3A_1043 : i32 to index
      %get3A_1092 = arith.constant 48 : index
      %get3A_1093 = tpu.vector_load %arg14[%get3A_1091, %get3A_1092] {strides = array<i32>} : memref<512x64xf32, #tpu.memory_space<vmem>>, vector<16xf32>,
      %mul3A_1094 = arith.mulf %get3A_1085, %get3A_1093 : vector<16xf32>
      %add3A_1095 = arith.addf %add3A_1082, %mul3A_1094 : vector<16xf32>
      %reduce_sum3A_1096 = arith.constant true
      %reduce_sum3A_1097 = vector.broadcast %reduce_sum3A_1096 : i1 to vector<16xi1>
      %reduce_sum3A_1098 = tpu.scan <sum>, %add3A_1090 masked %reduce_sum3A_1097 : vector<16xf32>, vector<16xi1> -> vector<16xf32>
      %reduce_sum3A_1099 = vector.extract %reduce_sum3A_1098[15] : f32 from vector<16xf32>
      %reduce_sum3A_1100 = arith.constant true
      %reduce_sum3A_1101 = vector.broadcast %reduce_sum3A_1100 : i1 to vector<16xi1>
      %reduce_sum3A_1102 = tpu.scan <sum>, %add3A_1095 masked %reduce_sum3A_1101 : vector<16xf32>, vector<16xi1> -> vector<16xf32>
      %reduce_sum3A_1103 = vector.extract %reduce_sum3A_1102[15] : f32 from vector<16xf32>
      %eq3A_1104 = arith.constant 11 : i32
      %eq3A_1105 = vector.broadcast %eq3A_1104 : i32 to vector<16xi32>
      %eq3A_1106 = arith.cmpi eq, %iota3A, %eq3A_1105 : vector<16xi32>
      %broadcast_in_dim3A_1107 = vector.broadcast %reduce_sum3A_1099 : f32 to vector<16xf32>
      %select_n3A_1108 = arith.select %eq3A_1106, %broadcast_in_dim3A_1107, %select_n3A_1039 : vector<16xi1>, vector<16xf32>
      %broadcast_in_dim3A_1109 = vector.broadcast %reduce_sum3A_1103 : f32 to vector<16xf32>
      %select_n3A_1110 = arith.select %eq3A_1106, %broadcast_in_dim3A_1109, %select_n3A_1041 : vector<16xi1>, vector<16xf32>
      %add3A_1111 = arith.constant 12 : i32
      %add3A_1112 = arith.addi %mul3A_286, %add3A_1111 : i32
      %get3A_1113 = arith.index_cast %add3A_1112 : i32 to index
      %get3A_1114 = arith.constant 0 : index
      %get3A_1115 = tpu.vector_load %arg12[%get3A_1113, %get3A_1114] {strides = array<i32>} : memref<512x64xf32, #tpu.memory_space<vmem>>, vector<16xf32>,
      %get3A_1116 = arith.index_cast %add3A_1112 : i32 to index
      %get3A_1117 = arith.constant 0 : index
      %get3A_1118 = tpu.vector_load %arg13[%get3A_1116, %get3A_1117] {strides = array<i32>} : memref<512x64xf32, #tpu.memory_space<vmem>>, vector<16xf32>,
      %mul3A_1119 = arith.mulf %get3A_1115, %get3A_1118 : vector<16xf32>
      %add3A_1120 = arith.addf %broadcast_in_dim3A_276, %mul3A_1119 : vector<16xf32>
      %get3A_1121 = arith.index_cast %add3A_1112 : i32 to index
      %get3A_1122 = arith.constant 0 : index
      %get3A_1123 = tpu.vector_load %arg14[%get3A_1121, %get3A_1122] {strides = array<i32>} : memref<512x64xf32, #tpu.memory_space<vmem>>, vector<16xf32>,
      %mul3A_1124 = arith.mulf %get3A_1115, %get3A_1123 : vector<16xf32>
      %add3A_1125 = arith.addf %broadcast_in_dim3A_276, %mul3A_1124 : vector<16xf32>
      %get3A_1126 = arith.index_cast %add3A_1112 : i32 to index
      %get3A_1127 = arith.constant 16 : index
      %get3A_1128 = tpu.vector_load %arg12[%get3A_1126, %get3A_1127] {strides = array<i32>} : memref<512x64xf32, #tpu.memory_space<vmem>>, vector<16xf32>,
      %get3A_1129 = arith.index_cast %add3A_1112 : i32 to index
      %get3A_1130 = arith.constant 16 : index
      %get3A_1131 = tpu.vector_load %arg13[%get3A_1129, %get3A_1130] {strides = array<i32>} : memref<512x64xf32, #tpu.memory_space<vmem>>, vector<16xf32>,
      %mul3A_1132 = arith.mulf %get3A_1128, %get3A_1131 : vector<16xf32>
      %add3A_1133 = arith.addf %add3A_1120, %mul3A_1132 : vector<16xf32>
      %get3A_1134 = arith.index_cast %add3A_1112 : i32 to index
      %get3A_1135 = arith.constant 16 : index
      %get3A_1136 = tpu.vector_load %arg14[%get3A_1134, %get3A_1135] {strides = array<i32>} : memref<512x64xf32, #tpu.memory_space<vmem>>, vector<16xf32>,
      %mul3A_1137 = arith.mulf %get3A_1128, %get3A_1136 : vector<16xf32>
      %add3A_1138 = arith.addf %add3A_1125, %mul3A_1137 : vector<16xf32>
      %get3A_1139 = arith.index_cast %add3A_1112 : i32 to index
      %get3A_1140 = arith.constant 32 : index
      %get3A_1141 = tpu.vector_load %arg12[%get3A_1139, %get3A_1140] {strides = array<i32>} : memref<512x64xf32, #tpu.memory_space<vmem>>, vector<16xf32>,
      %get3A_1142 = arith.index_cast %add3A_1112 : i32 to index
      %get3A_1143 = arith.constant 32 : index
      %get3A_1144 = tpu.vector_load %arg13[%get3A_1142, %get3A_1143] {strides = array<i32>} : memref<512x64xf32, #tpu.memory_space<vmem>>, vector<16xf32>,
      %mul3A_1145 = arith.mulf %get3A_1141, %get3A_1144 : vector<16xf32>
      %add3A_1146 = arith.addf %add3A_1133, %mul3A_1145 : vector<16xf32>
      %get3A_1147 = arith.index_cast %add3A_1112 : i32 to index
      %get3A_1148 = arith.constant 32 : index
      %get3A_1149 = tpu.vector_load %arg14[%get3A_1147, %get3A_1148] {strides = array<i32>} : memref<512x64xf32, #tpu.memory_space<vmem>>, vector<16xf32>,
      %mul3A_1150 = arith.mulf %get3A_1141, %get3A_1149 : vector<16xf32>
      %add3A_1151 = arith.addf %add3A_1138, %mul3A_1150 : vector<16xf32>
      %get3A_1152 = arith.index_cast %add3A_1112 : i32 to index
      %get3A_1153 = arith.constant 48 : index
      %get3A_1154 = tpu.vector_load %arg12[%get3A_1152, %get3A_1153] {strides = array<i32>} : memref<512x64xf32, #tpu.memory_space<vmem>>, vector<16xf32>,
      %get3A_1155 = arith.index_cast %add3A_1112 : i32 to index
      %get3A_1156 = arith.constant 48 : index
      %get3A_1157 = tpu.vector_load %arg13[%get3A_1155, %get3A_1156] {strides = array<i32>} : memref<512x64xf32, #tpu.memory_space<vmem>>, vector<16xf32>,
      %mul3A_1158 = arith.mulf %get3A_1154, %get3A_1157 : vector<16xf32>
      %add3A_1159 = arith.addf %add3A_1146, %mul3A_1158 : vector<16xf32>
      %get3A_1160 = arith.index_cast %add3A_1112 : i32 to index
      %get3A_1161 = arith.constant 48 : index
      %get3A_1162 = tpu.vector_load %arg14[%get3A_1160, %get3A_1161] {strides = array<i32>} : memref<512x64xf32, #tpu.memory_space<vmem>>, vector<16xf32>,
      %mul3A_1163 = arith.mulf %get3A_1154, %get3A_1162 : vector<16xf32>
      %add3A_1164 = arith.addf %add3A_1151, %mul3A_1163 : vector<16xf32>
      %reduce_sum3A_1165 = arith.constant true
      %reduce_sum3A_1166 = vector.broadcast %reduce_sum3A_1165 : i1 to vector<16xi1>
      %reduce_sum3A_1167 = tpu.scan <sum>, %add3A_1159 masked %reduce_sum3A_1166 : vector<16xf32>, vector<16xi1> -> vector<16xf32>
      %reduce_sum3A_1168 = vector.extract %reduce_sum3A_1167[15] : f32 from vector<16xf32>
      %reduce_sum3A_1169 = arith.constant true
      %reduce_sum3A_1170 = vector.broadcast %reduce_sum3A_1169 : i1 to vector<16xi1>
      %reduce_sum3A_1171 = tpu.scan <sum>, %add3A_1164 masked %reduce_sum3A_1170 : vector<16xf32>, vector<16xi1> -> vector<16xf32>
      %reduce_sum3A_1172 = vector.extract %reduce_sum3A_1171[15] : f32 from vector<16xf32>
      %eq3A_1173 = arith.constant 12 : i32
      %eq3A_1174 = vector.broadcast %eq3A_1173 : i32 to vector<16xi32>
      %eq3A_1175 = arith.cmpi eq, %iota3A, %eq3A_1174 : vector<16xi32>
      %broadcast_in_dim3A_1176 = vector.broadcast %reduce_sum3A_1168 : f32 to vector<16xf32>
      %select_n3A_1177 = arith.select %eq3A_1175, %broadcast_in_dim3A_1176, %select_n3A_1108 : vector<16xi1>, vector<16xf32>
      %broadcast_in_dim3A_1178 = vector.broadcast %reduce_sum3A_1172 : f32 to vector<16xf32>
      %select_n3A_1179 = arith.select %eq3A_1175, %broadcast_in_dim3A_1178, %select_n3A_1110 : vector<16xi1>, vector<16xf32>
      %add3A_1180 = arith.constant 13 : i32
      %add3A_1181 = arith.addi %mul3A_286, %add3A_1180 : i32
      %get3A_1182 = arith.index_cast %add3A_1181 : i32 to index
      %get3A_1183 = arith.constant 0 : index
      %get3A_1184 = tpu.vector_load %arg12[%get3A_1182, %get3A_1183] {strides = array<i32>} : memref<512x64xf32, #tpu.memory_space<vmem>>, vector<16xf32>,
      %get3A_1185 = arith.index_cast %add3A_1181 : i32 to index
      %get3A_1186 = arith.constant 0 : index
      %get3A_1187 = tpu.vector_load %arg13[%get3A_1185, %get3A_1186] {strides = array<i32>} : memref<512x64xf32, #tpu.memory_space<vmem>>, vector<16xf32>,
      %mul3A_1188 = arith.mulf %get3A_1184, %get3A_1187 : vector<16xf32>
      %add3A_1189 = arith.addf %broadcast_in_dim3A_276, %mul3A_1188 : vector<16xf32>
      %get3A_1190 = arith.index_cast %add3A_1181 : i32 to index
      %get3A_1191 = arith.constant 0 : index
      %get3A_1192 = tpu.vector_load %arg14[%get3A_1190, %get3A_1191] {strides = array<i32>} : memref<512x64xf32, #tpu.memory_space<vmem>>, vector<16xf32>,
      %mul3A_1193 = arith.mulf %get3A_1184, %get3A_1192 : vector<16xf32>
      %add3A_1194 = arith.addf %broadcast_in_dim3A_276, %mul3A_1193 : vector<16xf32>
      %get3A_1195 = arith.index_cast %add3A_1181 : i32 to index
      %get3A_1196 = arith.constant 16 : index
      %get3A_1197 = tpu.vector_load %arg12[%get3A_1195, %get3A_1196] {strides = array<i32>} : memref<512x64xf32, #tpu.memory_space<vmem>>, vector<16xf32>,
      %get3A_1198 = arith.index_cast %add3A_1181 : i32 to index
      %get3A_1199 = arith.constant 16 : index
      %get3A_1200 = tpu.vector_load %arg13[%get3A_1198, %get3A_1199] {strides = array<i32>} : memref<512x64xf32, #tpu.memory_space<vmem>>, vector<16xf32>,
      %mul3A_1201 = arith.mulf %get3A_1197, %get3A_1200 : vector<16xf32>
      %add3A_1202 = arith.addf %add3A_1189, %mul3A_1201 : vector<16xf32>
      %get3A_1203 = arith.index_cast %add3A_1181 : i32 to index
      %get3A_1204 = arith.constant 16 : index
      %get3A_1205 = tpu.vector_load %arg14[%get3A_1203, %get3A_1204] {strides = array<i32>} : memref<512x64xf32, #tpu.memory_space<vmem>>, vector<16xf32>,
      %mul3A_1206 = arith.mulf %get3A_1197, %get3A_1205 : vector<16xf32>
      %add3A_1207 = arith.addf %add3A_1194, %mul3A_1206 : vector<16xf32>
      %get3A_1208 = arith.index_cast %add3A_1181 : i32 to index
      %get3A_1209 = arith.constant 32 : index
      %get3A_1210 = tpu.vector_load %arg12[%get3A_1208, %get3A_1209] {strides = array<i32>} : memref<512x64xf32, #tpu.memory_space<vmem>>, vector<16xf32>,
      %get3A_1211 = arith.index_cast %add3A_1181 : i32 to index
      %get3A_1212 = arith.constant 32 : index
      %get3A_1213 = tpu.vector_load %arg13[%get3A_1211, %get3A_1212] {strides = array<i32>} : memref<512x64xf32, #tpu.memory_space<vmem>>, vector<16xf32>,
      %mul3A_1214 = arith.mulf %get3A_1210, %get3A_1213 : vector<16xf32>
      %add3A_1215 = arith.addf %add3A_1202, %mul3A_1214 : vector<16xf32>
      %get3A_1216 = arith.index_cast %add3A_1181 : i32 to index
      %get3A_1217 = arith.constant 32 : index
      %get3A_1218 = tpu.vector_load %arg14[%get3A_1216, %get3A_1217] {strides = array<i32>} : memref<512x64xf32, #tpu.memory_space<vmem>>, vector<16xf32>,
      %mul3A_1219 = arith.mulf %get3A_1210, %get3A_1218 : vector<16xf32>
      %add3A_1220 = arith.addf %add3A_1207, %mul3A_1219 : vector<16xf32>
      %get3A_1221 = arith.index_cast %add3A_1181 : i32 to index
      %get3A_1222 = arith.constant 48 : index
      %get3A_1223 = tpu.vector_load %arg12[%get3A_1221, %get3A_1222] {strides = array<i32>} : memref<512x64xf32, #tpu.memory_space<vmem>>, vector<16xf32>,
      %get3A_1224 = arith.index_cast %add3A_1181 : i32 to index
      %get3A_1225 = arith.constant 48 : index
      %get3A_1226 = tpu.vector_load %arg13[%get3A_1224, %get3A_1225] {strides = array<i32>} : memref<512x64xf32, #tpu.memory_space<vmem>>, vector<16xf32>,
      %mul3A_1227 = arith.mulf %get3A_1223, %get3A_1226 : vector<16xf32>
      %add3A_1228 = arith.addf %add3A_1215, %mul3A_1227 : vector<16xf32>
      %get3A_1229 = arith.index_cast %add3A_1181 : i32 to index
      %get3A_1230 = arith.constant 48 : index
      %get3A_1231 = tpu.vector_load %arg14[%get3A_1229, %get3A_1230] {strides = array<i32>} : memref<512x64xf32, #tpu.memory_space<vmem>>, vector<16xf32>,
      %mul3A_1232 = arith.mulf %get3A_1223, %get3A_1231 : vector<16xf32>
      %add3A_1233 = arith.addf %add3A_1220, %mul3A_1232 : vector<16xf32>
      %reduce_sum3A_1234 = arith.constant true
      %reduce_sum3A_1235 = vector.broadcast %reduce_sum3A_1234 : i1 to vector<16xi1>
      %reduce_sum3A_1236 = tpu.scan <sum>, %add3A_1228 masked %reduce_sum3A_1235 : vector<16xf32>, vector<16xi1> -> vector<16xf32>
      %reduce_sum3A_1237 = vector.extract %reduce_sum3A_1236[15] : f32 from vector<16xf32>
      %reduce_sum3A_1238 = arith.constant true
      %reduce_sum3A_1239 = vector.broadcast %reduce_sum3A_1238 : i1 to vector<16xi1>
      %reduce_sum3A_1240 = tpu.scan <sum>, %add3A_1233 masked %reduce_sum3A_1239 : vector<16xf32>, vector<16xi1> -> vector<16xf32>
      %reduce_sum3A_1241 = vector.extract %reduce_sum3A_1240[15] : f32 from vector<16xf32>
      %eq3A_1242 = arith.constant 13 : i32
      %eq3A_1243 = vector.broadcast %eq3A_1242 : i32 to vector<16xi32>
      %eq3A_1244 = arith.cmpi eq, %iota3A, %eq3A_1243 : vector<16xi32>
      %broadcast_in_dim3A_1245 = vector.broadcast %reduce_sum3A_1237 : f32 to vector<16xf32>
      %select_n3A_1246 = arith.select %eq3A_1244, %broadcast_in_dim3A_1245, %select_n3A_1177 : vector<16xi1>, vector<16xf32>
      %broadcast_in_dim3A_1247 = vector.broadcast %reduce_sum3A_1241 : f32 to vector<16xf32>
      %select_n3A_1248 = arith.select %eq3A_1244, %broadcast_in_dim3A_1247, %select_n3A_1179 : vector<16xi1>, vector<16xf32>
      %add3A_1249 = arith.constant 14 : i32
      %add3A_1250 = arith.addi %mul3A_286, %add3A_1249 : i32
      %get3A_1251 = arith.index_cast %add3A_1250 : i32 to index
      %get3A_1252 = arith.constant 0 : index
      %get3A_1253 = tpu.vector_load %arg12[%get3A_1251, %get3A_1252] {strides = array<i32>} : memref<512x64xf32, #tpu.memory_space<vmem>>, vector<16xf32>,
      %get3A_1254 = arith.index_cast %add3A_1250 : i32 to index
      %get3A_1255 = arith.constant 0 : index
      %get3A_1256 = tpu.vector_load %arg13[%get3A_1254, %get3A_1255] {strides = array<i32>} : memref<512x64xf32, #tpu.memory_space<vmem>>, vector<16xf32>,
      %mul3A_1257 = arith.mulf %get3A_1253, %get3A_1256 : vector<16xf32>
      %add3A_1258 = arith.addf %broadcast_in_dim3A_276, %mul3A_1257 : vector<16xf32>
      %get3A_1259 = arith.index_cast %add3A_1250 : i32 to index
      %get3A_1260 = arith.constant 0 : index
      %get3A_1261 = tpu.vector_load %arg14[%get3A_1259, %get3A_1260] {strides = array<i32>} : memref<512x64xf32, #tpu.memory_space<vmem>>, vector<16xf32>,
      %mul3A_1262 = arith.mulf %get3A_1253, %get3A_1261 : vector<16xf32>
      %add3A_1263 = arith.addf %broadcast_in_dim3A_276, %mul3A_1262 : vector<16xf32>
      %get3A_1264 = arith.index_cast %add3A_1250 : i32 to index
      %get3A_1265 = arith.constant 16 : index
      %get3A_1266 = tpu.vector_load %arg12[%get3A_1264, %get3A_1265] {strides = array<i32>} : memref<512x64xf32, #tpu.memory_space<vmem>>, vector<16xf32>,
      %get3A_1267 = arith.index_cast %add3A_1250 : i32 to index
      %get3A_1268 = arith.constant 16 : index
      %get3A_1269 = tpu.vector_load %arg13[%get3A_1267, %get3A_1268] {strides = array<i32>} : memref<512x64xf32, #tpu.memory_space<vmem>>, vector<16xf32>,
      %mul3A_1270 = arith.mulf %get3A_1266, %get3A_1269 : vector<16xf32>
      %add3A_1271 = arith.addf %add3A_1258, %mul3A_1270 : vector<16xf32>
      %get3A_1272 = arith.index_cast %add3A_1250 : i32 to index
      %get3A_1273 = arith.constant 16 : index
      %get3A_1274 = tpu.vector_load %arg14[%get3A_1272, %get3A_1273] {strides = array<i32>} : memref<512x64xf32, #tpu.memory_space<vmem>>, vector<16xf32>,
      %mul3A_1275 = arith.mulf %get3A_1266, %get3A_1274 : vector<16xf32>
      %add3A_1276 = arith.addf %add3A_1263, %mul3A_1275 : vector<16xf32>
      %get3A_1277 = arith.index_cast %add3A_1250 : i32 to index
      %get3A_1278 = arith.constant 32 : index
      %get3A_1279 = tpu.vector_load %arg12[%get3A_1277, %get3A_1278] {strides = array<i32>} : memref<512x64xf32, #tpu.memory_space<vmem>>, vector<16xf32>,
      %get3A_1280 = arith.index_cast %add3A_1250 : i32 to index
      %get3A_1281 = arith.constant 32 : index
      %get3A_1282 = tpu.vector_load %arg13[%get3A_1280, %get3A_1281] {strides = array<i32>} : memref<512x64xf32, #tpu.memory_space<vmem>>, vector<16xf32>,
      %mul3A_1283 = arith.mulf %get3A_1279, %get3A_1282 : vector<16xf32>
      %add3A_1284 = arith.addf %add3A_1271, %mul3A_1283 : vector<16xf32>
      %get3A_1285 = arith.index_cast %add3A_1250 : i32 to index
      %get3A_1286 = arith.constant 32 : index
      %get3A_1287 = tpu.vector_load %arg14[%get3A_1285, %get3A_1286] {strides = array<i32>} : memref<512x64xf32, #tpu.memory_space<vmem>>, vector<16xf32>,
      %mul3A_1288 = arith.mulf %get3A_1279, %get3A_1287 : vector<16xf32>
      %add3A_1289 = arith.addf %add3A_1276, %mul3A_1288 : vector<16xf32>
      %get3A_1290 = arith.index_cast %add3A_1250 : i32 to index
      %get3A_1291 = arith.constant 48 : index
      %get3A_1292 = tpu.vector_load %arg12[%get3A_1290, %get3A_1291] {strides = array<i32>} : memref<512x64xf32, #tpu.memory_space<vmem>>, vector<16xf32>,
      %get3A_1293 = arith.index_cast %add3A_1250 : i32 to index
      %get3A_1294 = arith.constant 48 : index
      %get3A_1295 = tpu.vector_load %arg13[%get3A_1293, %get3A_1294] {strides = array<i32>} : memref<512x64xf32, #tpu.memory_space<vmem>>, vector<16xf32>,
      %mul3A_1296 = arith.mulf %get3A_1292, %get3A_1295 : vector<16xf32>
      %add3A_1297 = arith.addf %add3A_1284, %mul3A_1296 : vector<16xf32>
      %get3A_1298 = arith.index_cast %add3A_1250 : i32 to index
      %get3A_1299 = arith.constant 48 : index
      %get3A_1300 = tpu.vector_load %arg14[%get3A_1298, %get3A_1299] {strides = array<i32>} : memref<512x64xf32, #tpu.memory_space<vmem>>, vector<16xf32>,
      %mul3A_1301 = arith.mulf %get3A_1292, %get3A_1300 : vector<16xf32>
      %add3A_1302 = arith.addf %add3A_1289, %mul3A_1301 : vector<16xf32>
      %reduce_sum3A_1303 = arith.constant true
      %reduce_sum3A_1304 = vector.broadcast %reduce_sum3A_1303 : i1 to vector<16xi1>
      %reduce_sum3A_1305 = tpu.scan <sum>, %add3A_1297 masked %reduce_sum3A_1304 : vector<16xf32>, vector<16xi1> -> vector<16xf32>
      %reduce_sum3A_1306 = vector.extract %reduce_sum3A_1305[15] : f32 from vector<16xf32>
      %reduce_sum3A_1307 = arith.constant true
      %reduce_sum3A_1308 = vector.broadcast %reduce_sum3A_1307 : i1 to vector<16xi1>
      %reduce_sum3A_1309 = tpu.scan <sum>, %add3A_1302 masked %reduce_sum3A_1308 : vector<16xf32>, vector<16xi1> -> vector<16xf32>
      %reduce_sum3A_1310 = vector.extract %reduce_sum3A_1309[15] : f32 from vector<16xf32>
      %eq3A_1311 = arith.constant 14 : i32
      %eq3A_1312 = vector.broadcast %eq3A_1311 : i32 to vector<16xi32>
      %eq3A_1313 = arith.cmpi eq, %iota3A, %eq3A_1312 : vector<16xi32>
      %broadcast_in_dim3A_1314 = vector.broadcast %reduce_sum3A_1306 : f32 to vector<16xf32>
      %select_n3A_1315 = arith.select %eq3A_1313, %broadcast_in_dim3A_1314, %select_n3A_1246 : vector<16xi1>, vector<16xf32>
      %broadcast_in_dim3A_1316 = vector.broadcast %reduce_sum3A_1310 : f32 to vector<16xf32>
      %select_n3A_1317 = arith.select %eq3A_1313, %broadcast_in_dim3A_1316, %select_n3A_1248 : vector<16xi1>, vector<16xf32>
      %add3A_1318 = arith.constant 15 : i32
      %add3A_1319 = arith.addi %mul3A_286, %add3A_1318 : i32
      %get3A_1320 = arith.index_cast %add3A_1319 : i32 to index
      %get3A_1321 = arith.constant 0 : index
      %get3A_1322 = tpu.vector_load %arg12[%get3A_1320, %get3A_1321] {strides = array<i32>} : memref<512x64xf32, #tpu.memory_space<vmem>>, vector<16xf32>,
      %get3A_1323 = arith.index_cast %add3A_1319 : i32 to index
      %get3A_1324 = arith.constant 0 : index
      %get3A_1325 = tpu.vector_load %arg13[%get3A_1323, %get3A_1324] {strides = array<i32>} : memref<512x64xf32, #tpu.memory_space<vmem>>, vector<16xf32>,
      %mul3A_1326 = arith.mulf %get3A_1322, %get3A_1325 : vector<16xf32>
      %add3A_1327 = arith.addf %broadcast_in_dim3A_276, %mul3A_1326 : vector<16xf32>
      %get3A_1328 = arith.index_cast %add3A_1319 : i32 to index
      %get3A_1329 = arith.constant 0 : index
      %get3A_1330 = tpu.vector_load %arg14[%get3A_1328, %get3A_1329] {strides = array<i32>} : memref<512x64xf32, #tpu.memory_space<vmem>>, vector<16xf32>,
      %mul3A_1331 = arith.mulf %get3A_1322, %get3A_1330 : vector<16xf32>
      %add3A_1332 = arith.addf %broadcast_in_dim3A_276, %mul3A_1331 : vector<16xf32>
      %get3A_1333 = arith.index_cast %add3A_1319 : i32 to index
      %get3A_1334 = arith.constant 16 : index
      %get3A_1335 = tpu.vector_load %arg12[%get3A_1333, %get3A_1334] {strides = array<i32>} : memref<512x64xf32, #tpu.memory_space<vmem>>, vector<16xf32>,
      %get3A_1336 = arith.index_cast %add3A_1319 : i32 to index
      %get3A_1337 = arith.constant 16 : index
      %get3A_1338 = tpu.vector_load %arg13[%get3A_1336, %get3A_1337] {strides = array<i32>} : memref<512x64xf32, #tpu.memory_space<vmem>>, vector<16xf32>,
      %mul3A_1339 = arith.mulf %get3A_1335, %get3A_1338 : vector<16xf32>
      %add3A_1340 = arith.addf %add3A_1327, %mul3A_1339 : vector<16xf32>
      %get3A_1341 = arith.index_cast %add3A_1319 : i32 to index
      %get3A_1342 = arith.constant 16 : index
      %get3A_1343 = tpu.vector_load %arg14[%get3A_1341, %get3A_1342] {strides = array<i32>} : memref<512x64xf32, #tpu.memory_space<vmem>>, vector<16xf32>,
      %mul3A_1344 = arith.mulf %get3A_1335, %get3A_1343 : vector<16xf32>
      %add3A_1345 = arith.addf %add3A_1332, %mul3A_1344 : vector<16xf32>
      %get3A_1346 = arith.index_cast %add3A_1319 : i32 to index
      %get3A_1347 = arith.constant 32 : index
      %get3A_1348 = tpu.vector_load %arg12[%get3A_1346, %get3A_1347] {strides = array<i32>} : memref<512x64xf32, #tpu.memory_space<vmem>>, vector<16xf32>,
      %get3A_1349 = arith.index_cast %add3A_1319 : i32 to index
      %get3A_1350 = arith.constant 32 : index
      %get3A_1351 = tpu.vector_load %arg13[%get3A_1349, %get3A_1350] {strides = array<i32>} : memref<512x64xf32, #tpu.memory_space<vmem>>, vector<16xf32>,
      %mul3A_1352 = arith.mulf %get3A_1348, %get3A_1351 : vector<16xf32>
      %add3A_1353 = arith.addf %add3A_1340, %mul3A_1352 : vector<16xf32>
      %get3A_1354 = arith.index_cast %add3A_1319 : i32 to index
      %get3A_1355 = arith.constant 32 : index
      %get3A_1356 = tpu.vector_load %arg14[%get3A_1354, %get3A_1355] {strides = array<i32>} : memref<512x64xf32, #tpu.memory_space<vmem>>, vector<16xf32>,
      %mul3A_1357 = arith.mulf %get3A_1348, %get3A_1356 : vector<16xf32>
      %add3A_1358 = arith.addf %add3A_1345, %mul3A_1357 : vector<16xf32>
      %get3A_1359 = arith.index_cast %add3A_1319 : i32 to index
      %get3A_1360 = arith.constant 48 : index
      %get3A_1361 = tpu.vector_load %arg12[%get3A_1359, %get3A_1360] {strides = array<i32>} : memref<512x64xf32, #tpu.memory_space<vmem>>, vector<16xf32>,
      %get3A_1362 = arith.index_cast %add3A_1319 : i32 to index
      %get3A_1363 = arith.constant 48 : index
      %get3A_1364 = tpu.vector_load %arg13[%get3A_1362, %get3A_1363] {strides = array<i32>} : memref<512x64xf32, #tpu.memory_space<vmem>>, vector<16xf32>,
      %mul3A_1365 = arith.mulf %get3A_1361, %get3A_1364 : vector<16xf32>
      %add3A_1366 = arith.addf %add3A_1353, %mul3A_1365 : vector<16xf32>
      %get3A_1367 = arith.index_cast %add3A_1319 : i32 to index
      %get3A_1368 = arith.constant 48 : index
      %get3A_1369 = tpu.vector_load %arg14[%get3A_1367, %get3A_1368] {strides = array<i32>} : memref<512x64xf32, #tpu.memory_space<vmem>>, vector<16xf32>,
      %mul3A_1370 = arith.mulf %get3A_1361, %get3A_1369 : vector<16xf32>
      %add3A_1371 = arith.addf %add3A_1358, %mul3A_1370 : vector<16xf32>
      %reduce_sum3A_1372 = arith.constant true
      %reduce_sum3A_1373 = vector.broadcast %reduce_sum3A_1372 : i1 to vector<16xi1>
      %reduce_sum3A_1374 = tpu.scan <sum>, %add3A_1366 masked %reduce_sum3A_1373 : vector<16xf32>, vector<16xi1> -> vector<16xf32>
      %reduce_sum3A_1375 = vector.extract %reduce_sum3A_1374[15] : f32 from vector<16xf32>
      %reduce_sum3A_1376 = arith.constant true
      %reduce_sum3A_1377 = vector.broadcast %reduce_sum3A_1376 : i1 to vector<16xi1>
      %reduce_sum3A_1378 = tpu.scan <sum>, %add3A_1371 masked %reduce_sum3A_1377 : vector<16xf32>, vector<16xi1> -> vector<16xf32>
      %reduce_sum3A_1379 = vector.extract %reduce_sum3A_1378[15] : f32 from vector<16xf32>
      %eq3A_1380 = arith.constant 15 : i32
      %eq3A_1381 = vector.broadcast %eq3A_1380 : i32 to vector<16xi32>
      %eq3A_1382 = arith.cmpi eq, %iota3A, %eq3A_1381 : vector<16xi32>
      %broadcast_in_dim3A_1383 = vector.broadcast %reduce_sum3A_1375 : f32 to vector<16xf32>
      %select_n3A_1384 = arith.select %eq3A_1382, %broadcast_in_dim3A_1383, %select_n3A_1315 : vector<16xi1>, vector<16xf32>
      %broadcast_in_dim3A_1385 = vector.broadcast %reduce_sum3A_1379 : f32 to vector<16xf32>
      %select_n3A_1386 = arith.select %eq3A_1382, %broadcast_in_dim3A_1385, %select_n3A_1317 : vector<16xi1>, vector<16xf32>
      %swap3A = arith.index_cast %mul3A_286 : i32 to index
      %swap3A_1387 = tpu.vector_load %arg15[%swap3A] {strides = array<i32>} : memref<512xf32, #tpu.memory_space<vmem>>, vector<16xf32>,
      tpu.vector_store %arg15[%swap3A], %select_n3A_1384 {strides = array<i32>} : memref<512xf32, #tpu.memory_space<vmem>>, vector<16xf32>,
      %swap3A_1388 = arith.index_cast %mul3A_286 : i32 to index
      %swap3A_1389 = tpu.vector_load %arg16[%swap3A_1388] {strides = array<i32>} : memref<512xf32, #tpu.memory_space<vmem>>, vector<16xf32>,
      tpu.vector_store %arg16[%swap3A_1388], %select_n3A_1386 {strides = array<i32>} : memref<512xf32, #tpu.memory_space<vmem>>, vector<16xf32>,
      %scan3A_1390 = arith.constant 0 : i32
      scf.yield %scan3A_1390 : i32
    }
    %scan3A_282 = arith.constant 32 : i32
    "tpu.region"() ({
      %run_scoped3A_283 = tpu.sem_alloc : memref<!tpu.dma_semaphore, #tpu.memory_space<semaphore_mem>>
      %dma_start3A_284 = tpu.memref_slice %arg7[%mul3A_2] : memref<16384xf32, #tpu.memory_space<hbm>> -> memref<512xf32, #tpu.memory_space<hbm>>
      %dma_start3A_285 = tpu.memref_slice %arg7[%mul3A_2] : memref<16384xf32, #tpu.memory_space<hbm>> -> memref<512xf32, #tpu.memory_space<hbm>>
      tpu.enqueue_dma source(%arg15 : memref<512xf32, #tpu.memory_space<vmem>>) target(%dma_start3A_285 : memref<512xf32, #tpu.memory_space<hbm>>) target_semaphore(%run_scoped3A_283 : memref<!tpu.dma_semaphore, #tpu.memory_space<semaphore_mem>>)
      %dma_wait3A_286 = tpu.memref_slice %arg7[%mul3A_2] : memref<16384xf32, #tpu.memory_space<hbm>> -> memref<512xf32, #tpu.memory_space<hbm>>
      %dma_wait3A_287 = tpu.memref_slice %arg7[%mul3A_2] : memref<16384xf32, #tpu.memory_space<hbm>> -> memref<512xf32, #tpu.memory_space<hbm>>
      tpu.wait_dma2 semaphore(%run_scoped3A_283 : memref<!tpu.dma_semaphore, #tpu.memory_space<semaphore_mem>>) src(%arg15 : memref<512xf32, #tpu.memory_space<vmem>>) dst(%dma_wait3A_287 : memref<512xf32, #tpu.memory_space<hbm>>)
      tpu.yield
    }) : () -> ()
    "tpu.region"() ({
      %run_scoped3A_283 = tpu.sem_alloc : memref<!tpu.dma_semaphore, #tpu.memory_space<semaphore_mem>>
      %dma_start3A_284 = tpu.memref_slice %arg8[%mul3A_2] : memref<16384xf32, #tpu.memory_space<hbm>> -> memref<512xf32, #tpu.memory_space<hbm>>
      %dma_start3A_285 = tpu.memref_slice %arg8[%mul3A_2] : memref<16384xf32, #tpu.memory_space<hbm>> -> memref<512xf32, #tpu.memory_space<hbm>>
      tpu.enqueue_dma source(%arg16 : memref<512xf32, #tpu.memory_space<vmem>>) target(%dma_start3A_285 : memref<512xf32, #tpu.memory_space<hbm>>) target_semaphore(%run_scoped3A_283 : memref<!tpu.dma_semaphore, #tpu.memory_space<semaphore_mem>>)
      %dma_wait3A_286 = tpu.memref_slice %arg8[%mul3A_2] : memref<16384xf32, #tpu.memory_space<hbm>> -> memref<512xf32, #tpu.memory_space<hbm>>
      %dma_wait3A_287 = tpu.memref_slice %arg8[%mul3A_2] : memref<16384xf32, #tpu.memory_space<hbm>> -> memref<512xf32, #tpu.memory_space<hbm>>
      tpu.wait_dma2 semaphore(%run_scoped3A_283 : memref<!tpu.dma_semaphore, #tpu.memory_space<semaphore_mem>>) src(%arg16 : memref<512xf32, #tpu.memory_space<vmem>>) dst(%dma_wait3A_287 : memref<512xf32, #tpu.memory_space<hbm>>)
      tpu.yield
    }) : () -> ()
    return
  }
}

</mosaic_0001>

<sc_bundles>
// kernel: kernel.3.cloned.1.call-start
scs
__scs_entry_jumppad:
0x0: {  	(pc) =	sbr.rel $0x88, $3  }
0x1: {  	(tag) =	ssettag $0x0;
	lr =	simm.s32 $0x1  }
0x2: {  	[smem:$0x3F9C] =	sst lr;
	_ =	strace $0xD0000000  }
0x3: {  	_ = 	snop  }
0x4: {  	_ = 	snop  }
0x5: {  	_ = 	snop  }
0x6: {  	_ = 	snop  }
0x7: {  	_ = 	snop  }
__scs_overlays_trampoline_lowered:
0x8: {  	[smem:$0x3FAB] =	sst s0  }
0x9: {  	[smem:$0x3FAC] =	sst s1  }
0xa: {  	[smem:$0x3FAD] =	sst s2  }
0xb: {  	[smem:$0x3FAE] =	sst s3  }
0xc: {  	[smem:$0x3FAF] =	sst s4  }
0xd: {  	[smem:$0x3FB0] =	sst s5  }
0xe: {  	[smem:$0x3FB1] =	sst s6  }
0xf: {  	[smem:$0x3FB2] =	sst s7  }
0x10: {  	[smem:$0x3FB3] =	sst s8  }
0x11: {  	[smem:$0x3FB4] =	sst s9;
	s0 =	simm.s32 @!p0 $0x0  }
0x12: {  	s1 =	sld [smem:$0x3F9A];
	s0 =	simm.s32 @p0 $0x1  }
0x13: {  	[smem:$0x3FB5] =	sst s0;
	s0 =	simm.s32 @!p1 $0x0  }
0x14: {  	s2 =	sld [smem:$0x3F99];
	s0 =	simm.s32 @p1 $0x1  }
0x15: {  	[smem:$0x3FB6] =	sst s0;
	s0 =	simm.s32 @!p2 $0x0  }
0x16: {  	s3 =	sld [smem:$0x3FDB];
	s0 =	simm.s32 @p2 $0x1  }
0x17: {  	s4 =	simm.s32 $0x1BF5;
	[smem:$0x3FB8] =	sst s0  }
0x18: {  	s0 =	sld [smem:$0x3F9B];
	_ =	swait.ge [sflag:s4], $0x0  }
0x19: {  	s7 =	sld [smem:$0x3F9C]  }
0x1a: {  	s8 =	sadd.s32 $0xFFFFE003, lr  }
0x1b: {  	s9 =	sadd.s32 $0xFFFFFEF7, lr;
	s5 =	simm.s32 $0xFFFFFFFF;
	p2 =	slt.u32 s8, $0xFFFFF086  }
0x1c: {  	p1 =	slt.u32 s9, $0xF7A;
	s5 =	simm.s32 @!p2 $0x0  }
0x1d: {  	s5 =	simm.s32 @p1 $0x1;
	p0 =	seq.s32 s7, s2  }
0x1e: {  	s7 =	smul.u32 @!p0 $0xF7A, s2;
	p2 =	seq.s32 @!p0 s5, $0x0  }
0x1f: {  	s9 =	smul.u32 $0xF7A, s1;
	s8 =	simm.s32 @!p0 $0x1BF5;
	p2 =	por !p2, p0  }
0x20: {  	[sflag:s8] =	ssyncset.s32 @!p0 $0xFFFFF086;
	s6 =	sadd.s32 @!p0 s3, s7;
	s7 =	simm.s32 @!p0 $0x108  }
0x21: {  	s3 =	sadd.s32 s3, s9;
	s6 =	sadd.s32 @!p0 $0x88, s6;
	s7 =	simm.s32 @p2 $0x1082  }
0x22: {  	[simem:s7], [sflag:s8] =	dma.local @!p0 [hbm:s6], $0xF7A  }
0x23: {  	s9 =	sor.u32 $0xD0000000, s2;
	s6 =	simm.s32 $0x108;
	_ =	swait.ge @!p0 [sflag:s8], $0x0  }
0x24: {  	s3 =	sadd.s32 $0x88, s3;
	s6 =	simm.s32 @!p1 $0x1082;
	[sflag:s4] =	ssyncset.s32 $0xFFFFF086  }
0x25: {  	[simem:s6], [sflag:s4] =	dma.local [hbm:s3], $0xF7A  }
0x26: {  	[smem:$0x3F9C] =	sst s1;
	(tag) =	ssettag s2;
	_ =	strace s9  }
0x27: {  	s1 =	sld [smem:$0x3FAC]  }
0x28: {  	s2 =	sld [smem:$0x3FAD]  }
0x29: {  	s4 =	sld [smem:$0x3FAF]  }
0x2a: {  	p0 =	seq.s32 s5, $0x0;
	s5 =	sld [smem:$0x3FB0]  }
0x2b: {  	s6 =	sld [smem:$0x3FB1]  }
0x2c: {  	s7 =	sld [smem:$0x3FB2]  }
0x2d: {  	s3 =	simm.s32 $0x108;
	s8 =	sld [smem:$0x3FB3]  }
0x2e: {  	s3 =	simm.s32 @!p0 $0x1082;
	s9 =	sld [smem:$0x3FB4]  }
0x2f: {  	lr =	sadd.s32 s0, s3;
	s0 =	sld [smem:$0x3FAB]  }
0x30: {  	s3 =	sld [smem:$0x3FAE]  }
0x31: {  	[smem:$0x3FB7] =	sst s10  }
0x32: {  	s10 =	sld [smem:$0x3FB5];
	_ =	sdelay $0x3  }
0x33: {  	p0 =	seq.s32 s10, $0x1;
	s10 =	sld [smem:$0x3FB7];
	_ =	sdelay $0x3  }
0x34: {  	[smem:$0x3FB7] =	sst s10  }
0x35: {  	s10 =	sld [smem:$0x3FB6];
	_ =	sdelay $0x3  }
0x36: {  	p1 =	seq.s32 s10, $0x1;
	s10 =	sld [smem:$0x3FB7];
	_ =	sdelay $0x3  }
0x37: {  	[smem:$0x3FB7] =	sst s10  }
0x38: {  	s10 =	sld [smem:$0x3FB8]  }
0x39: {  	_ = 	snop;
	(pc) =	sbr.ind lr, $3  }
0x3a: {  	_ = 	snop  }
0x3b: {  	_ = 	snop  }
0x3c: {  	p2 =	seq.s32 s10, $0x1;
	s10 =	sld [smem:$0x3FB7]  }
0x3d: {  	_ =	shalt  }
0x3e: {  	_ =	shalt  }
0x3f: {  	_ =	shalt  }
0x40: {  	_ =	shalt  }
0x41: {  	_ =	shalt  }
0x42: {  	_ =	shalt  }
0x43: {  	_ =	shalt  }
0x44: {  	_ =	shalt  }
0x45: {  	_ =	shalt  }
0x46: {  	_ =	shalt  }
0x47: {  	_ =	shalt  }
0x48: {  	_ =	shalt  }
0x49: {  	_ =	shalt  }
0x4a: {  	_ =	shalt  }
0x4b: {  	_ =	shalt  }
0x4c: {  	_ =	shalt  }
0x4d: {  	_ =	shalt  }
0x4e: {  	_ =	shalt  }
0x4f: {  	_ =	shalt  }
0x50: {  	_ =	shalt  }
0x51: {  	_ =	shalt  }
0x52: {  	_ =	shalt  }
0x53: {  	_ =	shalt  }
0x54: {  	_ =	shalt  }
0x55: {  	_ =	shalt  }
0x56: {  	_ =	shalt  }
0x57: {  	_ =	shalt  }
0x58: {  	_ =	shalt  }
0x59: {  	_ =	shalt  }
0x5a: {  	_ =	shalt  }
0x5b: {  	_ =	shalt  }
0x5c: {  	_ =	shalt  }
0x5d: {  	_ =	shalt  }
0x5e: {  	_ =	shalt  }
0x5f: {  	_ =	shalt  }
0x60: {  	_ =	shalt  }
0x61: {  	_ =	shalt  }
0x62: {  	_ =	shalt  }
0x63: {  	_ =	shalt  }
0x64: {  	_ =	shalt  }
0x65: {  	_ =	shalt  }
0x66: {  	_ =	shalt  }
0x67: {  	_ =	shalt  }
0x68: {  	_ =	shalt  }
0x69: {  	_ =	shalt  }
0x6a: {  	_ =	shalt  }
0x6b: {  	_ =	shalt  }
0x6c: {  	_ =	shalt  }
0x6d: {  	_ =	shalt  }
0x6e: {  	_ =	shalt  }
0x6f: {  	_ =	shalt  }
0x70: {  	_ =	shalt  }
0x71: {  	_ =	shalt  }
0x72: {  	_ =	shalt  }
0x73: {  	_ =	shalt  }
0x74: {  	_ =	shalt  }
0x75: {  	_ =	shalt  }
0x76: {  	_ =	shalt  }
0x77: {  	_ =	shalt  }
0x78: {  	_ =	shalt  }
0x79: {  	_ =	shalt  }
0x7a: {  	_ =	shalt  }
0x7b: {  	_ =	shalt  }
0x7c: {  	_ =	shalt  }
0x7d: {  	_ =	shalt  }
0x7e: {  	_ =	shalt  }
0x7f: {  	_ =	shalt  }
0x80: {  	_ =	shalt  }
0x81: {  	_ =	shalt  }
0x82: {  	_ =	shalt  }
0x83: {  	_ =	shalt  }
0x84: {  	_ =	shalt  }
0x85: {  	_ =	shalt  }
0x86: {  	_ =	shalt  }
0x87: {  	_ =	shalt  }
.Lfunc_end0:
.L_simem_size_0:
called_computation_lowered:
.L_overlay_start_0:
0x88: {  	s2 =	sld [smem:$0x3FD9]  }
0x89: {  	s3 =	sld [smem:$0x3FFE];
	_ =	sdelay $0x1  }
0x8a: {  	s1 =	srdreg.scid  }
0x8b: {  	s0 =	sand.u32 $0x1, s1  }
0x8c: {  	s14 =	sshll.u32 s0, $0xA;
	s2 =	sadd.s32 s3, s2  }
0x8d: {  	s2 =	sadd.s32 s2, s14  }
0x8e: {  	[smem:$0x3FC3] =	sst s2  }
0x8f: {  	_ = 	snop  }
0x90: {  	s2 =	sld [smem:$0x3FD0]  }
0x91: {  	s15 =	sld [smem:$0x3FC9]  }
0x92: {  	s4 =	sld [smem:$0x3FC8]  }
0x93: {  	s6 =	simm.s32 $0xA;
	s7 =	simm.s32 $0x10;
	s5 =	sld [smem:$0x3FC7]  }
0x94: {  	[smem:s7], [sflag:s6] =	dma.local [hbm:s2], $0x1  }
0x95: {  	_ =	swait.eq [sflag:s6], $0x1  }
0x96: {  	[sflag:s6] =	ssyncset.done $0x0  }
0x97: {  	s16 =	sld [smem:$0x10];
	[sflag:s6] =	ssyncadd.s32 $0xFFFFFFFF  }
0x98: {  	s17 =	sld [smem:$0x11];
	(tm) =	ssettm $0x1  }
0x99: {  	s18 =	sld [smem:$0x3FFB];
	_ =	sdelay $0x3  }
0x9a: {  	_ =	strace s18  }
0x9b: {  	s7 =	sld [smem:$0x3FFC];
	_ =	sdelay $0x3  }
0x9c: {  	_ =	strace s7  }
0x9d: {  	s7 =	sld [smem:$0x3FFD];
	_ =	sdelay $0x3  }
0x9e: {  	_ =	strace s7  }
0x9f: {  	_ =	strace $0x8FFFFFFF  }
0xa0: {  	s19 =	sld [smem:$0x3FDB];
	_ =	sdelay $0x1  }
0xa1: {  	s8 =	simm.s32 $_scs_section_size  }
0xa2: {  	s9 =	simm.s32 $_size__tile_overlayer_lowered;
	s10 =	simm.s32 $_tile_overlayer_lowered  }
0xa3: {  	s22 =	simm.s32 $0x1BFF;
	s21 =	sshll.u32 s10, $0x1;
	s7 =	sadd.s32 s8, s19  }
0xa4: {  	s11 =	simm.s32 $0x0;
	s20 =	sshll.u32 s9, $0x1;
	s9 =	sadd.s32 s21, s7  }
0xa5: {  	[timem:s11], [sflag:s22] =	dma.local [hbm:s9], s20  }
0xa6: {  	_ =	swait.ge [sflag:s22], s20  }
0xa7: {  	s8 =	ssub.s32 $0x0, s20;
	[sflag:s22] =	ssyncset.done $0x0  }
0xa8: {  	[sflag:s22] =	ssyncadd.s32 s8;
	_ =	sdelay $0x1  }
0xa9: {  	s23 =	simm.s32 $0x1B8B  }
0xaa: {  	_ =	swait.ge [sflag:s23], $0x1  }
0xab: {  	[sflag:s23] =	ssyncset.done $0x0  }
0xac: {  	s25 =	simm.s32 $0x1B8E;
	s24 =	sld [smem:$0x3FFE];
	[sflag:s23] =	ssyncadd.s32 $0xFFFFFFFF  }
0xad: {  	s26 =	simm.s32 $execute0_lowered;
	[smem:$0x3FD2] =	sst s25  }
0xae: {  	s9 =	sshll.u32 s26, $0x1;
	_ =	strace $0x80000046;
	[dreg:$0x1] =	wrdreg $0xFFFFFFFF  }
0xaf: {  	s28 =	simm.s32 $_size_execute0_lowered;
	s7 =	sadd.s32 s7, s9;
	[dreg:$0x0] =	wrdreg $0x0  }
0xb0: {  	s9 =	sshll.u32 s28, $0x1;
	[dreg:$0x2] =	wrdreg s7  }
0xb1: {  	[dreg:$0x3] =	wrdreg s9  }
0xb2: {  	[dreg:$0x4] =	wrdreg $0xC0  }
0xb3: {  	_ =	task [dreg:s11], $0x5FFFF  }
0xb4: {  	[dreg:$0x1] =	wrdreg $0xFFFFFFFF  }
0xb5: {  	[dreg:$0x0] =	wrdreg $0x60  }
0xb6: {  	[dreg:$0x2] =	wrdreg s15  }
0xb7: {  	[dreg:$0x3] =	wrdreg s4  }
0xb8: {  	[dreg:$0x4] =	wrdreg s5  }
0xb9: {  	[dreg:$0x5] =	wrdreg s24  }
0xba: {  	[dreg:$0x6] =	wrdreg s16  }
0xbb: {  	[dreg:$0x7] =	wrdreg s17  }
0xbc: {  	[dreg:$0x8] =	wrdreg $0x9  }
0xbd: {  	_ =	task.clear_ibuf [dreg:s11], $0x9FFFF;
	_ =	strace $0x90000046  }
0xbe: {  	s29 =	simm.s32 $0x9;
	_ =	strace $0x80000048  }
0xbf: {  	_ =	swait.ge [sflag:s29], $0x1  }
0xc0: {  	[sflag:s29] =	ssyncadd.s32 $0xFFFFFFFF  }
0xc1: {  	_ =	strace $0x90000048  }
0xc2: {  	_ =	sfence  }
0xc3: {  	s30 =	sld [smem:$0x0];
	_ =	sdelay $0x2  }
0xc4: {  	s31 =	sshll.u32 s1, $0xD;
	s1 =	sshrl.u32 s1, $0x2  }
0xc5: {  	s3 =	sand.u32 $0x4000, s31;
	s1 =	sadd.s32 s1, s30  }
0xc6: {  	s0 =	sor.u32 s3, s0;
	s1 =	sshll.u32 s1, $0x11  }
0xc7: {  	s0 =	sor.u32 s1, s0  }
0xc8: {  	s0 =	sadd.s32 $0x8F2B, s0  }
0xc9: {  	[sflag:s0] =	ssyncadd.remote.s32 $0x1  }
0xca: {  	_ =	sfence.sel $0xFFFF  }
0xcb: {  	[dreg:$0x0] =	wrdreg $0xFFFFFFFF;
	(pc) =	sbr.abs _section_cstart, $3  }
0xcc: {  	[dreg:$0x1] =	wrdreg $0xFFFFFFFF  }
0xcd: {  	_ =	task.clear_ibuf [dreg:s11], $0x2FFFF;
	_ =	strace $0x9FFFFFFF  }
0xce: {  	(tm) =	ssettm $0x7FFFFFFF  }
0xcf: {  	_ =	shalt  }
tec
execute0_lowered:
.L_overlay_start_1:
0x0: {  	(tag) =	ssettag $0x1  }
0x1: {  	s0 =	rddreg [dreg:$0x0]  }
0x2: {  	s1 =	rddreg [dreg:$0x1]  }
0x3: {  	s16 =	rddreg [dreg:$0x2]  }
0x4: {  	s4 =	rddreg [dreg:$0x3]  }
0x5: {  	s17 =	rddreg [dreg:$0x4]  }
0x6: {  	s18 =	rddreg [dreg:$0x5];
	s2 =	simm.s32 $0x0;
	s3 =	srdreg.scid  }
0x7: {  	s6 =	stileid.u32;
	s23 =	simm.s32 $0x80;
	s22 =	simm.s32 $0x18800  }
0x8: {  	s24 =	simm.s32 $0x0;
	s30 =	simm.s32 $0x100;
	s31 =	simm.s32 $0x300  }
0x9: {  	[smem:$0x7FF] =	sst s2;
	s3 =	sand.u32 $0x1, s3;
	s6 =	sshll.u32 s6, $0x7  }
0xa: {  	_ =	strace $0x80000047;
	s5 =	ssub.s32 $0x2, s3;
	s7 =	sshll.u32 s3, $0x6  }
0xb: {  	s3 =	sadd.s32 $0xF42C00, s4;
	s4 =	sadd.s32 $0x16E3E00, s4;
	s8 =	sshrl.u32 s5, $0x1  }
0xc: {  	s19 =	sor.u32 s7, s6;
	s6 =	simm.s32 $0x380;
	s7 =	simm.s32 $0x580  }
0xd: {  	s20 =	ssub.s32 s5, s8;
	s25 =	sadd.s32 s0, s19;
	s26 =	sadd.s32 s1, s19  }
0xe: {  	s28 =	sadd.s32 s16, s19;
	s10 =	sor.u32 $0x10, s19;
	s13 =	sor.u32 $0x20, s19  }
0xf: {  	s21 =	sor.u32 $0x30, s19;
	s17 =	sadd.s32 s17, s19;
	[dreg:$0x7] =	wrdreg s25  }
0x10: {  	s18 =	sadd.s32 s18, s19;
	s5 =	simm.s32 $0x180;
	[dreg:$0x8] =	wrdreg s26  }
0x11: {  	vm0 =	vmmov $0x1;
	vm1 =	vmmov $0x3;
	vm2 =	vmmov $0x7;
	[dreg:$0x9] =	wrdreg s28;
	s29 =	sadd.s32 s0, s10;
	s9 =	sadd.s32 s1, s10  }
0x12: {  	vm3 =	vmmov $0xf;
	vm4 =	vmmov $0x1f;
	vm5 =	vmmov $0x3f;
	s10 =	sadd.s32 s16, s10;
	s11 =	sadd.s32 s0, s13;
	s12 =	sadd.s32 s1, s13  }
0x13: {  	vm6 =	vmmov $0x7f;
	vm7 =	vmmov $0xff;
	vm8 =	vmmov $0x1ff;
	s13 =	sadd.s32 s16, s13;
	s14 =	sadd.s32 s0, s21;
	s15 =	sadd.s32 s1, s21  }
0x14: {  	vm9 =	vmmov $0x3ff;
	vm10 =	vmmov $0x7ff;
	vm11 =	vmmov $0xfff;
	s16 =	sadd.s32 s16, s21;
	s19 =	smax.u32 s20, $0x1;
	s20 =	simm.s32 $0x2  }
0x15: {  	vm12 =	vmmov $0x1fff;
	vm13 =	vmmov $0x3fff;
	vm14 =	vmmov $0x7fff;
	s1 =	simm.s32 $0x1;
	s21 =	simm.s32 $0x18600;
	[dreg:$0xa] =	wrdreg s29  }
.LBB2_1:
0x16: {  	s0 =	rddreg [dreg:$0x7]  }
0x17: {  	[tilespmem:s2], [sflag:$0x2] =	stream.linear.gather [hbm4b:s0+s2], $0x80, $0x38;
	[tilespmem:$0x18A00] =	vst v63  }
0x18: {  	_ =	swait.ge [sflag:s20], $0x80  }
0x19: {  	[sflag:s20] =	ssyncset.done $0x0  }
0x1a: {  	s25 =	simm.s32 $0x200;
	s26 =	rddreg [dreg:$0x8];
	[sflag:s20] =	ssyncadd.s32 $0xFFFFFF80  }
0x1b: {  	[tilespmem:s25], [sflag:$0x2] =	stream.linear.gather [hbm4b:s26+s2], $0x80, $0x38;
	[tilespmem:$0x18A00] =	vst v63  }
0x1c: {  	_ =	swait.ge [sflag:s20], $0x80  }
0x1d: {  	[sflag:s20] =	ssyncset.done $0x0  }
0x1e: {  	s26 =	simm.s32 $0x400;
	s8 =	rddreg [dreg:$0x9];
	[sflag:s20] =	ssyncadd.s32 $0xFFFFFF80  }
0x1f: {  	[tilespmem:s26], [sflag:$0x2] =	stream.linear.gather [hbm4b:s8+s2], $0x80, $0x38;
	[tilespmem:$0x18A00] =	vst v63  }
0x20: {  	_ =	swait.ge [sflag:s20], $0x80  }
0x21: {  	[sflag:s20] =	ssyncset.done $0x0  }
0x22: {  	s8 =	rddreg [dreg:$0xa];
	[sflag:s20] =	ssyncadd.s32 $0xFFFFFF80  }
0x23: {  	[tilespmem:s23], [sflag:$0x2] =	stream.linear.gather [hbm4b:s8+s2], $0x80, $0x38;
	[tilespmem:$0x18A00] =	vst v63  }
0x24: {  	_ =	swait.ge [sflag:s20], $0x80  }
0x25: {  	[sflag:s20] =	ssyncset.done $0x0  }
0x26: {  	s28 =	simm.s32 $0x280;
	[sflag:s20] =	ssyncadd.s32 $0xFFFFFF80  }
0x27: {  	[tilespmem:s28], [sflag:$0x2] =	stream.linear.gather [hbm4b:s9+s2], $0x80, $0x38;
	[tilespmem:$0x18A00] =	vst v63  }
0x28: {  	_ =	swait.ge [sflag:s20], $0x80  }
0x29: {  	[sflag:s20] =	ssyncset.done $0x0  }
0x2a: {  	s29 =	simm.s32 $0x480;
	[sflag:s20] =	ssyncadd.s32 $0xFFFFFF80  }
0x2b: {  	[tilespmem:s29], [sflag:$0x2] =	stream.linear.gather [hbm4b:s10+s2], $0x80, $0x38;
	[tilespmem:$0x18A00] =	vst v63  }
0x2c: {  	_ =	swait.ge [sflag:s20], $0x80  }
0x2d: {  	[sflag:s20] =	ssyncset.done $0x0  }
0x2e: {  	[sflag:s20] =	ssyncadd.s32 $0xFFFFFF80  }
0x2f: {  	[tilespmem:s30], [sflag:$0x2] =	stream.linear.gather [hbm4b:s11+s2], $0x80, $0x38;
	[tilespmem:$0x18A00] =	vst v63  }
0x30: {  	_ =	swait.ge [sflag:s20], $0x80  }
0x31: {  	[sflag:s20] =	ssyncset.done $0x0  }
0x32: {  	[sflag:s20] =	ssyncadd.s32 $0xFFFFFF80  }
0x33: {  	[tilespmem:s31], [sflag:$0x2] =	stream.linear.gather [hbm4b:s12+s2], $0x80, $0x38;
	[tilespmem:$0x18A00] =	vst v63  }
0x34: {  	_ =	swait.ge [sflag:s20], $0x80  }
0x35: {  	[sflag:s20] =	ssyncset.done $0x0  }
0x36: {  	s0 =	simm.s32 $0x500;
	[sflag:s20] =	ssyncadd.s32 $0xFFFFFF80  }
0x37: {  	[tilespmem:s0], [sflag:$0x2] =	stream.linear.gather [hbm4b:s13+s2], $0x80, $0x38;
	[tilespmem:$0x18A00] =	vst v63  }
0x38: {  	_ =	swait.ge [sflag:s20], $0x80  }
0x39: {  	[sflag:s20] =	ssyncset.done $0x0  }
0x3a: {  	[sflag:s20] =	ssyncadd.s32 $0xFFFFFF80  }
0x3b: {  	[tilespmem:s5], [sflag:$0x2] =	stream.linear.gather [hbm4b:s14+s2], $0x80, $0x38;
	[tilespmem:$0x18A00] =	vst v63  }
0x3c: {  	_ =	swait.ge [sflag:s20], $0x80  }
0x3d: {  	[sflag:s20] =	ssyncset.done $0x0  }
0x3e: {  	[sflag:s20] =	ssyncadd.s32 $0xFFFFFF80  }
0x3f: {  	[tilespmem:s6], [sflag:$0x2] =	stream.linear.gather [hbm4b:s15+s2], $0x80, $0x38;
	[tilespmem:$0x18A00] =	vst v63  }
0x40: {  	_ =	swait.ge [sflag:s20], $0x80  }
0x41: {  	[sflag:s20] =	ssyncset.done $0x0  }
0x42: {  	[sflag:s20] =	ssyncadd.s32 $0xFFFFFF80  }
0x43: {  	[tilespmem:s7], [sflag:$0x2] =	stream.linear.gather [hbm4b:s16+s2], $0x80, $0x38;
	[tilespmem:$0x18A00] =	vst v63  }
0x44: {  	_ =	swait.ge [sflag:s20], $0x80  }
0x45: {  	[sflag:s20] =	ssyncset.done $0x0  }
0x46: {  	s8 =	simm.s32 $0x600;
	[sflag:s20] =	ssyncadd.s32 $0xFFFFFF80  }
0x47: {  	[tilespmem:s8], [sflag:$0x1] =	stream.indirect.gather [hbm4b:s3+s23], $0x40, s2, s23, $0xb8;
	[tilespmem:$0x18A00] =	vst v63  }
0x48: {  	s8 =	simm.s32 $0x8600  }
0x49: {  	[tilespmem:s8], [sflag:$0x1] =	stream.indirect.gather [hbm4b:s4+s23], $0x40, s25, s23, $0xb8;
	[tilespmem:$0x18A00] =	vst v63  }
0x4a: {  	s25 =	simm.s32 $0x10600  }
0x4b: {  	[tilespmem:s25], [sflag:$0x1] =	stream.indirect.gather [hbm4b:s4+s23], $0x40, s26, s23, $0xb8;
	[tilespmem:$0x18A00] =	vst v63  }
0x4c: {  	s26 =	simm.s32 $0x2600  }
0x4d: {  	[tilespmem:s26], [sflag:$0x1] =	stream.indirect.gather [hbm4b:s3+s23], $0x40, s23, s23, $0xb8;
	[tilespmem:$0x18A00] =	vst v63  }
0x4e: {  	s25 =	simm.s32 $0xA600  }
0x4f: {  	[tilespmem:s25], [sflag:$0x1] =	stream.indirect.gather [hbm4b:s4+s23], $0x40, s28, s23, $0xb8;
	[tilespmem:$0x18A00] =	vst v63  }
0x50: {  	s26 =	simm.s32 $0x12600  }
0x51: {  	[tilespmem:s26], [sflag:$0x1] =	stream.indirect.gather [hbm4b:s4+s23], $0x40, s29, s23, $0xb8;
	[tilespmem:$0x18A00] =	vst v63  }
0x52: {  	s25 =	simm.s32 $0x4600  }
0x53: {  	[tilespmem:s25], [sflag:$0x1] =	stream.indirect.gather [hbm4b:s3+s23], $0x40, s30, s23, $0xb8;
	[tilespmem:$0x18A00] =	vst v63  }
0x54: {  	s26 =	simm.s32 $0xC600  }
0x55: {  	[tilespmem:s26], [sflag:$0x1] =	stream.indirect.gather [hbm4b:s4+s23], $0x40, s31, s23, $0xb8;
	[tilespmem:$0x18A00] =	vst v63  }
0x56: {  	s25 =	simm.s32 $0x14600  }
0x57: {  	[tilespmem:s25], [sflag:$0x1] =	stream.indirect.gather [hbm4b:s4+s23], $0x40, s0, s23, $0xb8;
	[tilespmem:$0x18A00] =	vst v63  }
0x58: {  	s26 =	simm.s32 $0x6600  }
0x59: {  	[tilespmem:s26], [sflag:$0x1] =	stream.indirect.gather [hbm4b:s3+s23], $0x40, s5, s23, $0xb8;
	[tilespmem:$0x18A00] =	vst v63  }
0x5a: {  	s8 =	simm.s32 $0xE600  }
0x5b: {  	[tilespmem:s8], [sflag:$0x1] =	stream.indirect.gather [hbm4b:s4+s23], $0x40, s6, s23, $0xb8;
	[tilespmem:$0x18A00] =	vst v63  }
0x5c: {  	s25 =	simm.s32 $0x16600  }
0x5d: {  	[tilespmem:s25], [sflag:$0x1] =	stream.indirect.gather [hbm4b:s4+s23], $0x40, s7, s23, $0xb8;
	[tilespmem:$0x18A00] =	vst v63  }
0x5e: {  	_ =	swait.ge [sflag:s1], $0x2000  }
0x5f: {  	[sflag:s1] =	ssyncset.done $0x0  }
0x60: {  	[sflag:s1] =	ssyncadd.s32 $0xFFFFE000  }
0x61: {  	_ =	swait.ge [sflag:s1], $0x2000  }
0x62: {  	[sflag:s1] =	ssyncset.done $0x0  }
0x63: {  	[sflag:s1] =	ssyncadd.s32 $0xFFFFE000  }
0x64: {  	_ =	swait.ge [sflag:s1], $0x2000  }
0x65: {  	[sflag:s1] =	ssyncset.done $0x0  }
0x66: {  	[sflag:s1] =	ssyncadd.s32 $0xFFFFE000  }
0x67: {  	_ =	swait.ge [sflag:s1], $0x2000  }
0x68: {  	[sflag:s1] =	ssyncset.done $0x0  }
0x69: {  	[sflag:s1] =	ssyncadd.s32 $0xFFFFE000  }
0x6a: {  	_ =	swait.ge [sflag:s1], $0x2000  }
0x6b: {  	[sflag:s1] =	ssyncset.done $0x0  }
0x6c: {  	[sflag:s1] =	ssyncadd.s32 $0xFFFFE000  }
0x6d: {  	_ =	swait.ge [sflag:s1], $0x2000  }
0x6e: {  	[sflag:s1] =	ssyncset.done $0x0  }
0x6f: {  	[sflag:s1] =	ssyncadd.s32 $0xFFFFE000  }
0x70: {  	_ =	swait.ge [sflag:s1], $0x2000  }
0x71: {  	[sflag:s1] =	ssyncset.done $0x0  }
0x72: {  	[sflag:s1] =	ssyncadd.s32 $0xFFFFE000  }
0x73: {  	_ =	swait.ge [sflag:s1], $0x2000  }
0x74: {  	[sflag:s1] =	ssyncset.done $0x0  }
0x75: {  	[sflag:s1] =	ssyncadd.s32 $0xFFFFE000  }
0x76: {  	_ =	swait.ge [sflag:s1], $0x2000  }
0x77: {  	[sflag:s1] =	ssyncset.done $0x0  }
0x78: {  	[sflag:s1] =	ssyncadd.s32 $0xFFFFE000  }
0x79: {  	_ =	swait.ge [sflag:s1], $0x2000  }
0x7a: {  	[sflag:s1] =	ssyncset.done $0x0  }
0x7b: {  	[sflag:s1] =	ssyncadd.s32 $0xFFFFE000  }
0x7c: {  	_ =	swait.ge [sflag:s1], $0x2000  }
0x7d: {  	[sflag:s1] =	ssyncset.done $0x0  }
0x7e: {  	[sflag:s1] =	ssyncadd.s32 $0xFFFFE000  }
0x7f: {  	_ =	swait.ge [sflag:s1], $0x2000  }
0x80: {  	[sflag:s1] =	ssyncset.done $0x0  }
0x81: {  	s26 =	simm.s32 $0x0;
	[sflag:s1] =	ssyncadd.s32 $0xFFFFE000  }
0x82: {  	v1 =	vld [tilespmem:s26+$0x109D0];
	_ =	sdelay $0x4  }
0x83: {  	[tilespmem:$0x1FAB0] =	vst v1;
	v1 =	vld [tilespmem:s26+$0x10970];
	_ =	sdelay $0x4  }
0x84: {  	[tilespmem:$0x1FB10] =	vst v1;
	v1 =	vld [tilespmem:s26+$0x109C0];
	_ =	sdelay $0x4  }
0x85: {  	[tilespmem:$0x1FB40] =	vst v1;
	v1 =	vld [tilespmem:s26+$0x10960];
	_ =	sdelay $0x4  }
0x86: {  	[tilespmem:$0x1FBB0] =	vst v1;
	v1 =	vld [tilespmem:s26+$0x10950];
	_ =	sdelay $0x4  }
0x87: {  	[tilespmem:$0x1FBE0] =	vst v1;
	v1 =	vld [tilespmem:s26+$0x108B0];
	_ =	sdelay $0x4  }
0x88: {  	[tilespmem:$0x1FC30] =	vst v1;
	v1 =	vld [tilespmem:s26+$0x10940];
	_ =	sdelay $0x4  }
0x89: {  	[tilespmem:$0x1FC10] =	vst v1;
	v1 =	vld [tilespmem:s26+$0x8830];
	_ =	sdelay $0x4  }
0x8a: {  	[tilespmem:$0x1F8D0] =	vst v1;
	v1 =	vld [tilespmem:s26+$0x10820];
	_ =	sdelay $0x4  }
0x8b: {  	[tilespmem:$0x1F8E0] =	vst v1;
	v1 =	vld [tilespmem:s26+$0x10880];
	_ =	sdelay $0x4  }
0x8c: {  	[tilespmem:$0x1FC00] =	vst v1;
	v1 =	vld [tilespmem:s26+$0x87F0];
	_ =	sdelay $0x4  }
0x8d: {  	[tilespmem:$0x1F930] =	vst v1;
	v1 =	vld [tilespmem:s26+$0x8820];
	_ =	sdelay $0x4  }
0x8e: {  	[tilespmem:$0x1F8B0] =	vst v1;
	v1 =	vld [tilespmem:s26+$0x107B0];
	_ =	sdelay $0x4  }
0x8f: {  	[tilespmem:$0x1F990] =	vst v1;
	v1 =	vld [tilespmem:s26+$0x87B0];
	_ =	sdelay $0x4  }
0x90: {  	[tilespmem:$0x1F980] =	vst v1;
	v1 =	vld [tilespmem:s26+$0x87E0];
	_ =	sdelay $0x4  }
0x91: {  	[tilespmem:$0x1F900] =	vst v1;
	v1 =	vld [tilespmem:s26+$0x10770];
	_ =	sdelay $0x4  }
0x92: {  	[tilespmem:$0x1F9F0] =	vst v1;
	v1 =	vld [tilespmem:s26+$0x107A0];
	_ =	sdelay $0x4  }
0x93: {  	[tilespmem:$0x1F950] =	vst v1;
	v1 =	vld [tilespmem:s26+$0x8770];
	_ =	sdelay $0x4  }
0x94: {  	[tilespmem:$0x1F9D0] =	vst v1;
	v1 =	vld [tilespmem:s26+$0x87A0];
	_ =	sdelay $0x4  }
0x95: {  	[tilespmem:$0x1F940] =	vst v1;
	v1 =	vld [tilespmem:s26+$0x10760];
	_ =	sdelay $0x4  }
0x96: {  	[tilespmem:$0x1F9C0] =	vst v1;
	v1 =	vld [tilespmem:s26+$0x10790];
	_ =	sdelay $0x4  }
0x97: {  	[tilespmem:$0x1F920] =	vst v1;
	v1 =	vld [tilespmem:s26+$0x107C0]  }
0x98: {  	v0 =	vld [tilespmem:s26+$0x109F0]  }
0x99: {  	v63 =	vld [tilespmem:s26+$0x89F0]  }
0x9a: {  	v27 =	vld [tilespmem:s26+$0x89E0]  }
0x9b: {  	v45 =	vld [tilespmem:s26+$0x109B0]  }
0x9c: {  	[tilespmem:$0x1FBD0] =	vst v1;
	v1 =	vld [tilespmem:s26+$0x8730]  }
0x9d: {  	v30 =	vld [tilespmem:s26+$0x89B0]  }
0x9e: {  	v21 =	vld [tilespmem:s26+$0x89D0]  }
0x9f: {  	v35 =	vld [tilespmem:s26+$0x109A0]  }
0xa0: {  	v42 =	vld [tilespmem:s26+$0x8970]  }
0xa1: {  	[tilespmem:$0x1FA10] =	vst v1;
	v1 =	vld [tilespmem:s26+$0x8760]  }
0xa2: {  	v24 =	vld [tilespmem:s26+$0x89A0]  }
0xa3: {  	v61 =	vld [tilespmem:s26+$0x89C0]  }
0xa4: {  	v55 =	vld [tilespmem:s26+$0x10930]  }
0xa5: {  	v17 =	vld [tilespmem:s26+$0x10990]  }
0xa6: {  	[tilespmem:$0x1F9B0] =	vst v1;
	v1 =	vld [tilespmem:s26+$0x8790]  }
0xa7: {  	v50 =	vld [tilespmem:s26+$0x9F0]  }
0xa8: {  	v47 =	vld [tilespmem:s26+$0x8930]  }
0xa9: {  	v40 =	vld [tilespmem:s26+$0x8960]  }
0xaa: {  	v12 =	vld [tilespmem:s26+$0x8990]  }
0xab: {  	[tilespmem:$0x1F910] =	vst v1;
	v1 =	vld [tilespmem:s26+$0x106F0]  }
0xac: {  	v44 =	vld [tilespmem:s26+$0x10920]  }
0xad: {  	v15 =	vld [tilespmem:s26+$0x10980]  }
0xae: {  	v57 =	vld [tilespmem:s26+$0x88F0]  }
0xaf: {  	v34 =	vld [tilespmem:s26+$0x8920]  }
0xb0: {  	[tilespmem:$0x1FAA0] =	vst v1;
	v1 =	vld [tilespmem:s26+$0x10750]  }
0xb1: {  	v20 =	vld [tilespmem:s26+$0x8950]  }
0xb2: {  	v8 =	vld [tilespmem:s26+$0x8980]  }
0xb3: {  	v54 =	vld [tilespmem:s26+$0x108E0]  }
0xb4: {  	v31 =	vld [tilespmem:s26+$0x10910]  }
0xb5: {  	[tilespmem:$0x1F9A0] =	vst v1;
	v1 =	vld [tilespmem:s26+$0x86F0]  }
0xb6: {  	v11 =	vld [tilespmem:s26+$0x9E0]  }
0xb7: {  	v43 =	vld [tilespmem:s26+$0x88E0]  }
0xb8: {  	v26 =	vld [tilespmem:s26+$0x8910]  }
0xb9: {  	v14 =	vld [tilespmem:s26+$0x8940]  }
0xba: {  	[tilespmem:$0x1FA60] =	vst v1;
	v1 =	vld [tilespmem:s26+$0x8720]  }
0xbb: {  	v39 =	vld [tilespmem:s26+$0x108D0]  }
0xbc: {  	v25 =	vld [tilespmem:s26+$0x10900]  }
0xbd: {  	v59 =	vld [tilespmem:s26+$0x88A0]  }
0xbe: {  	v33 =	vld [tilespmem:s26+$0x88D0]  }
0xbf: {  	[tilespmem:$0x1FA00] =	vst v1;
	v1 =	vld [tilespmem:s26+$0x8750]  }
0xc0: {  	v19 =	vld [tilespmem:s26+$0x8900]  }
0xc1: {  	v29 =	vld [tilespmem:s26+$0x108C0]  }
0xc2: {  	v18 =	vld [tilespmem:s26+$0x9B0]  }
0xc3: {  	v52 =	vld [tilespmem:s26+$0x8860]  }
0xc4: {  	[tilespmem:$0x1F960] =	vst v1;
	v1 =	vld [tilespmem:s26+$0x106B0]  }
0xc5: {  	v41 =	vld [tilespmem:s26+$0x8890]  }
0xc6: {  	v23 =	vld [tilespmem:s26+$0x88C0]  }
0xc7: {  	v51 =	vld [tilespmem:s26+$0x10850]  }
0xc8: {  	[tilespmem:$0x1FA20] =	vst v0;
	v0 =	vld [tilespmem:s26+$0x109E0]  }
0xc9: {  	[tilespmem:$0x1FB30] =	vst v1;
	v1 =	vld [tilespmem:s26+$0x106E0]  }
0xca: {  	v37 =	vld [tilespmem:s26+$0x8850]  }
0xcb: {  	v32 =	vld [tilespmem:s26+$0x8880]  }
0xcc: {  	v62 =	vld [tilespmem:s26+$0x10810]  }
0xcd: {  	[tilespmem:$0x1FA80] =	vst v0;
	v0 =	vld [tilespmem:s26+$0x108F0]  }
0xce: {  	[tilespmem:$0x1FA70] =	vst v1;
	v1 =	vld [tilespmem:s26+$0x10740]  }
0xcf: {  	v38 =	vld [tilespmem:s26+$0x10840]  }
0xd0: {  	v13 =	vld [tilespmem:s26+$0x970]  }
0xd1: {  	v6 =	vld [tilespmem:s26+$0x9A0]  }
0xd2: {  	[tilespmem:$0x1F870] =	vst v0;
	v0 =	vld [tilespmem:s26+$0x88B0]  }
0xd3: {  	[tilespmem:$0x1F970] =	vst v1;
	v1 =	vld [tilespmem:s26+$0x86B0]  }
0xd4: {  	v7 =	vld [tilespmem:s26+$0x9C0]  }
0xd5: {  	v49 =	vld [tilespmem:s26+$0x8810]  }
0xd6: {  	v28 =	vld [tilespmem:s26+$0x8840]  }
0xd7: {  	[tilespmem:$0x1F880] =	vst v0;
	v0 =	vld [tilespmem:s26+$0x10870]  }
0xd8: {  	[tilespmem:$0x1FAF0] =	vst v1;
	v1 =	vld [tilespmem:s26+$0x86E0]  }
0xd9: {  	v48 =	vld [tilespmem:s26+$0x10800]  }
0xda: {  	v60 =	vld [tilespmem:s26+$0x87D0]  }
0xdb: {  	v36 =	vld [tilespmem:s26+$0x8800]  }
0xdc: {  	[tilespmem:$0x1F8C0] =	vst v0;
	v0 =	vld [tilespmem:s26+$0x8870]  }
0xdd: {  	[tilespmem:$0x1FA40] =	vst v1;
	v1 =	vld [tilespmem:s26+$0x8710]  }
0xde: {  	v16 =	vld [tilespmem:s26+$0x930]  }
0xdf: {  	v9 =	vld [tilespmem:s26+$0x960]  }
0xe0: {  	v4 =	vld [tilespmem:s26+$0x990]  }
0xe1: {  	[tilespmem:$0x1F890] =	vst v0;
	v0 =	vld [tilespmem:s26+$0x10830]  }
0xe2: {  	[tilespmem:$0x1F9E0] =	vst v1;
	v1 =	vld [tilespmem:s26+$0x10630]  }
0xe3: {  	v46 =	vld [tilespmem:s26+$0x87C0]  }
0xe4: {  	v58 =	vld [tilespmem:s26+$0x10780]  }
0xe5: {  	v53 =	vld [tilespmem:s26+$0x8780]  }
0xe6: {  	[tilespmem:$0x1F8F0] =	vst v0;
	v0 =	vld [tilespmem:s26+$0x10860]  }
0xe7: {  	[tilespmem:$0x1FB80] =	vst v1;
	v1 =	vld [tilespmem:s26+$0x106A0]  }
0xe8: {  	v22 =	vld [tilespmem:s26+$0x8F0]  }
0xe9: {  	v5 =	vld [tilespmem:s26+$0x10700]  }
0xea: {  	v2 =	vld [tilespmem:s26+$0x980]  }
0xeb: {  	[tilespmem:$0x1F8A0] =	vst v0;
	v0 =	vld [tilespmem:s26+$0x9D0]  }
0xec: {  	[tilespmem:$0x1FB00] =	vst v1;
	v1 =	vld [tilespmem:s26+$0x106D0]  }
0xed: {  	v10 =	vld [tilespmem:s26+$0x920]  }
0xee: {  	[tilespmem:$0x1FBA0] =	vst v5;
	v5 =	vld [tilespmem:s26+$0x8630]  }
0xef: {  	[tilespmem:$0x1FB50] =	vst v7;
	v61 =	vmul.f32 v61, v7;
	v7 =	vld [tilespmem:s26+$0x8670]  }
0xf0: {  	v8 =	vmul.f32 v8, v2;
	[tilespmem:$0x1FAC0] =	vst v0;
	v21 =	vmul.f32 v21, v0;
	v0 =	vld [tilespmem:s26+$0x86A0]  }
0xf1: {  	[tilespmem:$0x1FA50] =	vst v1;
	v1 =	vld [tilespmem:s26+$0x940]  }
0xf2: {  	v3 =	vld [tilespmem:s26+$0x950];
	[tilespmem:$0x1FA90] =	vst v11;
	v12 =	vmul.f32 v12, v4;
	v8 =	vadd.f32 $0.0e+00, v8  }
0xf3: {  	v56 =	vld [tilespmem:s26+$0x8740];
	v2 =	vmul.f32 v15, v2;
	v61 =	vadd.f32 $0.0e+00, v61;
	[tilespmem:$0x1FB60] =	vst v5  }
0xf4: {  	v4 =	vmul.f32 v17, v4;
	v8 =	vadd.f32 v12, v8;
	v12 =	vmul.f32 v24, v6;
	v5 =	vld [tilespmem:s26+$0x900];
	[tilespmem:$0x1FB90] =	vst v7  }
0xf5: {  	v17 =	vmul.f32 v30, v18;
	v7 =	vld [tilespmem:s26+$0x910];
	v61 =	vadd.f32 v21, v61;
	[tilespmem:$0x1FAD0] =	vst v0;
	v0 =	vmul.f32 v27, v11  }
0xf6: {  	v8 =	vadd.f32 v12, v8;
	[tilespmem:$0x1FC20] =	vst v1;
	v11 =	vmul.f32 v14, v1;
	v1 =	vadd.f32 $0.0e+00, v2;
	v2 =	vld [tilespmem:s26+$0x10620]  }
0xf7: {  	v30 =	vld [tilespmem:s26+$0x8B0];
	v12 =	vmul.f32 v63, v50;
	v0 =	vadd.f32 v0, v61  }
0xf8: {  	v63 =	vadd.f32 v17, v8;
	v8 =	vld [tilespmem:s26+$0x8E0]  }
0xf9: {  	[tilespmem:$0x1FA30] =	vst v50;
	v15 =	vmul.f32 v20, v3;
	v17 =	vld [tilespmem:s26+$0x106C0];
	v50 =	vadd.f32 v12, v0  }
0xfa: {  	v14 =	vld [tilespmem:s26+$0x8C0];
	v11 =	vadd.f32 $0.0e+00, v11;
	v0 =	vadd.f32 v4, v1;
	v1 =	vmul.f32 v19, v5  }
0xfb: {  	v12 =	vmul.f32 v26, v7;
	v4 =	vmul.f32 v35, v6;
	[tilespmem:$0x1FB70] =	vst v2;
	v2 =	vld [tilespmem:s26+$0x10690]  }
0xfc: {  	v61 =	vld [tilespmem:s26+$0x8D0];
	v6 =	vadd.f32 v15, v11;
	v11 =	vmul.f32 v40, v9;
	v1 =	vadd.f32 $0.0e+00, v1  }
0xfd: {  	[tilespmem:$0x1FBF0] =	vst v3;
	v3 =	vmul.f32 v31, v7;
	v21 =	vld [tilespmem:s26+$0x8700];
	v0 =	vadd.f32 v4, v0;
	v4 =	vmul.f32 v45, v18  }
0xfe: {  	[tilespmem:$0x1FBC0] =	vst v9;
	v27 =	vld [tilespmem:s26+$0x86D0];
	v9 =	vmul.f32 v42, v13;
	v6 =	vadd.f32 v11, v6;
	v1 =	vadd.f32 v12, v1  }
0xff: {  	v7 =	vld [tilespmem:s26+$0x860];
	v12 =	vmul.f32 v34, v10;
	v11 =	vadd.f32 v4, v0;
	v0 =	vmul.f32 v23, v14  }
0x100: {  	v15 =	vld [tilespmem:s26+$0x880];
	v4 =	vmul.f32 v47, v16;
	v40 =	vadd.f32 v9, v6;
	[tilespmem:$0x1FAE0] =	vst v2;
	v2 =	vmul.f32 v25, v5  }
0x101: {  	[tilespmem:$0x1FB20] =	vst v13;
	v13 =	vld [tilespmem:s26+$0x890];
	v1 =	vadd.f32 v12, v1;
	v0 =	vadd.f32 $0.0e+00, v0;
	v9 =	vmul.f32 v33, v61  }
0x102: {  	v42 =	vld [tilespmem:s26+$0x8A0];
	v2 =	vadd.f32 $0.0e+00, v2  }
0x103: {  	v23 =	vld [tilespmem:s26+$0x820];
	v5 =	vadd.f32 v4, v1;
	v0 =	vadd.f32 v9, v0;
	v1 =	vmul.f32 v43, v8  }
0x104: {  	v6 =	vld [tilespmem:s26+$0x840];
	v2 =	vadd.f32 v3, v2;
	v3 =	vmul.f32 v44, v10  }
0x105: {  	v14 =	vmul.f32 v29, v14;
	v12 =	vld [tilespmem:s26+$0x850];
	v9 =	vmul.f32 v39, v61;
	v0 =	vadd.f32 v1, v0  }
0x106: {  	v61 =	vmovc v15;
	v1 =	vmul.f32 v32, v15;
	v15 =	vld [tilespmem:s26+$0x800];
	v2 =	vadd.f32 v3, v2;
	v3 =	vmul.f32 v55, v16  }
0x107: {  	v10 =	vld [tilespmem:$0x1F870]  }
0x108: {  	v55 =	vld [tilespmem:s26+$0x8620];
	v4 =	vadd.f32 v3, v2;
	v2 =	vadd.f32 $0.0e+00, v14  }
0x109: {  	v16 =	vld [tilespmem:s26+$0x8660];
	v14 =	vmul.f32 v57, v22  }
0x10a: {  	v3 =	vld [tilespmem:s26+$0x870];
	v2 =	vadd.f32 v9, v2;
	v9 =	vmul.f32 v54, v8  }
0x10b: {  	v8 =	vadd.f32 v14, v0;
	v14 =	vld [tilespmem:s26+$0x810]  }
0x10c: {  	v9 =	vadd.f32 v9, v2;
	v2 =	vld [tilespmem:s26+$0x8690]  }
0x10d: {  	v19 =	vmul.f32 v28, v6;
	v24 =	vld [tilespmem:s26+$0x830]  }
0x10e: {  	v0 =	vadd.f32 $0.0e+00, v1;
	v1 =	vmul.f32 v41, v13;
	v54 =	vmov v13;
	v13 =	vld [tilespmem:$0x1F890]  }
0x10f: {  	v20 =	vmul.f32 v37, v12;
	v19 =	vadd.f32 $0.0e+00, v19;
	_ =	sdelay $0x1  }
0x110: {  	v19 =	vadd.f32 v20, v19;
	v20 =	vmul.f32 v59, v42;
	v0 =	vadd.f32 v1, v0;
	_ =	sdelay $0x1  }
0x111: {  	v0 =	vadd.f32 v20, v0;
	v20 =	vmul.f32 v13, v3;
	v13 =	vld [tilespmem:$0x1F8A0];
	_ =	sdelay $0x1  }
0x112: {  	v6 =	vmul.f32 v38, v6;
	v10 =	vmul.f32 v10, v22;
	_ =	sdelay $0x1  }
0x113: {  	v6 =	vadd.f32 $0.0e+00, v6;
	v1 =	vadd.f32 v10, v9;
	v9 =	vmul.f32 v51, v12  }
0x114: {  	v22 =	vmul.f32 v52, v7;
	v7 =	vmul.f32 v13, v7;
	v13 =	vld [tilespmem:$0x1F8C0]  }
0x115: {  	v6 =	vadd.f32 v9, v6;
	v9 =	vld [tilespmem:$0x1F880];
	_ =	sdelay $0x1  }
0x116: {  	v12 =	vmul.f32 v36, v15  }
0x117: {  	v10 =	vadd.f32 v22, v19;
	v25 =	vmul.f32 v49, v14  }
0x118: {  	v22 =	vadd.f32 $0.0e+00, v12;
	v6 =	vadd.f32 v7, v6;
	v3 =	vmul.f32 v13, v3  }
0x119: {  	v9 =	vmul.f32 v9, v30  }
0x11a: {  	v7 =	vadd.f32 v25, v22;
	v22 =	vadd.f32 v3, v6;
	v6 =	vld [tilespmem:$0x1F8E0]  }
0x11b: {  	v12 =	vadd.f32 v9, v0;
	v0 =	vadd.f32 v20, v10;
	v9 =	vmul.f32 v48, v15;
	v10 =	vld [tilespmem:$0x1F8B0]  }
0x11c: {  	v39 =	vld [tilespmem:s26+$0x7C0]  }
0x11d: {  	v14 =	vmul.f32 v62, v14;
	v9 =	vadd.f32 $0.0e+00, v9;
	v13 =	vld [tilespmem:$0x1F8D0]  }
0x11e: {  	v26 =	vld [tilespmem:s26+$0x780]  }
0x11f: {  	v36 =	vld [tilespmem:s26+$0x7D0];
	v3 =	vadd.f32 v14, v9;
	v6 =	vmul.f32 v6, v23  }
0x120: {  	v35 =	vld [tilespmem:s26+$0x7E0];
	v10 =	vmul.f32 v10, v23  }
0x121: {  	v3 =	vadd.f32 v6, v3;
	v6 =	vld [tilespmem:$0x1F8F0]  }
0x122: {  	v7 =	vadd.f32 v10, v7;
	v10 =	vmul.f32 v46, v39;
	v15 =	vmul.f32 v13, v24;
	v13 =	vld [tilespmem:$0x1F900];
	_ =	sdelay $0x1  }
0x123: {  	v9 =	vmul.f32 v60, v36;
	v15 =	vadd.f32 v15, v7;
	v7 =	vadd.f32 $0.0e+00, v10;
	_ =	sdelay $0x1  }
0x124: {  	v20 =	vld [tilespmem:s26+$0x790];
	v7 =	vadd.f32 v9, v7;
	v9 =	vmul.f32 v58, v26;
	v6 =	vmul.f32 v6, v24  }
0x125: {  	v24 =	vmul.f32 v53, v26;
	v26 =	vmul.f32 v13, v35;
	v13 =	vld [tilespmem:$0x1F920]  }
0x126: {  	v38 =	vmov v30;
	v30 =	vadd.f32 v6, v3;
	v6 =	vld [tilespmem:$0x1F910];
	_ =	sdelay $0x4  }
0x127: {  	v9 =	vadd.f32 $0.0e+00, v9;
	v6 =	vmul.f32 v6, v20;
	v20 =	vmul.f32 v13, v20  }
0x128: {  	v25 =	vld [tilespmem:s26+$0x7A0]  }
0x129: {  	v20 =	vadd.f32 v20, v9;
	v9 =	vld [tilespmem:$0x1F940]  }
0x12a: {  	v10 =	vld [tilespmem:s26+$0x740]  }
0x12b: {  	v13 =	vld [tilespmem:$0x1F970]  }
0x12c: {  	v34 =	vld [tilespmem:s26+$0x7F0]  }
0x12d: {  	v23 =	vld [tilespmem:s26+$0x7B0];
	v3 =	vadd.f32 $0.0e+00, v24  }
0x12e: {  	v48 =	vmul.f32 v9, v25;
	v9 =	vld [tilespmem:$0x1F950]  }
0x12f: {  	v3 =	vadd.f32 v6, v3;
	v6 =	vld [tilespmem:$0x1F930]  }
0x130: {  	v49 =	vmul.f32 v13, v10;
	v13 =	vld [tilespmem:$0x1F980];
	_ =	sdelay $0x2  }
0x131: {  	v25 =	vmul.f32 v9, v25  }
0x132: {  	v28 =	vld [tilespmem:s26+$0x750];
	v7 =	vadd.f32 v26, v7;
	v6 =	vmul.f32 v6, v34  }
0x133: {  	v20 =	vadd.f32 v25, v20;
	v25 =	vmul.f32 v13, v23;
	v13 =	vld [tilespmem:$0x1F990]  }
0x134: {  	v37 =	vadd.f32 v6, v7;
	v7 =	vld [tilespmem:$0x1F960];
	_ =	sdelay $0x2  }
0x135: {  	v62 =	vld [tilespmem:s26+$0x770];
	v31 =	vmul.f32 v56, v10  }
0x136: {  	v23 =	vmul.f32 v13, v23;
	v13 =	vld [tilespmem:$0x1F9D0]  }
0x137: {  	v6 =	vadd.f32 $0.0e+00, v31;
	v7 =	vmul.f32 v7, v28;
	_ =	sdelay $0x1  }
0x138: {  	v7 =	vadd.f32 v7, v6;
	v6 =	vld [tilespmem:$0x1F9A0]  }
0x139: {  	v10 =	vld [tilespmem:s26+$0x710]  }
0x13a: {  	v3 =	vadd.f32 v48, v3;
	v53 =	vmul.f32 v13, v62;
	v13 =	vld [tilespmem:$0x1F9E0]  }
0x13b: {  	v26 =	vld [tilespmem:s26+$0x760]  }
0x13c: {  	v25 =	vadd.f32 v25, v3;
	v3 =	vld [tilespmem:$0x1F9C0]  }
0x13d: {  	v28 =	vmul.f32 v6, v28;
	v6 =	vld [tilespmem:$0x1F9B0];
	_ =	sdelay $0x1  }
0x13e: {  	v56 =	vmul.f32 v13, v10;
	v13 =	vld [tilespmem:$0x1F9F0]  }
0x13f: {  	v33 =	vadd.f32 $0.0e+00, v49;
	v9 =	vld [tilespmem:s26+$0x700];
	_ =	sdelay $0x1  }
0x140: {  	v28 =	vadd.f32 v28, v33;
	v52 =	vmul.f32 v6, v26;
	v26 =	vmul.f32 v3, v26  }
0x141: {  	v6 =	vld [tilespmem:s26+$0x720]  }
0x142: {  	v26 =	vadd.f32 v26, v28;
	v28 =	vmul.f32 v13, v62;
	v13 =	vld [tilespmem:$0x1FA00]  }
0x143: {  	v21 =	vmul.f32 v21, v9;
	_ =	sdelay $0x1  }
0x144: {  	v21 =	vadd.f32 $0.0e+00, v21;
	v7 =	vadd.f32 v52, v7;
	_ =	sdelay $0x1  }
0x145: {  	v33 =	vadd.f32 v53, v7;
	v7 =	vadd.f32 v56, v21;
	v21 =	vmul.f32 v13, v6  }
0x146: {  	v3 =	vld [tilespmem:s26+$0x730]  }
0x147: {  	v21 =	vadd.f32 v21, v7;
	v7 =	vld [tilespmem:$0x1FA10]  }
0x148: {  	v57 =	vld [tilespmem:s26+$0x6E0]  }
0x149: {  	v59 =	vld [tilespmem:s26+$0x680]  }
0x14a: {  	v19 =	vld [tilespmem:s26+$0x86C0]  }
0x14b: {  	v13 =	vld [tilespmem:$0x1FA30]  }
0x14c: {  	v62 =	vmul.f32 v7, v3;
	v7 =	vld [tilespmem:$0x1FA20]  }
0x14d: {  	v51 =	vld [tilespmem:s26+$0x6C0]  }
0x14e: {  	(xrf2) =	vadd.scan.msk.f32 $0xffff, v50;
	v29 =	vld [tilespmem:s26+$0x6A0]  }
0x14f: {  	(xrf2) =	vadd.scan.msk.f32 $0xffff, v63;
	v20 =	vadd.f32 v23, v20;
	v23 =	vld [tilespmem:s26+$0x6D0]  }
0x150: {  	v50 =	vld [tilespmem:s26+$0x600];
	(xrf2) =	vadd.scan.msk.f32 $0xffff, v11  }
0x151: {  	(xrf2) =	vadd.scan.msk.f32 $0xffff, v40;
	v7 =	vmul.f32 v7, v13;
	v13 =	vld [tilespmem:$0x1FA40]  }
0x152: {  	v11 =	vld [tilespmem:$0x1FA70];
	(xrf2) =	vadd.scan.msk.f32 $0xffff, v5;
	v19 =	vmul.f32 v19, v51  }
0x153: {  	(xrf2) =	vadd.scan.msk.f32 $0xffff, v4;
	v4 =	vld [tilespmem:$0x1FAB0]  }
0x154: {  	(xrf2) =	vadd.scan.msk.f32 $0xffff, v8;
	v8 =	vld [tilespmem:$0x1FAE0];
	v19 =	vadd.f32 $0.0e+00, v19;
	v26 =	vadd.f32 v28, v26;
	v28 =	vmul.f32 v27, v23  }
0x155: {  	v18 =	vmul.f32 v17, v51;
	v17 =	vld [tilespmem:$0x1FAA0]  }
0x156: {  	v19 =	vadd.f32 v28, v19;
	v28 =	vmul.f32 v13, v57;
	v13 =	vld [tilespmem:$0x1FA50]  }
0x157: {  	(xrf2) =	vadd.scan.msk.f32 $0xffff, v1;
	v1 =	vld [tilespmem:$0x1FAF0]  }
0x158: {  	v60 =	vld [tilespmem:s26+$0x8610]  }
0x159: {  	v31 =	vld [tilespmem:s26+$0x8680]  }
0x15a: {  	v58 =	vld [tilespmem:s26+$0x6F0]  }
0x15b: {  	v18 =	vadd.f32 $0.0e+00, v18;
	v24 =	vld [tilespmem:s26+$0x10680];
	v23 =	vmul.f32 v13, v23  }
0x15c: {  	v48 =	vld [tilespmem:s26+$0x690]  }
0x15d: {  	v13 =	vld [tilespmem:$0x1FA60];
	v18 =	vadd.f32 v23, v18;
	v23 =	vmul.f32 v11, v57  }
0x15e: {  	v27 =	vmul.f32 v31, v59;
	v31 =	vld [tilespmem:s26+$0x6B0]  }
0x15f: {  	v18 =	vadd.f32 v23, v18;
	v23 =	vmul.f32 v17, v58;
	v17 =	vld [tilespmem:$0x1FAC0]  }
0x160: {  	v5 =	vmul.f32 v24, v59;
	v24 =	vld [tilespmem:s26+$0x610]  }
0x161: {  	v11 =	vld [tilespmem:$0x1FA80]  }
0x162: {  	v19 =	vadd.f32 v28, v19;
	v28 =	vmul.f32 v13, v58;
	v13 =	vld [tilespmem:$0x1FA90]  }
0x163: {  	v51 =	vmul.f32 v1, v31;
	v1 =	vld [tilespmem:$0x1FB00]  }
0x164: {  	v5 =	vadd.f32 $0.0e+00, v5;
	v8 =	vmul.f32 v8, v48;
	v4 =	vmul.f32 v4, v17;
	v17 =	vld [tilespmem:$0x1FAD0]  }
0x165: {  	v49 =	vld [tilespmem:s26+$0x8600]  }
0x166: {  	v2 =	vmul.f32 v2, v48;
	v5 =	vadd.f32 v8, v5;
	v8 =	vld [tilespmem:$0x1FB20];
	v18 =	vadd.f32 v23, v18  }
0x167: {  	v23 =	vld [tilespmem:s26+$0x620];
	v13 =	vmul.f32 v11, v13;
	v11 =	vadd.f32 v28, v19;
	v19 =	vadd.f32 $0.0e+00, v27  }
0x168: {  	v27 =	vld [tilespmem:s26+$0x10600]  }
0x169: {  	v2 =	vadd.f32 v2, v19;
	v19 =	vmul.f32 v17, v29;
	v29 =	vmul.f32 v1, v29;
	v1 =	vld [tilespmem:$0x1FB10]  }
0x16a: {  	v17 =	vld [tilespmem:$0x1FB30]  }
0x16b: {  	v2 =	vadd.f32 v19, v2;
	v19 =	vmul.f32 v49, v50  }
0x16c: {  	(xrf2) =	vadd.scan.msk.f32 $0xffff, v12  }
0x16d: {  	(xrf2) =	vadd.scan.msk.f32 $0xffff, v0;
	v5 =	vadd.f32 v29, v5;
	v0 =	vadd.f32 $0.0e+00, v19;
	v19 =	vmul.f32 v60, v24  }
0x16e: {  	v12 =	vld [tilespmem:s26+$0x640];
	v32 =	vadd.f32 v51, v2;
	v2 =	vmul.f32 v27, v50;
	v1 =	vmul.f32 v1, v8;
	v8, _, _ =	vpop (xrf2);
	(xrf2) =	vadd.scan.msk.f32 $0xffff, v22  }
0x16f: {  	v14 =	vld [tilespmem:s26+$0x10610];
	v27 =	vmul.f32 v17, v31;
	v29, _, _ =	vpop (xrf2);
	(xrf2) =	vadd.scan.msk.f32 $0xffff, v15;
	v15 =	vadd.f32 v19, v0;
	v19 =	vmul.f32 v55, v23  }
0x170: {  	v52 =	vld [tilespmem:s26+$0x630]  }
0x171: {  	v27 =	vadd.f32 v27, v5;
	v5 =	vadd.f32 v19, v15;
	v15 =	vld [tilespmem:$0x1FB60]  }
0x172: {  	v53 =	vld [tilespmem:s26+$0x8650]  }
0x173: {  	v58 =	vld [tilespmem:s26+$0x10660]  }
0x174: {  	v14 =	vmul.f32 v14, v24;
	v17 =	vld [tilespmem:$0x1FB50];
	v2 =	vadd.f32 $0.0e+00, v2  }
0x175: {  	v0 =	vld [tilespmem:$0x1FB40]  }
0x176: {  	v14 =	vadd.f32 v14, v2;
	v2 =	vld [tilespmem:$0x1FB70];
	v15 =	vmul.f32 v15, v52  }
0x177: {  	v28 =	vld [tilespmem:s26+$0x8640]  }
0x178: {  	v15 =	vadd.f32 v15, v5;
	v5 =	vld [tilespmem:$0x1FB80]  }
0x179: {  	v24 =	vld [tilespmem:s26+$0x660]  }
0x17a: {  	v22 =	vld [tilespmem:s26+$0x650];
	v56 =	vmul.f32 v0, v17;
	v0, _, _ =	vpop (xrf2);
	(xrf2) =	vadd.scan.msk.f32 $0xffff, v30  }
0x17b: {  	v31 =	vld [tilespmem:s26+$0x10640];
	v30, _, _ =	vpop (xrf2);
	(xrf2) =	vadd.scan.msk.f32 $0xffff, v37;
	v23 =	vmul.f32 v2, v23  }
0x17c: {  	v17 =	vld [tilespmem:$0x1FBA0];
	v57, _, _ =	vpop (xrf2);
	(xrf2) =	vadd.scan.msk.f32 $0xffff, v25  }
0x17d: {  	v19 =	vmul.f32 v28, v12;
	v28 =	vld [tilespmem:s26+$0x10650];
	v2, _, _ =	vpop (xrf2);
	(xrf2) =	vadd.scan.msk.f32 $0xffff, v20;
	v14 =	vadd.f32 v23, v14;
	v23 =	vmul.f32 v5, v52  }
0x17e: {  	v21 =	vadd.f32 v62, v21;
	v59, _, _ =	vpop (xrf2);
	(xrf2) =	vadd.scan.msk.f32 $0xffff, v33  }
0x17f: {  	v5, _, _ =	vpop (xrf2);
	(xrf2) =	vadd.scan.msk.f32 $0xffff, v26  }
0x180: {  	v19 =	vadd.f32 $0.0e+00, v19;
	v12 =	vmul.f32 v31, v12;
	v31 =	vld [tilespmem:s26+$0x10710];
	v20 =	vmul.f32 v53, v22;
	v26, _, _ =	vpop (xrf2);
	(xrf2) =	vadd.scan.msk.f32 $0xffff, v21  }
0x181: {  	v16 =	vmul.f32 v16, v24;
	v9 =	vmul.f32 v17, v9;
	v17 =	vld [tilespmem:$0x1FBC0];
	v14 =	vadd.f32 v23, v14;
	(xrf2) =	vadd.scan.msk.f32 $0xffff, v11;
	v23, _, _ =	vpop (xrf2)  }
0x182: {  	v19 =	vadd.f32 v20, v19;
	v21 =	vmul.f32 v28, v22;
	v28, _, _ =	vpop (xrf2);
	(xrf2) =	vadd.scan.msk.f32 $0xffff, v18;
	v18 =	vmul.f32 v58, v24;
	v24 =	vld [tilespmem:$0x1FBB0]  }
0x183: {  	v25 =	vld [tilespmem:s26+$0x670]  }
0x184: {  	v11 =	vadd.f32 v16, v19;
	v16 =	vld [tilespmem:$0x1FB90];
	_ =	sdelay $0x1  }
0x185: {  	v20 =	vld [tilespmem:s26+$0x10670]  }
0x186: {  	v24 =	vmul.f32 v24, v17;
	v17 =	vld [tilespmem:$0x1FBD0]  }
0x187: {  	v12 =	vadd.f32 $0.0e+00, v12;
	v22 =	vld [tilespmem:s26+$0x10720];
	v60, _, _ =	vpop (xrf2);
	(xrf2) =	vadd.scan.msk.f32 $0xffff, v32  }
0x188: {  	v10 =	vmul.f32 v31, v10;
	v19 =	vld [tilespmem:s26+$0x107D0];
	v16 =	vmul.f32 v16, v25;
	v31, _, _ =	vpop (xrf2);
	(xrf2) =	vadd.scan.msk.f32 $0xffff, v27  }
0x189: {  	v12 =	vadd.f32 v21, v12;
	v27, _, _ =	vpop (xrf2);
	(xrf2) =	vadd.scan.msk.f32 $0xffff, v15;
	v15 =	vld [tilespmem:$0x1FBE0]  }
0x18a: {  	v11 =	vadd.f32 v16, v11;
	v16 =	vld [tilespmem:s26+$0x107E0]  }
0x18b: {  	v12 =	vadd.f32 v18, v12;
	v18 =	vmul.f32 v20, v25;
	v20 =	vmul.f32 v17, v39;
	v17 =	vld [tilespmem:$0x1FBF0]  }
0x18c: {  	v6 =	vmul.f32 v22, v6  }
0x18d: {  	v22, _, _ =	vpop (xrf2);
	(xrf2) =	vadd.scan.msk.f32 $0xffff, v14;
	v12 =	vadd.f32 v18, v12;
	v18 =	vmul.f32 v19, v36;
	v14 =	vadd.f32 $0.0e+00, v20  }
0x18e: {  	v9 =	vadd.f32 $0.0e+00, v9  }
0x18f: {  	v21 =	vld [tilespmem:s26+$0x10730];
	v16 =	vmul.f32 v16, v35;
	v14 =	vadd.f32 v18, v14  }
0x190: {  	v9 =	vadd.f32 v10, v9;
	v15 =	vmul.f32 v15, v17;
	v17 =	vld [tilespmem:$0x1FC20]  }
0x191: {  	v14 =	vadd.f32 v16, v14;
	v16 =	vld [tilespmem:$0x1FC10]  }
0x192: {  	v6 =	vadd.f32 v6, v9;
	v9 =	vld [tilespmem:$0x1FC00]  }
0x193: {  	v10 =	vld [tilespmem:s26+$0x107F0]  }
0x194: {  	v25 =	vld [tilespmem:s26+$0x10890]  }
0x195: {  	v3 =	vmul.f32 v21, v3;
	v19 =	vld [tilespmem:s26+$0x108A0]  }
0x196: {  	v20, _, _ =	vpop (xrf2);
	(xrf2) =	vadd.scan.msk.f32 $0xffff, v11;
	v16 =	vmul.f32 v16, v17;
	v17 =	vld [tilespmem:$0x1FC30]  }
0x197: {  	v3 =	vadd.f32 v3, v6;
	v9 =	vmul.f32 v9, v61;
	v11, _, _ =	vpop (xrf2);
	(xrf2) =	vadd.scan.msk.f32 $0xffff, v12  }
0x198: {  	v10 =	vmul.f32 v10, v34;
	v12, _, _ =	vpop (xrf2)  }
0x199: {  	v6 =	vadd.f32 $0.0e+00, v9;
	v9 =	vmul.f32 v25, v54;
	v21, _, _ =	vpop (xrf2)  }
0x19a: {  	v25, _, _ =	vpop (xrf2);
	v10 =	vadd.f32 v10, v14  }
0x19b: {  	v6 =	vadd.f32 v9, v6;
	v9 =	vmul.f32 v19, v42;
	(xrf2) =	vadd.scan.msk.f32 $0xffff, v3;
	v3, _, _ =	vpop (xrf2);
	v17 =	vmul.f32 v17, v38  }
0x19c: {  	v41 =	vadd.f32 $0.0e+00, v56;
	v19, _, _ =	vpop (xrf2);
	v14 =	vadd.f32 $0.0e+00, v16  }
0x19d: {  	v6 =	vadd.f32 v9, v6;
	v16 =	vbroadcast v30, $0xF;
	v30, _, _ =	vpop (xrf2)  }
0x19e: {  	v4 =	vadd.f32 v4, v41;
	(xrf2) =	vadd.scan.msk.f32 $0xffff, v10;
	v10, _, _ =	vpop (xrf2);
	v14 =	vadd.f32 v15, v14  }
0x19f: {  	v26 =	vbroadcast v26, $0xF;
	v23 =	vbroadcast v23, $0xF;
	v6 =	vadd.f32 v17, v6;
	v17, _, _ =	vpop (xrf2)  }
0x1a0: {  	v22 =	vbroadcast v22, $0xF;
	v18 =	vbroadcast v29, $0xF;
	v14 =	vadd.f32 v24, v14;
	v24, _, _ =	vpop (xrf2)  }
0x1a1: {  	v4 =	vadd.f32 v13, v4;
	v9 =	vbroadcast v59, $0xF;
	v29 =	vbroadcast v57, $0xF;
	v13, _, _ =	vpop (xrf2)  }
0x1a2: {  	v21 =	vbroadcast v21, $0xF;
	v13 =	vbroadcast v13, $0xF  }
0x1a3: {  	v4 =	vadd.f32 v7, v4;
	(xrf2) =	vadd.scan.msk.f32 $0xffff, v6;
	v6 =	vbroadcast v10, $0xF;
	v10 =	vbroadcast v24, $0xF  }
0x1a4: {  	v19 =	vbroadcast v19, $0xF;
	v1 =	vadd.f32 v1, v14;
	v14 =	vbroadcast v17, $0xF  }
0x1a5: {  	v7 =	vbroadcast v30, $0xF;
	v6 =	vsel vm0, v6, v10;
	v10 =	vbroadcast v25, $0xF  }
0x1a6: {  	v3 =	vbroadcast v3, $0xF;
	(xrf2) =	vadd.scan.msk.f32 $0xffff, v1;
	v1 =	vsel vm0, v14, v13;
	v6 =	vsel vm1, v6, v19;
	v13, _, _ =	vpop (xrf2)  }
0x1a7: {  	v1 =	vsel vm1, v1, v7;
	v6 =	vsel vm2, v6, v10;
	v7 =	vbroadcast v13, $0xF  }
0x1a8: {  	v11 =	vbroadcast v11, $0xF;
	v1 =	vsel vm2, v1, v3;
	v3 =	vsel vm3, v6, v21  }
0x1a9: {  	v6 =	vbroadcast v12, $0xF;
	v1 =	vsel vm3, v1, v7;
	v7 =	vbroadcast v20, $0xF  }
0x1aa: {  	v15 =	vbroadcast v27, $0xF;
	v27 =	vbroadcast v60, $0xF;
	v3 =	vsel vm4, v3, v11;
	v10, _, _ =	vpop (xrf2)  }
0x1ab: {  	(xrf2) =	vadd.scan.msk.f32 $0xffff, v4;
	v3 =	vsel vm5, v3, v22;
	v4 =	vbroadcast v10, $0xF;
	v1 =	vsel vm4, v1, v6  }
0x1ac: {  	v3 =	vsel vm6, v3, v15;
	v6 =	vbroadcast v31, $0xF;
	v1 =	vsel vm5, v1, v7  }
0x1ad: {  	v3 =	vsel vm7, v3, v27;
	v1 =	vsel vm6, v1, v4;
	v4 =	vbroadcast v28, $0xF;
	v7, _, _ =	vpop (xrf2)  }
0x1ae: {  	v3 =	vsel vm8, v3, v23;
	v1 =	vsel vm7, v1, v6;
	v6 =	vbroadcast v7, $0xF  }
0x1af: {  	v3 =	vsel vm9, v3, v26;
	v1 =	vsel vm8, v1, v4;
	v4 =	vbroadcast v5, $0xF  }
0x1b0: {  	v2 =	vbroadcast v2, $0xF;
	v3 =	vsel vm10, v3, v9;
	v1 =	vsel vm9, v1, v6  }
0x1b1: {  	v3 =	vsel vm11, v3, v29;
	v1 =	vsel vm10, v1, v4  }
0x1b2: {  	v5, _, _ =	vpop (xrf2);
	v1 =	vsel vm11, v1, v2;
	v2 =	vsel vm12, v3, v16  }
0x1b3: {  	v4 =	vbroadcast v5, $0xF;
	v2 =	vsel vm13, v2, v18  }
0x1b4: {  	v0 =	vbroadcast v0, $0xF  }
0x1b5: {  	v1 =	vsel vm12, v1, v4  }
0x1b6: {  	v0 =	vsel vm13, v1, v0;
	v1 =	vsel vm14, v2, v8;
	v2, _, _ =	vpop (xrf2)  }
0x1b7: {  	[tilespmem:s21+$0x0] =	vst v1;
	v0 =	vsel vm14, v0, v2  }
0x1b8: {  	s25 =	simm.s32 $0x400;
	[tilespmem:s22+$0x0] =	vst v0  }
0x1b9: {  	v0 =	vld [tilespmem:s25+$0x109F0];
	_ =	sdelay $0x4  }
0x1ba: {  	[tilespmem:$0x1FF10] =	vst v0;
	v0 =	vld [tilespmem:s25+$0x109E0];
	_ =	sdelay $0x4  }
0x1bb: {  	[tilespmem:$0x1FF60] =	vst v0;
	v0 =	vld [tilespmem:s25+$0x109D0];
	_ =	sdelay $0x4  }
0x1bc: {  	[tilespmem:$0x1FFA0] =	vst v0;
	v0 =	vld [tilespmem:s25+$0x10970];
	_ =	sdelay $0x4  }
0x1bd: {  	[tilespmem:$0x1FFE0] =	vst v0;
	v0 =	vld [tilespmem:s25+$0x109C0];
	_ =	sdelay $0x4  }
0x1be: {  	[tilespmem:$0x1FC40] =	vst v0;
	v0 =	vld [tilespmem:s25+$0x10960];
	_ =	sdelay $0x4  }
0x1bf: {  	[tilespmem:$0x1FC50] =	vst v0;
	v0 =	vld [tilespmem:s25+$0x108F0];
	_ =	sdelay $0x4  }
0x1c0: {  	[tilespmem:$0x1FD40] =	vst v0;
	v0 =	vld [tilespmem:s25+$0x10950];
	_ =	sdelay $0x4  }
0x1c1: {  	[tilespmem:$0x1FC60] =	vst v0;
	v0 =	vld [tilespmem:s25+$0x108B0];
	_ =	sdelay $0x4  }
0x1c2: {  	[tilespmem:$0x1FC70] =	vst v0;
	v0 =	vld [tilespmem:s25+$0x10940];
	_ =	sdelay $0x4  }
0x1c3: {  	[tilespmem:$0x1FC80] =	vst v0;
	v0 =	vld [tilespmem:s25+$0x88B0];
	_ =	sdelay $0x4  }
0x1c4: {  	[tilespmem:$0x1FD50] =	vst v0;
	v0 =	vld [tilespmem:s25+$0x10870];
	_ =	sdelay $0x4  }
0x1c5: {  	[tilespmem:$0x1FD90] =	vst v0;
	v0 =	vld [tilespmem:s25+$0x8870];
	_ =	sdelay $0x4  }
0x1c6: {  	[tilespmem:$0x1FD60] =	vst v0;
	v0 =	vld [tilespmem:s25+$0x10830];
	_ =	sdelay $0x4  }
0x1c7: {  	[tilespmem:$0x1FDC0] =	vst v0;
	v0 =	vld [tilespmem:s25+$0x10860];
	_ =	sdelay $0x4  }
0x1c8: {  	[tilespmem:$0x1FD70] =	vst v0;
	v0 =	vld [tilespmem:s25+$0x8830];
	_ =	sdelay $0x4  }
0x1c9: {  	[tilespmem:$0x1FDA0] =	vst v0;
	v0 =	vld [tilespmem:s25+$0x10820];
	_ =	sdelay $0x4  }
0x1ca: {  	[tilespmem:$0x1FDB0] =	vst v0;
	v0 =	vld [tilespmem:s25+$0x10880];
	_ =	sdelay $0x4  }
0x1cb: {  	[tilespmem:$0x1FC90] =	vst v0;
	v0 =	vld [tilespmem:s25+$0x87F0];
	_ =	sdelay $0x4  }
0x1cc: {  	[tilespmem:$0x1FE00] =	vst v0;
	v0 =	vld [tilespmem:s25+$0x8820];
	_ =	sdelay $0x4  }
0x1cd: {  	[tilespmem:$0x1FD80] =	vst v0;
	v0 =	vld [tilespmem:s25+$0x107B0];
	_ =	sdelay $0x4  }
0x1ce: {  	[tilespmem:$0x1FE60] =	vst v0;
	v0 =	vld [tilespmem:s25+$0x87B0];
	_ =	sdelay $0x4  }
0x1cf: {  	[tilespmem:$0x1FE50] =	vst v0;
	v0 =	vld [tilespmem:s25+$0x87E0];
	_ =	sdelay $0x4  }
0x1d0: {  	[tilespmem:$0x1FDD0] =	vst v0;
	v0 =	vld [tilespmem:s25+$0x10770];
	_ =	sdelay $0x4  }
0x1d1: {  	[tilespmem:$0x1FEC0] =	vst v0;
	v0 =	vld [tilespmem:s25+$0x107A0];
	_ =	sdelay $0x4  }
0x1d2: {  	[tilespmem:$0x1FE20] =	vst v0;
	v0 =	vld [tilespmem:s25+$0x8770];
	_ =	sdelay $0x4  }
0x1d3: {  	[tilespmem:$0x1FEA0] =	vst v0;
	v0 =	vld [tilespmem:s25+$0x87A0];
	_ =	sdelay $0x4  }
0x1d4: {  	[tilespmem:$0x1FE10] =	vst v0;
	v0 =	vld [tilespmem:s25+$0x10760];
	_ =	sdelay $0x4  }
0x1d5: {  	[tilespmem:$0x1FE90] =	vst v0;
	v0 =	vld [tilespmem:s25+$0x10790];
	_ =	sdelay $0x4  }
0x1d6: {  	[tilespmem:$0x1FDF0] =	vst v0;
	v0 =	vld [tilespmem:s25+$0x107C0];
	_ =	sdelay $0x4  }
0x1d7: {  	[tilespmem:$0x1FCA0] =	vst v0;
	v0 =	vld [tilespmem:s25+$0x8730];
	_ =	sdelay $0x4  }
0x1d8: {  	[tilespmem:$0x1FF00] =	vst v0;
	v0 =	vld [tilespmem:s25+$0x8760];
	_ =	sdelay $0x4  }
0x1d9: {  	[tilespmem:$0x1FE80] =	vst v0;
	v0 =	vld [tilespmem:s25+$0x8790];
	_ =	sdelay $0x4  }
0x1da: {  	[tilespmem:$0x1FDE0] =	vst v0;
	v0 =	vld [tilespmem:s25+$0x106F0];
	_ =	sdelay $0x4  }
0x1db: {  	[tilespmem:$0x1FF90] =	vst v0;
	v0 =	vld [tilespmem:s25+$0x10750];
	_ =	sdelay $0x1  }
0x1dc: {  	v31 =	vld [tilespmem:s25+$0x89F0]  }
0x1dd: {  	v21 =	vld [tilespmem:s25+$0x89E0]  }
0x1de: {  	v43 =	vld [tilespmem:s25+$0x109B0]  }
0x1df: {  	[tilespmem:$0x1FE70] =	vst v0;
	v0 =	vld [tilespmem:s25+$0x86F0]  }
0x1e0: {  	v45 =	vld [tilespmem:s25+$0x89B0]  }
0x1e1: {  	v54 =	vld [tilespmem:s25+$0x89D0]  }
0x1e2: {  	v33 =	vld [tilespmem:s25+$0x109A0]  }
0x1e3: {  	v37 =	vld [tilespmem:s25+$0x8970]  }
0x1e4: {  	[tilespmem:$0x1FF50] =	vst v0;
	v0 =	vld [tilespmem:s25+$0x8720]  }
0x1e5: {  	v24 =	vld [tilespmem:s25+$0x89A0]  }
0x1e6: {  	v10 =	vld [tilespmem:s25+$0x89C0]  }
0x1e7: {  	v52 =	vld [tilespmem:s25+$0x10930]  }
0x1e8: {  	v17 =	vld [tilespmem:s25+$0x10990]  }
0x1e9: {  	[tilespmem:$0x1FEE0] =	vst v0;
	v0 =	vld [tilespmem:s25+$0x8750]  }
0x1ea: {  	v20 =	vld [tilespmem:s25+$0x9F0]  }
0x1eb: {  	v46 =	vld [tilespmem:s25+$0x8930]  }
0x1ec: {  	v50 =	vld [tilespmem:s25+$0x8960]  }
0x1ed: {  	v13 =	vld [tilespmem:s25+$0x8990]  }
0x1ee: {  	[tilespmem:$0x1FE30] =	vst v0;
	v0 =	vld [tilespmem:s25+$0x106B0]  }
0x1ef: {  	v42 =	vld [tilespmem:s25+$0x10920]  }
0x1f0: {  	v14 =	vld [tilespmem:s25+$0x10980]  }
0x1f1: {  	v53 =	vld [tilespmem:s25+$0x88F0]  }
0x1f2: {  	v32 =	vld [tilespmem:s25+$0x8920]  }
0x1f3: {  	[tilespmem:$0x1FFF0] =	vst v0;
	v0 =	vld [tilespmem:s25+$0x106E0]  }
0x1f4: {  	v15 =	vld [tilespmem:s25+$0x8950]  }
0x1f5: {  	v8 =	vld [tilespmem:s25+$0x8980]  }
0x1f6: {  	v60 =	vld [tilespmem:s25+$0x108E0]  }
0x1f7: {  	v28 =	vld [tilespmem:s25+$0x10910]  }
0x1f8: {  	[tilespmem:$0x1FF40] =	vst v0;
	v0 =	vld [tilespmem:s25+$0x10740]  }
0x1f9: {  	v9 =	vld [tilespmem:s25+$0x9E0]  }
0x1fa: {  	v41 =	vld [tilespmem:s25+$0x88E0]  }
0x1fb: {  	v23 =	vld [tilespmem:s25+$0x8910]  }
0x1fc: {  	v11 =	vld [tilespmem:s25+$0x8940]  }
0x1fd: {  	[tilespmem:$0x1FE40] =	vst v0;
	v0 =	vld [tilespmem:s25+$0x86B0]  }
0x1fe: {  	v39 =	vld [tilespmem:s25+$0x108D0]  }
0x1ff: {  	v25 =	vld [tilespmem:s25+$0x10900]  }
0x200: {  	v59 =	vld [tilespmem:s25+$0x88A0]  }
0x201: {  	v30 =	vld [tilespmem:s25+$0x88D0]  }
0x202: {  	[tilespmem:$0x1FFD0] =	vst v0;
	v0 =	vld [tilespmem:s25+$0x86E0]  }
0x203: {  	v12 =	vld [tilespmem:s25+$0x8900]  }
0x204: {  	v27 =	vld [tilespmem:s25+$0x108C0]  }
0x205: {  	v18 =	vld [tilespmem:s25+$0x9B0]  }
0x206: {  	v5 =	vld [tilespmem:s25+$0x9D0]  }
0x207: {  	[tilespmem:$0x1FF20] =	vst v0;
	v0 =	vld [tilespmem:s25+$0x8710]  }
0x208: {  	v51 =	vld [tilespmem:s25+$0x8860]  }
0x209: {  	v40 =	vld [tilespmem:s25+$0x8890]  }
0x20a: {  	v22 =	vld [tilespmem:s25+$0x88C0]  }
0x20b: {  	v49 =	vld [tilespmem:s25+$0x10850]  }
0x20c: {  	[tilespmem:$0x1FEB0] =	vst v0;
	v0 =	vld [tilespmem:s25+$0x10630]  }
0x20d: {  	v36 =	vld [tilespmem:s25+$0x8850]  }
0x20e: {  	v29 =	vld [tilespmem:s25+$0x8880]  }
0x20f: {  	v7 =	vld [tilespmem:s25+$0x9A0]  }
0x210: {  	v4 =	vld [tilespmem:s25+$0x10700]  }
0x211: {  	[tilespmem:$0x1FCB0] =	vst v0;
	v0 =	vld [tilespmem:s25+$0x106A0]  }
0x212: {  	v2 =	vld [tilespmem:s25+$0x9C0]  }
0x213: {  	v3 =	vld [tilespmem:s25+$0x990]  }
0x214: {  	v1 =	vld [tilespmem:s25+$0x980]  }
0x215: {  	[tilespmem:$0x1FCC0] =	vst v4;
	v4 =	vld [tilespmem:s25+$0x8630]  }
0x216: {  	[tilespmem:$0x1FFC0] =	vst v0;
	v0 =	vld [tilespmem:s25+$0x106D0]  }
0x217: {  	v62 =	vld [tilespmem:s25+$0x960]  }
0x218: {  	v19 =	vld [tilespmem:s25+$0x8F0];
	v10 =	vmul.f32 v10, v2  }
0x219: {  	[tilespmem:$0x1FFB0] =	vst v5;
	v8 =	vmul.f32 v8, v1;
	v54 =	vmul.f32 v54, v5;
	v5 =	vld [tilespmem:s25+$0x86A0]  }
0x21a: {  	[tilespmem:$0x1FCD0] =	vst v4;
	v4 =	vld [tilespmem:s25+$0x8670]  }
0x21b: {  	v13 =	vmul.f32 v13, v3;
	v10 =	vadd.f32 $0.0e+00, v10;
	v8 =	vadd.f32 $0.0e+00, v8;
	[tilespmem:$0x1FF30] =	vst v0;
	v0 =	vld [tilespmem:s25+$0x940]  }
0x21c: {  	v63 =	vld [tilespmem:s25+$0x950];
	v21 =	vmul.f32 v21, v9  }
0x21d: {  	[tilespmem:$0x1FCE0] =	vst v2;
	v2 =	vld [tilespmem:s25+$0x900];
	v10 =	vadd.f32 v54, v10;
	v8 =	vadd.f32 v13, v8;
	v13 =	vmul.f32 v24, v7  }
0x21e: {  	v1 =	vmul.f32 v14, v1;
	v3 =	vmul.f32 v17, v3;
	[tilespmem:$0x1FF80] =	vst v5;
	v5 =	vld [tilespmem:s25+$0x86D0]  }
0x21f: {  	v10 =	vadd.f32 v21, v10;
	v8 =	vadd.f32 v13, v8;
	v13 =	vmul.f32 v31, v20;
	[tilespmem:$0x1FCF0] =	vst v4;
	v4 =	vld [tilespmem:s25+$0x910]  }
0x220: {  	v17 =	vmul.f32 v45, v18;
	[tilespmem:$0x1FD00] =	vst v0;
	v11 =	vmul.f32 v11, v0;
	v0 =	vadd.f32 $0.0e+00, v1;
	v1 =	vld [tilespmem:s25+$0x10620]  }
0x221: {  	[tilespmem:$0x1FF70] =	vst v9;
	v10 =	vadd.f32 v13, v10;
	v9 =	vld [tilespmem:$0x1FD40]  }
0x222: {  	v6 =	vld [tilespmem:s25+$0x920];
	v15 =	vmul.f32 v15, v63;
	v8 =	vadd.f32 v17, v8;
	v11 =	vadd.f32 $0.0e+00, v11  }
0x223: {  	v14 =	vld [tilespmem:s25+$0x8C0];
	v17 =	vmul.f32 v50, v62;
	v0 =	vadd.f32 v3, v0;
	v3 =	vmul.f32 v12, v2  }
0x224: {  	v16 =	vld [tilespmem:s25+$0x970];
	[tilespmem:$0x1FEF0] =	vst v5;
	v5 =	vmul.f32 v33, v7;
	v7 =	vmul.f32 v43, v18;
	v11 =	vadd.f32 v15, v11  }
0x225: {  	v21 =	vld [tilespmem:s25+$0x8D0];
	v3 =	vadd.f32 $0.0e+00, v3;
	v15 =	vmul.f32 v23, v4;
	[tilespmem:$0x1FD10] =	vst v1;
	v1 =	vmul.f32 v25, v2  }
0x226: {  	v38 =	vld [tilespmem:s25+$0x930];
	v9 =	vmul.f32 v9, v19;
	v0 =	vadd.f32 v5, v0;
	v11 =	vadd.f32 v17, v11  }
0x227: {  	v55 =	vld [tilespmem:s25+$0x10810];
	v2 =	vmul.f32 v28, v4;
	v3 =	vadd.f32 v15, v3;
	v1 =	vadd.f32 $0.0e+00, v1  }
0x228: {  	v26 =	vld [tilespmem:s25+$0x8840];
	v17 =	vmul.f32 v32, v6;
	v7 =	vadd.f32 v7, v0;
	v0 =	vmul.f32 v22, v14  }
0x229: {  	v12 =	vld [tilespmem:s25+$0x8E0];
	v5 =	vmul.f32 v37, v16;
	v1 =	vadd.f32 v2, v1;
	v2 =	vmul.f32 v42, v6  }
0x22a: {  	v15 =	vmovc v16;
	v16 =	vld [tilespmem:s25+$0x840];
	v3 =	vadd.f32 v17, v3;
	v0 =	vadd.f32 $0.0e+00, v0;
	v17 =	vmul.f32 v30, v21  }
0x22b: {  	v35 =	vld [tilespmem:s25+$0x10840];
	v14 =	vmul.f32 v27, v14;
	v1 =	vadd.f32 v2, v1;
	v2 =	vmul.f32 v52, v38  }
0x22c: {  	v18 =	vld [tilespmem:s25+$0x850];
	v4 =	vmul.f32 v46, v38;
	v11 =	vadd.f32 v5, v11;
	v0 =	vadd.f32 v17, v0  }
0x22d: {  	v13 =	vld [tilespmem:s25+$0x880];
	v17 =	vmul.f32 v39, v21;
	v1 =	vadd.f32 v2, v1;
	v2 =	vadd.f32 $0.0e+00, v14  }
0x22e: {  	v5 =	vld [tilespmem:s25+$0x860];
	v3 =	vadd.f32 v4, v3;
	v4 =	vmul.f32 v41, v12;
	v21 =	vmul.f32 v53, v19  }
0x22f: {  	v12 =	vmul.f32 v60, v12;
	v19 =	vld [tilespmem:$0x1FD60];
	v2 =	vadd.f32 v17, v2;
	v17 =	vmul.f32 v26, v16  }
0x230: {  	v14 =	vld [tilespmem:s25+$0x870]  }
0x231: {  	v47 =	vld [tilespmem:s25+$0x8810];
	v2 =	vadd.f32 v12, v2;
	v12 =	vadd.f32 $0.0e+00, v17;
	v17 =	vmul.f32 v36, v18  }
0x232: {  	[tilespmem:$0x1FD30] =	vst v62;
	v62 =	vld [tilespmem:s25+$0x890];
	v16 =	vmul.f32 v35, v16  }
0x233: {  	[tilespmem:$0x1FD20] =	vst v63;
	v63 =	vld [tilespmem:s25+$0x8B0];
	v0 =	vadd.f32 v4, v0;
	v25 =	vmul.f32 v51, v5;
	v12 =	vadd.f32 v17, v12  }
0x234: {  	v6 =	vld [tilespmem:s25+$0x8A0];
	v16 =	vadd.f32 $0.0e+00, v16;
	v2 =	vadd.f32 v9, v2;
	v9 =	vmul.f32 v49, v18  }
0x235: {  	v4 =	vmul.f32 v29, v13;
	v12 =	vadd.f32 v25, v12;
	v25 =	vmul.f32 v19, v14;
	v19 =	vld [tilespmem:$0x1FD70]  }
0x236: {  	v9 =	vadd.f32 v9, v16;
	v16 =	vld [tilespmem:$0x1FD50]  }
0x237: {  	v48 =	vld [tilespmem:s25+$0x10800];
	v22 =	vmul.f32 v40, v62;
	v4 =	vadd.f32 $0.0e+00, v4  }
0x238: {  	v23 =	vld [tilespmem:s25+$0x800]  }
0x239: {  	v24 =	vld [tilespmem:s25+$0x810];
	v4 =	vadd.f32 v22, v4;
	v17 =	vmul.f32 v59, v6  }
0x23a: {  	v5 =	vmul.f32 v19, v5;
	v19 =	vld [tilespmem:$0x1FD90]  }
0x23b: {  	v4 =	vadd.f32 v17, v4;
	v16 =	vmul.f32 v16, v63;
	_ =	sdelay $0x1  }
0x23c: {  	v34 =	vld [tilespmem:s25+$0x8800];
	v4 =	vadd.f32 v16, v4;
	v16 =	vmul.f32 v48, v23  }
0x23d: {  	v27 =	vmul.f32 v47, v24;
	v24 =	vmul.f32 v55, v24  }
0x23e: {  	v5 =	vadd.f32 v5, v9;
	v16 =	vadd.f32 $0.0e+00, v16;
	v14 =	vmul.f32 v19, v14  }
0x23f: {  	v22 =	vld [tilespmem:s25+$0x820]  }
0x240: {  	v5 =	vadd.f32 v14, v5;
	v14 =	vadd.f32 v24, v16;
	v16 =	vld [tilespmem:$0x1FDB0]  }
0x241: {  	v56 =	vld [tilespmem:s25+$0x87D0];
	v17 =	vmul.f32 v34, v23  }
0x242: {  	v44 =	vld [tilespmem:s25+$0x87C0]  }
0x243: {  	v61 =	vld [tilespmem:s25+$0x8780];
	v17 =	vadd.f32 $0.0e+00, v17  }
0x244: {  	v26 =	vld [tilespmem:s25+$0x830]  }
0x245: {  	v9 =	vadd.f32 v27, v17;
	v17 =	vld [tilespmem:$0x1FD80];
	v16 =	vmul.f32 v16, v22  }
0x246: {  	v19 =	vld [tilespmem:$0x1FDA0]  }
0x247: {  	v14 =	vadd.f32 v16, v14;
	v16 =	vld [tilespmem:$0x1FDC0]  }
0x248: {  	v32 =	vld [tilespmem:s25+$0x7C0]  }
0x249: {  	v33 =	vld [tilespmem:s25+$0x7D0]  }
0x24a: {  	v28 =	vld [tilespmem:s25+$0x780]  }
0x24b: {  	v30 =	vld [tilespmem:s25+$0x7E0];
	v17 =	vmul.f32 v17, v22  }
0x24c: {  	v12 =	vadd.f32 v25, v12;
	v25 =	vmul.f32 v19, v26;
	v19 =	vld [tilespmem:$0x1FDD0];
	v16 =	vmul.f32 v16, v26  }
0x24d: {  	(xrf2) =	vadd.scan.msk.f32 $0xffff, v10;
	v23 =	vld [tilespmem:s25+$0x790];
	v9 =	vadd.f32 v17, v9;
	v17 =	vmul.f32 v44, v32  }
0x24e: {  	(xrf2) =	vadd.scan.msk.f32 $0xffff, v8;
	v8 =	vadd.f32 v16, v14;
	v16 =	vld [tilespmem:$0x1FDE0]  }
0x24f: {  	v24 =	vmul.f32 v56, v33;
	v17 =	vadd.f32 $0.0e+00, v17;
	_ =	sdelay $0x1  }
0x250: {  	v58 =	vld [tilespmem:s25+$0x10780];
	v10 =	vadd.f32 v24, v17;
	v24 =	vmul.f32 v19, v30;
	v26 =	vmul.f32 v61, v28;
	_ =	sdelay $0x1  }
0x251: {  	(xrf2) =	vadd.scan.msk.f32 $0xffff, v7;
	v7 =	vadd.f32 v24, v10;
	v10 =	vld [tilespmem:$0x1FDF0];
	v14 =	vadd.f32 $0.0e+00, v26;
	v16 =	vmul.f32 v16, v23  }
0x252: {  	v31 =	vld [tilespmem:s25+$0x7F0]  }
0x253: {  	(xrf2) =	vadd.scan.msk.f32 $0xffff, v11;
	v11 =	vadd.f32 v16, v14;
	v14 =	vld [tilespmem:$0x1FE00]  }
0x254: {  	v57 =	vld [tilespmem:s25+$0x8740];
	v17 =	vmul.f32 v58, v28  }
0x255: {  	v54 =	vld [tilespmem:s25+$0x8700]  }
0x256: {  	v27 =	vld [tilespmem:s25+$0x7A0];
	v17 =	vadd.f32 $0.0e+00, v17;
	v10 =	vmul.f32 v10, v23  }
0x257: {  	v9 =	vadd.f32 v25, v9;
	v25 =	vld [tilespmem:s25+$0x740]  }
0x258: {  	(xrf2) =	vadd.scan.msk.f32 $0xffff, v3;
	v3 =	vadd.f32 v10, v17;
	v10 =	vld [tilespmem:$0x1FE10];
	v14 =	vmul.f32 v14, v31  }
0x259: {  	v28 =	vld [tilespmem:s25+$0x750]  }
0x25a: {  	v21 =	vadd.f32 v21, v0;
	(xrf2) =	vadd.scan.msk.f32 $0xffff, v1;
	v1 =	vadd.f32 v14, v7;
	v14 =	vld [tilespmem:$0x1FE30]  }
0x25b: {  	v19 =	vld [tilespmem:$0x1FE80]  }
0x25c: {  	(xrf2) =	vadd.scan.msk.f32 $0xffff, v21;
	v23 =	vld [tilespmem:s25+$0x760]  }
0x25d: {  	(xrf2) =	vadd.scan.msk.f32 $0xffff, v2;
	v2 =	vld [tilespmem:$0x1FE50];
	v16 =	vmul.f32 v57, v25;
	v10 =	vmul.f32 v10, v27  }
0x25e: {  	v22 =	vld [tilespmem:s25+$0x7B0]  }
0x25f: {  	v10 =	vadd.f32 v10, v11;
	v11 =	vld [tilespmem:$0x1FE40];
	v7 =	vadd.f32 $0.0e+00, v16;
	v14 =	vmul.f32 v14, v28  }
0x260: {  	v17 =	vld [tilespmem:$0x1FE20]  }
0x261: {  	(xrf2) =	vadd.scan.msk.f32 $0xffff, v4;
	v4 =	vld [tilespmem:$0x1FE70];
	v21 =	vmul.f32 v19, v23;
	v7 =	vadd.f32 v14, v7  }
0x262: {  	v55 =	vld [tilespmem:s25+$0x700];
	(xrf2) =	vadd.scan.msk.f32 $0xffff, v12  }
0x263: {  	(xrf2) =	vadd.scan.msk.f32 $0xffff, v5;
	v5 =	vadd.f32 v21, v7;
	v7 =	vld [tilespmem:$0x1FE90]  }
0x264: {  	v11 =	vmul.f32 v11, v25  }
0x265: {  	v59, _, _ =	vpop (xrf2);
	(xrf2) =	vadd.scan.msk.f32 $0xffff, v9;
	v9 =	vld [tilespmem:$0x1FEA0];
	v2 =	vmul.f32 v2, v22;
	v17 =	vmul.f32 v17, v27  }
0x266: {  	v24 =	vld [tilespmem:s25+$0x770];
	v4 =	vmul.f32 v4, v28;
	v11 =	vadd.f32 $0.0e+00, v11  }
0x267: {  	v3 =	vadd.f32 v17, v3;
	v17 =	vld [tilespmem:$0x1FE60];
	v2 =	vadd.f32 v2, v10;
	v10 =	vmul.f32 v54, v55  }
0x268: {  	v57 =	vld [tilespmem:s25+$0x710];
	v4 =	vadd.f32 v4, v11;
	v7 =	vmul.f32 v7, v23  }
0x269: {  	v11 =	vadd.f32 $0.0e+00, v10;
	v10 =	vld [tilespmem:$0x1FEB0]  }
0x26a: {  	v7 =	vadd.f32 v7, v4;
	v4 =	vld [tilespmem:$0x1FEC0];
	_ =	sdelay $0x1  }
0x26b: {  	v17 =	vmul.f32 v17, v22  }
0x26c: {  	v9 =	vmul.f32 v9, v24  }
0x26d: {  	v56 =	vld [tilespmem:s25+$0x720];
	v3 =	vadd.f32 v17, v3;
	v17 =	vmul.f32 v10, v57;
	v10, _, _ =	vpop (xrf2);
	(xrf2) =	vadd.scan.msk.f32 $0xffff, v8  }
0x26e: {  	v22 =	vmul.f32 v4, v24;
	v4, _, _ =	vpop (xrf2);
	(xrf2) =	vadd.scan.msk.f32 $0xffff, v1;
	v1 =	vadd.f32 v9, v5;
	v5 =	vld [tilespmem:$0x1FEE0];
	_ =	sdelay $0x2  }
0x26f: {  	v50 =	vld [tilespmem:s25+$0x106C0]  }
0x270: {  	v18 =	vld [tilespmem:s25+$0x86C0]  }
0x271: {  	v58 =	vld [tilespmem:s25+$0x730];
	[tilespmem:$0x1FED0] =	vst v4;
	v4 =	vadd.f32 v17, v11;
	v11 =	vmul.f32 v5, v56  }
0x272: {  	v14 =	vld [tilespmem:s25+$0x6C0]  }
0x273: {  	v11 =	vadd.f32 v11, v4;
	v4 =	vld [tilespmem:$0x1FF00];
	_ =	sdelay $0x3  }
0x274: {  	v18 =	vmul.f32 v18, v14;
	v8, _, _ =	vpop (xrf2);
	(xrf2) =	vadd.scan.msk.f32 $0xffff, v2  }
0x275: {  	v9, _, _ =	vpop (xrf2);
	(xrf2) =	vadd.scan.msk.f32 $0xffff, v3;
	v3 =	vmul.f32 v50, v14;
	v14 =	vmul.f32 v4, v58;
	v4 =	vld [tilespmem:$0x1FF10];
	_ =	sdelay $0x1  }
0x276: {  	v12 =	vld [tilespmem:s25+$0x6D0]  }
0x277: {  	v5 =	vld [tilespmem:$0x1FEF0]  }
0x278: {  	v21 =	vld [tilespmem:s25+$0x6E0]  }
0x279: {  	v34 =	vmul.f32 v4, v20;
	v4 =	vld [tilespmem:$0x1FF20];
	_ =	sdelay $0x2  }
0x27a: {  	v2 =	vadd.f32 v22, v7;
	v7 =	vadd.f32 $0.0e+00, v18;
	v18 =	vmul.f32 v5, v12;
	_ =	sdelay $0x1  }
0x27b: {  	v54, _, _ =	vpop (xrf2);
	(xrf2) =	vadd.scan.msk.f32 $0xffff, v1;
	v1 =	vadd.f32 v18, v7;
	v7 =	vmul.f32 v4, v21;
	v4 =	vld [tilespmem:$0x1FF40];
	_ =	sdelay $0x1  }
0x27c: {  	v42, _, _ =	vpop (xrf2);
	(xrf2) =	vadd.scan.msk.f32 $0xffff, v2;
	v2 =	vld [tilespmem:$0x1FF30];
	_ =	sdelay $0x1  }
0x27d: {  	v17 =	vld [tilespmem:s25+$0x6F0]  }
0x27e: {  	v1 =	vadd.f32 v7, v1;
	v7 =	vmul.f32 v4, v21;
	v4 =	vld [tilespmem:$0x1FF50];
	_ =	sdelay $0x1  }
0x27f: {  	v26 =	vld [tilespmem:s25+$0x10680];
	v3 =	vadd.f32 $0.0e+00, v3;
	v2 =	vmul.f32 v2, v12  }
0x280: {  	v23 =	vld [tilespmem:s25+$0x680]  }
0x281: {  	v2 =	vadd.f32 v2, v3;
	v3 =	vld [tilespmem:$0x1FF60]  }
0x282: {  	v11 =	vadd.f32 v14, v11;
	v14 =	vmul.f32 v4, v17;
	v4 =	vld [tilespmem:$0x1FF70];
	_ =	sdelay $0x3  }
0x283: {  	v16 =	vld [tilespmem:s25+$0x8680]  }
0x284: {  	v18 =	vld [tilespmem:s25+$0x6A0];
	v52 =	vmul.f32 v3, v4;
	v3 =	vmul.f32 v26, v23  }
0x285: {  	v4 =	vld [tilespmem:$0x1FF80]  }
0x286: {  	v21 =	vadd.f32 $0.0e+00, v3;
	v3 =	vld [tilespmem:$0x1FF90];
	_ =	sdelay $0x3  }
0x287: {  	v12 =	vmul.f32 v16, v23;
	v16 =	vmul.f32 v4, v18;
	v4 =	vld [tilespmem:$0x1FFB0]  }
0x288: {  	v17 =	vmul.f32 v3, v17;
	v3 =	vld [tilespmem:$0x1FFA0]  }
0x289: {  	v45 =	vld [tilespmem:s25+$0x10690]  }
0x28a: {  	v43 =	vld [tilespmem:s25+$0x8660]  }
0x28b: {  	v37 =	vld [tilespmem:s25+$0x8620]  }
0x28c: {  	v0 =	vld [tilespmem:s25+$0x8690]  }
0x28d: {  	v3 =	vmul.f32 v3, v4;
	v4 =	vld [tilespmem:$0x1FFC0]  }
0x28e: {  	v22 =	vld [tilespmem:s25+$0x690]  }
0x28f: {  	v60 =	vld [tilespmem:s25+$0x10610]  }
0x290: {  	v61 =	vld [tilespmem:s25+$0x600]  }
0x291: {  	v28 =	vld [tilespmem:s25+$0x6B0]  }
0x292: {  	v18 =	vmul.f32 v4, v18;
	v4 =	vld [tilespmem:$0x1FFD0]  }
0x293: {  	v27 =	vld [tilespmem:s25+$0x8610];
	v0 =	vmul.f32 v0, v22;
	v12 =	vadd.f32 $0.0e+00, v12  }
0x294: {  	v24 =	vld [tilespmem:s25+$0x8600];
	v25, _, _ =	vpop (xrf2)  }
0x295: {  	v41, _, _ =	vpop (xrf2);
	v0 =	vadd.f32 v0, v12;
	v12 =	vld [tilespmem:s25+$0x8640];
	v2 =	vadd.f32 v7, v2;
	v7 =	vmul.f32 v45, v22  }
0x296: {  	v44, _, _ =	vpop (xrf2);
	v1 =	vadd.f32 v14, v1;
	v14 =	vld [tilespmem:s25+$0x610]  }
0x297: {  	v39, _, _ =	vpop (xrf2);
	v23 =	vld [tilespmem:s25+$0x10600];
	v22 =	vadd.f32 v7, v21;
	v0 =	vadd.f32 v16, v0;
	v21 =	vmul.f32 v4, v28  }
0x298: {  	v46, _, _ =	vpop (xrf2);
	v17 =	vadd.f32 v17, v2;
	v2 =	vld [tilespmem:$0x1FFE0]  }
0x299: {  	v45, _, _ =	vpop (xrf2);
	v21 =	vadd.f32 v21, v0;
	v0 =	vld [tilespmem:$0x1FFF0]  }
0x29a: {  	(xrf2) =	vadd.scan.msk.f32 $0xffff, v11;
	v11 =	vld [tilespmem:s25+$0x640];
	v50, _, _ =	vpop (xrf2)  }
0x29b: {  	v38, _, _ =	vpop (xrf2);
	v26 =	vmul.f32 v24, v61;
	v7 =	vld [tilespmem:s25+$0x630]  }
0x29c: {  	v29, _, _ =	vpop (xrf2);
	(xrf2) =	vadd.scan.msk.f32 $0xffff, v1;
	v16 =	vld [tilespmem:s25+$0x620]  }
0x29d: {  	v1, _, _ =	vpop (xrf2);
	v26 =	vadd.f32 $0.0e+00, v26;
	v27 =	vmul.f32 v27, v14;
	v24 =	vmul.f32 v23, v61;
	(xrf2) =	vadd.scan.msk.f32 $0xffff, v17;
	v17 =	vld [tilespmem:s25+$0x650]  }
0x29e: {  	s28 =	simm.s32 $0x18600;
	s29 =	simm.s32 $0x2000;
	s26 =	simm.s32 $0x18800;
	v2 =	vmul.f32 v2, v15;
	v22 =	vadd.f32 v18, v22;
	v18 =	vld [tilespmem:s25+$0x8650];
	v23 =	vmul.f32 v0, v28;
	v0, _, _ =	vpop (xrf2)  }
.LBB2_2:
0x29f: {  	v4 =	vld [tilespmem:$0x1FC40]  }
0x2a0: {  	v5 =	vld [tilespmem:$0x1FCE0];
	_ =	sdelay $0x4  }
0x2a1: {  	v53 =	vmul.f32 v4, v5;
	v4 =	vld [tilespmem:$0x1FCD0];
	_ =	sdelay $0x4  }
0x2a2: {  	v5 =	vmul.f32 v4, v7;
	v4 =	vld [tilespmem:$0x1FD10];
	_ =	sdelay $0x4  }
0x2a3: {  	v26 =	vadd.f32 v27, v26;
	v27 =	vmul.f32 v37, v16;
	v16 =	vmul.f32 v4, v16;
	v4 =	vld [tilespmem:$0x1FCB0];
	_ =	sdelay $0x2  }
0x2a4: {  	(xrf2) =	vadd.scan.msk.f32 $0xffff, v21;
	v21 =	vadd.f32 $0.0e+00, v24;
	v24 =	vld [tilespmem:s25+$0x660]  }
0x2a5: {  	v20 =	vld [tilespmem:s25+$0x670];
	v12 =	vmul.f32 v12, v11  }
0x2a6: {  	v7 =	vmul.f32 v4, v7;
	v4 =	vld [tilespmem:$0x1FCF0]  }
0x2a7: {  	v18 =	vmul.f32 v18, v17;
	v12 =	vadd.f32 $0.0e+00, v12;
	_ =	sdelay $0x1  }
0x2a8: {  	v12 =	vadd.f32 v18, v12;
	v18 =	vmul.f32 v43, v24;
	_ =	sdelay $0x1  }
0x2a9: {  	v12 =	vadd.f32 v18, v12;
	v18 =	vmul.f32 v4, v20;
	v4 =	vld [tilespmem:$0x1FCC0]  }
0x2aa: {  	v28 =	vld [tilespmem:s25+$0x10640];
	v22 =	vadd.f32 v23, v22;
	v26 =	vadd.f32 v27, v26  }
0x2ab: {  	v40 =	vld [tilespmem:s25+$0x10650];
	v14 =	vmul.f32 v60, v14  }
0x2ac: {  	v23, _, _ =	vpop (xrf2);
	(xrf2) =	vadd.scan.msk.f32 $0xffff, v22;
	v22 =	vadd.f32 v5, v26;
	v26 =	vld [tilespmem:s25+$0x10660]  }
0x2ad: {  	v14 =	vadd.f32 v14, v21;
	v5 =	vld [tilespmem:$0x1FD30]  }
0x2ae: {  	v15 =	vmul.f32 v4, v55;
	v4 =	vld [tilespmem:$0x1FC50]  }
0x2af: {  	v11 =	vmul.f32 v28, v11;
	v14 =	vadd.f32 v16, v14;
	_ =	sdelay $0x1  }
0x2b0: {  	v11 =	vadd.f32 $0.0e+00, v11;
	v7 =	vadd.f32 v7, v14;
	v14 =	vmul.f32 v40, v17  }
0x2b1: {  	v28 =	vld [tilespmem:s25+$0x10670]  }
0x2b2: {  	v11 =	vadd.f32 v14, v11;
	v14 =	vmul.f32 v26, v24;
	v26 =	vmul.f32 v4, v5;
	v4 =	vld [tilespmem:$0x1FCA0];
	_ =	sdelay $0x3  }
0x2b3: {  	v5 =	vld [tilespmem:$0x1FD20]  }
0x2b4: {  	v11 =	vadd.f32 v14, v11;
	v14 =	vmul.f32 v28, v20;
	v20 =	vmul.f32 v4, v32;
	v4 =	vld [tilespmem:$0x1FC60];
	_ =	sdelay $0x3  }
0x2b5: {  	v16 =	vld [tilespmem:s25+$0x10710]  }
0x2b6: {  	v21 =	vadd.f32 $0.0e+00, v53;
	v60 =	vmul.f32 v4, v5;
	v4 =	vld [tilespmem:$0x1FC90]  }
0x2b7: {  	v17 =	vld [tilespmem:s25+$0x10720]  }
0x2b8: {  	v35 =	vld [tilespmem:s25+$0x107D0]  }
0x2b9: {  	v27, _, _ =	vpop (xrf2);
	v3 =	vadd.f32 v3, v21;
	(xrf2) =	vadd.scan.msk.f32 $0xffff, v22;
	v24 =	vld [tilespmem:s25+$0x10730]  }
0x2ba: {  	v21, _, _ =	vpop (xrf2);
	v16 =	vmul.f32 v16, v57;
	(xrf2) =	vadd.scan.msk.f32 $0xffff, v7;
	v7 =	vadd.f32 v18, v12;
	v18 =	vld [tilespmem:s25+$0x107E0];
	v12 =	vadd.f32 $0.0e+00, v15  }
0x2bb: {  	v5 =	vmul.f32 v4, v13;
	v4 =	vld [tilespmem:$0x1FC80]  }
0x2bc: {  	v12 =	vadd.f32 v16, v12;
	v16 =	vmul.f32 v17, v56;
	v13 =	vld [tilespmem:$0x1FD00]  }
0x2bd: {  	v28 =	vld [tilespmem:s25+$0x10890]  }
0x2be: {  	v22, _, _ =	vpop (xrf2);
	(xrf2) =	vadd.scan.msk.f32 $0xffff, v7;
	v7 =	vadd.f32 v14, v11;
	v17 =	vld [tilespmem:s25+$0x107F0];
	v12 =	vadd.f32 v16, v12;
	v16 =	vmul.f32 v24, v58  }
0x2bf: {  	v14 =	vmul.f32 v35, v33;
	v11 =	vadd.f32 $0.0e+00, v20;
	v20 =	vld [tilespmem:s25+$0x108A0]  }
0x2c0: {  	v61, _, _ =	vpop (xrf2);
	(xrf2) =	vadd.scan.msk.f32 $0xffff, v7;
	v7 =	vadd.f32 v16, v12  }
0x2c1: {  	v11 =	vadd.f32 v14, v11;
	v14 =	vmul.f32 v18, v30;
	v16 =	vmul.f32 v4, v13;
	v4 =	vld [tilespmem:$0x1FC70]  }
0x2c2: {  	v12 =	vmul.f32 v28, v62;
	v5 =	vadd.f32 $0.0e+00, v5  }
0x2c3: {  	v17 =	vmul.f32 v17, v31;
	v11 =	vadd.f32 v14, v11  }
0x2c4: {  	v15, _, _ =	vpop (xrf2);
	(xrf2) =	vadd.scan.msk.f32 $0xffff, v7;
	v5 =	vadd.f32 v12, v5;
	v12 =	vmul.f32 v20, v6  }
0x2c5: {  	v7 =	vadd.f32 v17, v11;
	v11 =	vadd.f32 $0.0e+00, v16  }
0x2c6: {  	v5 =	vadd.f32 v12, v5;
	v13 =	vmul.f32 v4, v63  }
0x2c7: {  	v14, _, _ =	vpop (xrf2);
	(xrf2) =	vadd.scan.msk.f32 $0xffff, v7;
	v11 =	vadd.f32 v60, v11  }
0x2c8: {  	v5 =	vadd.f32 v13, v5;
	_ =	sdelay $0x1  }
0x2c9: {  	v0 =	vbroadcast v0, $0xF;
	v20 =	vbroadcast v22, $0xF;
	v4 =	vadd.f32 v26, v11;
	v13, _, _ =	vpop (xrf2);
	(xrf2) =	vadd.scan.msk.f32 $0xffff, v5  }
0x2ca: {  	v3 =	vadd.f32 v52, v3;
	v5 =	vbroadcast v15, $0xF;
	v13 =	vbroadcast v13, $0xF;
	v11, _, _ =	vpop (xrf2)  }
0x2cb: {  	v2 =	vadd.f32 v2, v4;
	v4 =	vbroadcast v14, $0xF;
	v11 =	vbroadcast v11, $0xF  }
0x2cc: {  	v22 =	vbroadcast v23, $0xF;
	v5 =	vsel vm0, v5, v13;
	v13 =	vbroadcast v61, $0xF  }
0x2cd: {  	v15 =	vbroadcast v27, $0xF;
	(xrf2) =	vadd.scan.msk.f32 $0xffff, v2;
	v14, _, _ =	vpop (xrf2);
	v2 =	vsel vm0, v4, v11;
	v4 =	vbroadcast v21, $0xF  }
0x2ce: {  	v5 =	vsel vm1, v5, v20;
	v2 =	vsel vm1, v2, v13;
	v13 =	vbroadcast v14, $0xF  }
0x2cf: {  	v3 =	vadd.f32 v34, v3;
	v5 =	vsel vm2, v5, v15;
	v2 =	vsel vm2, v2, v4  }
0x2d0: {  	v5 =	vsel vm3, v5, v22;
	v4 =	vbroadcast v29, $0xF;
	v11, _, _ =	vpop (xrf2);
	v2 =	vsel vm3, v2, v13  }
0x2d1: {  	v1 =	vbroadcast v1, $0xF;
	v0 =	vsel vm4, v2, v0;
	v2 =	vbroadcast v11, $0xF  }
0x2d2: {  	v19 =	vbroadcast v38, $0xF;
	(xrf2) =	vadd.scan.msk.f32 $0xffff, v3;
	v3 =	vbroadcast v45, $0xF;
	v0 =	vsel vm5, v0, v4  }
0x2d3: {  	v1 =	vsel vm4, v5, v1;
	v0 =	vsel vm6, v0, v2;
	v2 =	vbroadcast v39, $0xF;
	v5, _, _ =	vpop (xrf2)  }
0x2d4: {  	v18 =	vbroadcast v46, $0xF;
	v0 =	vsel vm7, v0, v3;
	v3 =	vbroadcast v5, $0xF  }
0x2d5: {  	v7 =	vbroadcast v50, $0xF;
	v0 =	vsel vm8, v0, v2;
	v2 =	vbroadcast v25, $0xF  }
0x2d6: {  	v1 =	vsel vm5, v1, v19;
	v0 =	vsel vm9, v0, v3;
	v3 =	vbroadcast v54, $0xF  }
0x2d7: {  	v16 =	vbroadcast v44, $0xF;
	v1 =	vsel vm6, v1, v7;
	v0 =	vsel vm10, v0, v2  }
0x2d8: {  	v17 =	vbroadcast v41, $0xF;
	v1 =	vsel vm7, v1, v18;
	v0 =	vsel vm11, v0, v3;
	v3 =	vld [tilespmem:$0x1FED0]  }
0x2d9: {  	v12 =	vbroadcast v42, $0xF;
	v1 =	vsel vm8, v1, v16  }
0x2da: {  	v9 =	vbroadcast v9, $0xF;
	v1 =	vsel vm9, v1, v17  }
0x2db: {  	v8 =	vbroadcast v8, $0xF;
	v5, _, _ =	vpop (xrf2);
	v1 =	vsel vm10, v1, v12  }
0x2dc: {  	v10 =	vbroadcast v10, $0xF;
	v4 =	vbroadcast v5, $0xF;
	v1 =	vsel vm11, v1, v9  }
0x2dd: {  	v1 =	vsel vm12, v1, v8;
	v3 =	vbroadcast v3, $0xF  }
0x2de: {  	v0 =	vsel vm12, v0, v4;
	v1 =	vsel vm13, v1, v10  }
0x2df: {  	s28 =	sadd.s32 $0x10, s28;
	v2, _, _ =	vpop (xrf2);
	v1 =	vsel vm14, v1, v59;
	v0 =	vsel vm13, v0, v3  }
0x2e0: {  	s26 =	sadd.s32 $0x10, s26;
	[tilespmem:s28+$0x0] =	vst v1;
	v0 =	vsel vm14, v0, v2  }
0x2e1: {  	s25 =	sshra.s32 s29, $0x2;
	[tilespmem:s26+$0x0] =	vst v0  }
0x2e2: {  	v0 =	vld [tilespmem:s25+$0x109F0];
	_ =	sdelay $0x4  }
0x2e3: {  	[tilespmem:$0x1F790] =	vst v0;
	v0 =	vld [tilespmem:s25+$0x109E0];
	_ =	sdelay $0x4  }
0x2e4: {  	[tilespmem:$0x1F7E0] =	vst v0;
	v0 =	vld [tilespmem:s25+$0x109D0];
	_ =	sdelay $0x4  }
0x2e5: {  	[tilespmem:$0x1F810] =	vst v0;
	v0 =	vld [tilespmem:s25+$0x10970];
	_ =	sdelay $0x4  }
0x2e6: {  	[tilespmem:$0x1F850] =	vst v0;
	v0 =	vld [tilespmem:s25+$0x109C0];
	_ =	sdelay $0x4  }
0x2e7: {  	[tilespmem:$0x1FC40] =	vst v0;
	v0 =	vld [tilespmem:s25+$0x10930];
	_ =	sdelay $0x4  }
0x2e8: {  	[tilespmem:$0x1F5F0] =	vst v0;
	v0 =	vld [tilespmem:s25+$0x10960];
	_ =	sdelay $0x4  }
0x2e9: {  	[tilespmem:$0x1FC50] =	vst v0;
	v0 =	vld [tilespmem:s25+$0x108F0];
	_ =	sdelay $0x4  }
0x2ea: {  	[tilespmem:$0x1F600] =	vst v0;
	v0 =	vld [tilespmem:s25+$0x10950];
	_ =	sdelay $0x4  }
0x2eb: {  	[tilespmem:$0x1FC60] =	vst v0;
	v0 =	vld [tilespmem:s25+$0x108B0];
	_ =	sdelay $0x4  }
0x2ec: {  	[tilespmem:$0x1FC70] =	vst v0;
	v0 =	vld [tilespmem:s25+$0x10940];
	_ =	sdelay $0x4  }
0x2ed: {  	[tilespmem:$0x1FC80] =	vst v0;
	v0 =	vld [tilespmem:s25+$0x88B0];
	_ =	sdelay $0x4  }
0x2ee: {  	[tilespmem:$0x1F610] =	vst v0;
	v0 =	vld [tilespmem:s25+$0x10870];
	_ =	sdelay $0x4  }
0x2ef: {  	[tilespmem:$0x1F640] =	vst v0;
	v0 =	vld [tilespmem:s25+$0x8870];
	_ =	sdelay $0x4  }
0x2f0: {  	[tilespmem:$0x1F620] =	vst v0;
	v0 =	vld [tilespmem:s25+$0x10830];
	_ =	sdelay $0x4  }
0x2f1: {  	[tilespmem:$0x1F680] =	vst v0;
	v0 =	vld [tilespmem:s25+$0x10860];
	_ =	sdelay $0x4  }
0x2f2: {  	[tilespmem:$0x1F630] =	vst v0;
	v0 =	vld [tilespmem:s25+$0x8830];
	_ =	sdelay $0x4  }
0x2f3: {  	[tilespmem:$0x1F660] =	vst v0;
	v0 =	vld [tilespmem:s25+$0x10820];
	_ =	sdelay $0x4  }
0x2f4: {  	[tilespmem:$0x1F670] =	vst v0;
	v0 =	vld [tilespmem:s25+$0x10880];
	_ =	sdelay $0x4  }
0x2f5: {  	[tilespmem:$0x1FC90] =	vst v0;
	v0 =	vld [tilespmem:s25+$0x87F0];
	_ =	sdelay $0x4  }
0x2f6: {  	[tilespmem:$0x1F6A0] =	vst v0;
	v0 =	vld [tilespmem:s25+$0x8820];
	_ =	sdelay $0x4  }
0x2f7: {  	[tilespmem:$0x1F650] =	vst v0;
	v0 =	vld [tilespmem:s25+$0x107B0];
	_ =	sdelay $0x4  }
0x2f8: {  	[tilespmem:$0x1F6F0] =	vst v0;
	v0 =	vld [tilespmem:s25+$0x87B0];
	_ =	sdelay $0x4  }
0x2f9: {  	[tilespmem:$0x1F6D0] =	vst v0;
	v0 =	vld [tilespmem:s25+$0x87E0];
	_ =	sdelay $0x4  }
0x2fa: {  	[tilespmem:$0x1F690] =	vst v0;
	v0 =	vld [tilespmem:s25+$0x10770];
	_ =	sdelay $0x4  }
0x2fb: {  	[tilespmem:$0x1F750] =	vst v0;
	v0 =	vld [tilespmem:s25+$0x107A0];
	_ =	sdelay $0x1  }
0x2fc: {  	v37 =	vld [tilespmem:s25+$0x89F0]  }
0x2fd: {  	v48 =	vld [tilespmem:s25+$0x89E0]  }
0x2fe: {  	v42 =	vld [tilespmem:s25+$0x109B0]  }
0x2ff: {  	[tilespmem:$0x1F6E0] =	vst v0;
	v0 =	vld [tilespmem:s25+$0x8770]  }
0x300: {  	v34 =	vld [tilespmem:s25+$0x89B0]  }
0x301: {  	v63 =	vld [tilespmem:s25+$0x89D0]  }
0x302: {  	v33 =	vld [tilespmem:s25+$0x109A0]  }
0x303: {  	v43 =	vld [tilespmem:s25+$0x8970]  }
0x304: {  	[tilespmem:$0x1F720] =	vst v0;
	v0 =	vld [tilespmem:s25+$0x87A0]  }
0x305: {  	v61 =	vld [tilespmem:s25+$0x89A0]  }
0x306: {  	v12 =	vld [tilespmem:s25+$0x89C0]  }
0x307: {  	v24 =	vld [tilespmem:s25+$0x10990]  }
0x308: {  	v14 =	vld [tilespmem:s25+$0x9F0]  }
0x309: {  	[tilespmem:$0x1F6B0] =	vst v0;
	v0 =	vld [tilespmem:s25+$0x10760]  }
0x30a: {  	v45 =	vld [tilespmem:s25+$0x8930]  }
0x30b: {  	v30 =	vld [tilespmem:s25+$0x8960]  }
0x30c: {  	v13 =	vld [tilespmem:s25+$0x8990]  }
0x30d: {  	v41 =	vld [tilespmem:s25+$0x10920]  }
0x30e: {  	[tilespmem:$0x1F730] =	vst v0;
	v0 =	vld [tilespmem:s25+$0x10790]  }
0x30f: {  	v10 =	vld [tilespmem:s25+$0x10980]  }
0x310: {  	v57 =	vld [tilespmem:s25+$0x88F0]  }
0x311: {  	v31 =	vld [tilespmem:s25+$0x8920]  }
0x312: {  	v23 =	vld [tilespmem:s25+$0x8950]  }
0x313: {  	[tilespmem:$0x1F6C0] =	vst v0;
	v0 =	vld [tilespmem:s25+$0x107C0]  }
0x314: {  	v7 =	vld [tilespmem:s25+$0x8980]  }
0x315: {  	v55 =	vld [tilespmem:s25+$0x108E0]  }
0x316: {  	v28 =	vld [tilespmem:s25+$0x10910]  }
0x317: {  	v8 =	vld [tilespmem:s25+$0x9E0]  }
0x318: {  	[tilespmem:$0x1FCA0] =	vst v0;
	v0 =	vld [tilespmem:s25+$0x8730]  }
0x319: {  	v38 =	vld [tilespmem:s25+$0x88E0]  }
0x31a: {  	v62 =	vld [tilespmem:s25+$0x8910]  }
0x31b: {  	v17 =	vld [tilespmem:s25+$0x8940]  }
0x31c: {  	v35 =	vld [tilespmem:s25+$0x108D0]  }
0x31d: {  	[tilespmem:$0x1F770] =	vst v0;
	v0 =	vld [tilespmem:s25+$0x8760]  }
0x31e: {  	v20 =	vld [tilespmem:s25+$0x10900]  }
0x31f: {  	v50 =	vld [tilespmem:s25+$0x88A0]  }
0x320: {  	v26 =	vld [tilespmem:s25+$0x88D0]  }
0x321: {  	v18 =	vld [tilespmem:s25+$0x8900]  }
0x322: {  	[tilespmem:$0x1F700] =	vst v0;
	v0 =	vld [tilespmem:s25+$0x106F0]  }
0x323: {  	v25 =	vld [tilespmem:s25+$0x108C0]  }
0x324: {  	v11 =	vld [tilespmem:s25+$0x9B0]  }
0x325: {  	v6 =	vld [tilespmem:s25+$0x9D0]  }
0x326: {  	v46 =	vld [tilespmem:s25+$0x8860]  }
0x327: {  	[tilespmem:$0x1F800] =	vst v0;
	v0 =	vld [tilespmem:s25+$0x10750]  }
0x328: {  	v54 =	vld [tilespmem:s25+$0x8890]  }
0x329: {  	v19 =	vld [tilespmem:s25+$0x88C0]  }
0x32a: {  	v44 =	vld [tilespmem:s25+$0x10850]  }
0x32b: {  	v3 =	vld [tilespmem:s25+$0x9C0]  }
0x32c: {  	[tilespmem:$0x1F710] =	vst v0;
	v0 =	vld [tilespmem:s25+$0x86F0]  }
0x32d: {  	v32 =	vld [tilespmem:s25+$0x8850]  }
0x32e: {  	v22 =	vld [tilespmem:s25+$0x8880]  }
0x32f: {  	v60 =	vld [tilespmem:s25+$0x10810]  }
0x330: {  	[tilespmem:$0x1FCE0] =	vst v3;
	v12 =	vmul.f32 v12, v3;
	v3 =	vld [tilespmem:s25+$0x10630]  }
0x331: {  	[tilespmem:$0x1F7C0] =	vst v0;
	v0 =	vld [tilespmem:s25+$0x8720]  }
0x332: {  	v59 =	vld [tilespmem:s25+$0x10840]  }
0x333: {  	v40 =	vld [tilespmem:s25+$0x970]  }
0x334: {  	v9 =	vld [tilespmem:s25+$0x9A0]  }
0x335: {  	[tilespmem:$0x1FCB0] =	vst v3;
	v3 =	vld [tilespmem:s25+$0x106A0]  }
0x336: {  	[tilespmem:$0x1F760] =	vst v0;
	v0 =	vld [tilespmem:s25+$0x106B0]  }
0x337: {  	v39 =	vld [tilespmem:s25+$0x8810]  }
0x338: {  	v21 =	vld [tilespmem:s25+$0x8840]  }
0x339: {  	v51 =	vld [tilespmem:s25+$0x10800]  }
0x33a: {  	[tilespmem:$0x1F840] =	vst v3;
	v3 =	vld [tilespmem:s25+$0x106D0]  }
0x33b: {  	[tilespmem:$0x1F860] =	vst v0;
	v0 =	vld [tilespmem:s25+$0x106E0]  }
0x33c: {  	v52 =	vld [tilespmem:s25+$0x87D0]  }
0x33d: {  	v27 =	vld [tilespmem:s25+$0x8800]  }
0x33e: {  	v15 =	vld [tilespmem:s25+$0x930]  }
0x33f: {  	[tilespmem:$0x1F7B0] =	vst v3;
	v3 =	vld [tilespmem:s25+$0x940]  }
0x340: {  	[tilespmem:$0x1F7D0] =	vst v0;
	v0 =	vld [tilespmem:s25+$0x980]  }
0x341: {  	v1 =	vld [tilespmem:s25+$0x990]  }
0x342: {  	v5 =	vld [tilespmem:s25+$0x960]  }
0x343: {  	v47 =	vld [tilespmem:s25+$0x8790]  }
0x344: {  	v2 =	vld [tilespmem:s25+$0x950];
	v63 =	vmul.f32 v63, v6;
	v48 =	vmul.f32 v48, v8;
	v12 =	vadd.f32 $0.0e+00, v12  }
0x345: {  	v29 =	vld [tilespmem:s25+$0x87C0];
	[tilespmem:$0x1F7F0] =	vst v8;
	v8 =	vmul.f32 v17, v3;
	v7 =	vmul.f32 v7, v0  }
0x346: {  	v49 =	vld [tilespmem:s25+$0x10780];
	v13 =	vmul.f32 v13, v1;
	v12 =	vadd.f32 v63, v12;
	v0 =	vmul.f32 v10, v0  }
0x347: {  	v4 =	vld [tilespmem:s25+$0x920];
	v1 =	vmul.f32 v24, v1;
	[tilespmem:$0x1FD00] =	vst v3;
	v3 =	vadd.f32 $0.0e+00, v8;
	v7 =	vadd.f32 $0.0e+00, v7  }
0x348: {  	v10 =	vadd.f32 v48, v12;
	v12 =	vmul.f32 v37, v14;
	v37 =	vld [tilespmem:s25+$0x900];
	v0 =	vadd.f32 $0.0e+00, v0  }
0x349: {  	v63 =	vld [tilespmem:s25+$0x10700];
	v8 =	vmul.f32 v23, v2;
	v7 =	vadd.f32 v13, v7;
	v13 =	vmul.f32 v61, v9  }
0x34a: {  	v10 =	vadd.f32 v12, v10;
	v12 =	vld [tilespmem:s25+$0x910];
	v0 =	vadd.f32 v1, v0;
	v1 =	vmul.f32 v33, v9  }
0x34b: {  	[tilespmem:$0x1FD20] =	vst v2;
	v2 =	vld [tilespmem:s25+$0x10620];
	v3 =	vadd.f32 v8, v3;
	v7 =	vadd.f32 v13, v7;
	v13 =	vmul.f32 v34, v11  }
0x34c: {  	v16 =	vld [tilespmem:s25+$0x8F0];
	v8 =	vmul.f32 v30, v5;
	v0 =	vadd.f32 v1, v0;
	v1 =	vmul.f32 v42, v11  }
0x34d: {  	[tilespmem:$0x1F820] =	vst v6;
	v6 =	vld [tilespmem:s25+$0x8C0];
	(xrf2) =	vadd.scan.msk.f32 $0xffff, v10;
	v9 =	vmul.f32 v18, v37;
	v7 =	vadd.f32 v13, v7  }
0x34e: {  	[tilespmem:$0x1FCC0] =	vst v63;
	v63 =	vld [tilespmem:s25+$0x8630];
	v3 =	vadd.f32 v8, v3;
	v0 =	vadd.f32 v1, v0  }
0x34f: {  	v8 =	vmul.f32 v43, v40;
	v10 =	vld [tilespmem:s25+$0x8D0];
	(xrf2) =	vadd.scan.msk.f32 $0xffff, v7;
	v7 =	vadd.f32 $0.0e+00, v9;
	v9 =	vmul.f32 v62, v12  }
0x350: {  	v36 =	vld [tilespmem:s25+$0x86B0];
	[tilespmem:$0x1FD10] =	vst v2;
	v2 =	vmul.f32 v41, v4;
	v13 =	vmul.f32 v20, v37;
	(xrf2) =	vadd.scan.msk.f32 $0xffff, v0  }
0x351: {  	v3 =	vadd.f32 v8, v3;
	v7 =	vadd.f32 v9, v7;
	v9 =	vmul.f32 v31, v4;
	v4 =	vld [tilespmem:$0x1F5F0]  }
0x352: {  	[tilespmem:$0x1F7A0] =	vst v14;
	v8 =	vmul.f32 v19, v6;
	v14 =	vld [tilespmem:s25+$0x8E0];
	v17 =	vadd.f32 $0.0e+00, v13;
	v12 =	vmul.f32 v28, v12  }
0x353: {  	[tilespmem:$0x1FCD0] =	vst v63;
	v13 =	vld [tilespmem:s25+$0x880];
	v7 =	vadd.f32 v9, v7;
	v9 =	vmul.f32 v45, v15  }
0x354: {  	v63 =	vld [tilespmem:s25+$0x8670];
	v11 =	vadd.f32 v12, v17;
	(xrf2) =	vadd.scan.msk.f32 $0xffff, v3;
	v3 =	vadd.f32 $0.0e+00, v8;
	v8 =	vmul.f32 v26, v10  }
0x355: {  	v62 =	vld [tilespmem:s25+$0x890];
	v7 =	vadd.f32 v9, v7;
	v9 =	vmul.f32 v25, v6  }
0x356: {  	[tilespmem:$0x1FD30] =	vst v5;
	v2 =	vadd.f32 v2, v11;
	v11 =	vld [tilespmem:s25+$0x840];
	v3 =	vadd.f32 v8, v3;
	v5 =	vmul.f32 v4, v15  }
0x357: {  	v18, _, _ =	vpop (xrf2);
	v8 =	vmul.f32 v38, v14;
	v6 =	vld [tilespmem:s25+$0x8A0];
	(xrf2) =	vadd.scan.msk.f32 $0xffff, v7;
	v7 =	vadd.f32 $0.0e+00, v9;
	v9 =	vmul.f32 v35, v10  }
0x358: {  	v12 =	vmul.f32 v22, v13;
	v2 =	vadd.f32 v5, v2;
	v5 =	vld [tilespmem:s25+$0x850]  }
0x359: {  	v58 =	vld [tilespmem:s25+$0x8750];
	v3 =	vadd.f32 v8, v3;
	v8 =	vmul.f32 v57, v16;
	v10, _, _ =	vpop (xrf2);
	v7 =	vadd.f32 v9, v7  }
0x35a: {  	v9 =	vmul.f32 v55, v14;
	v14 =	vld [tilespmem:s25+$0x860];
	(xrf2) =	vadd.scan.msk.f32 $0xffff, v2;
	v2 =	vadd.f32 $0.0e+00, v12;
	v12 =	vmul.f32 v54, v62;
	v4, _, _ =	vpop (xrf2)  }
0x35b: {  	v3 =	vadd.f32 v8, v3;
	v17 =	vmul.f32 v21, v11;
	[tilespmem:$0x1FED0] =	vst v4;
	v4 =	vld [tilespmem:$0x1F600]  }
0x35c: {  	[tilespmem:$0x1F830] =	vst v36;
	v36 =	vld [tilespmem:s25+$0x86E0];
	v7 =	vadd.f32 v9, v7;
	v9 =	vmul.f32 v50, v6;
	v2 =	vadd.f32 v12, v2  }
0x35d: {  	[tilespmem:$0x1FCF0] =	vst v63;
	v63 =	vld [tilespmem:s25+$0x8B0];
	(xrf2) =	vadd.scan.msk.f32 $0xffff, v3;
	v3 =	vadd.f32 $0.0e+00, v17;
	v12 =	vmul.f32 v32, v5  }
0x35e: {  	v19 =	vadd.f32 v9, v2;
	v2 =	vld [tilespmem:$0x1F610]  }
0x35f: {  	v15 =	vld [tilespmem:s25+$0x870];
	v3 =	vadd.f32 v12, v3;
	v12 =	vmul.f32 v46, v14  }
0x360: {  	v4 =	vmul.f32 v4, v16;
	v16 =	vld [tilespmem:s25+$0x800]  }
0x361: {  	v3 =	vadd.f32 v12, v3;
	v12 =	vld [tilespmem:$0x1F620]  }
0x362: {  	v11 =	vmul.f32 v59, v11;
	v4 =	vadd.f32 v4, v7;
	v7 =	vld [tilespmem:s25+$0x810]  }
0x363: {  	v53 =	vld [tilespmem:s25+$0x8780];
	v17 =	vmul.f32 v2, v63  }
0x364: {  	v56 =	vld [tilespmem:s25+$0x10740];
	v11 =	vadd.f32 $0.0e+00, v11;
	v5 =	vmul.f32 v44, v5  }
0x365: {  	[tilespmem:$0x1F780] =	vst v36;
	v36 =	vld [tilespmem:s25+$0x8710];
	v59 =	vmov v18;
	v17 =	vadd.f32 v17, v19;
	v18 =	vmul.f32 v27, v16  }
0x366: {  	v8, _, _ =	vpop (xrf2);
	v5 =	vadd.f32 v5, v11;
	v11 =	vld [tilespmem:$0x1F630];
	(xrf2) =	vadd.scan.msk.f32 $0xffff, v4  }
0x367: {  	v24 =	vld [tilespmem:s25+$0x86A0];
	v9, _, _ =	vpop (xrf2);
	v12 =	vmul.f32 v12, v15;
	(xrf2) =	vadd.scan.msk.f32 $0xffff, v17;
	v17 =	vadd.f32 $0.0e+00, v18;
	v18 =	vmul.f32 v39, v7  }
0x368: {  	v4 =	vld [tilespmem:s25+$0x820]  }
0x369: {  	v3 =	vadd.f32 v12, v3;
	v12 =	vmul.f32 v51, v16;
	v16 =	vadd.f32 v18, v17;
	v17 =	vld [tilespmem:$0x1F650]  }
0x36a: {  	[tilespmem:$0x1F740] =	vst v36;
	v36 =	vld [tilespmem:s25+$0x8740]  }
0x36b: {  	v23 =	vld [tilespmem:$0x1F7A0];
	v11 =	vmul.f32 v11, v14  }
0x36c: {  	v30 =	vld [tilespmem:s25+$0x7E0]  }
0x36d: {  	v5 =	vadd.f32 v11, v5;
	v11 =	vld [tilespmem:$0x1F640]  }
0x36e: {  	v33 =	vld [tilespmem:s25+$0x7D0];
	v17 =	vmul.f32 v17, v4  }
0x36f: {  	v19 =	vld [tilespmem:s25+$0x830]  }
0x370: {  	v16 =	vadd.f32 v17, v16;
	v17 =	vld [tilespmem:$0x1F660]  }
0x371: {  	v32 =	vld [tilespmem:s25+$0x7C0];
	v54, _, _ =	vpop (xrf2);
	v7 =	vmul.f32 v60, v7;
	(xrf2) =	vadd.scan.msk.f32 $0xffff, v3;
	v3 =	vadd.f32 $0.0e+00, v12  }
0x372: {  	v11 =	vmul.f32 v11, v15;
	v15 =	vld [tilespmem:s25+$0x780]  }
0x373: {  	v3 =	vadd.f32 v7, v3;
	v7 =	vld [tilespmem:$0x1F670]  }
0x374: {  	v5 =	vadd.f32 v11, v5;
	v11 =	vld [tilespmem:s25+$0x790]  }
0x375: {  	v43 =	vld [tilespmem:s25+$0x8660];
	v17 =	vmul.f32 v17, v19  }
0x376: {  	v48 =	vld [tilespmem:s25+$0x86D0];
	v12 =	vmul.f32 v29, v32  }
0x377: {  	v61 =	vld [tilespmem:s25+$0x8700];
	v16 =	vadd.f32 v17, v16;
	v17 =	vmul.f32 v53, v15  }
0x378: {  	v1 =	vld [tilespmem:s25+$0x10690];
	v42, _, _ =	vpop (xrf2);
	(xrf2) =	vadd.scan.msk.f32 $0xffff, v5;
	v4 =	vmul.f32 v7, v4;
	v7 =	vadd.f32 $0.0e+00, v12;
	v12 =	vmul.f32 v52, v33  }
0x379: {  	v25, _, _ =	vpop (xrf2);
	v5 =	vld [tilespmem:s25+$0x7A0];
	(xrf2) =	vadd.scan.msk.f32 $0xffff, v16;
	v16 =	vadd.f32 $0.0e+00, v17;
	v17 =	vmul.f32 v47, v11  }
0x37a: {  	v7 =	vadd.f32 v12, v7;
	v12 =	vld [tilespmem:$0x1F690]  }
0x37b: {  	v16 =	vadd.f32 v17, v16;
	v17 =	vld [tilespmem:$0x1F6B0]  }
0x37c: {  	v37 =	vld [tilespmem:s25+$0x8620]  }
0x37d: {  	v31 =	vld [tilespmem:s25+$0x7F0]  }
0x37e: {  	v21 =	vld [tilespmem:$0x1F6C0]  }
0x37f: {  	v3 =	vadd.f32 v4, v3;
	v4 =	vld [tilespmem:$0x1F680];
	v12 =	vmul.f32 v12, v30  }
0x380: {  	v18 =	vld [tilespmem:s25+$0x7B0];
	v17 =	vmul.f32 v17, v5  }
0x381: {  	v15 =	vmul.f32 v49, v15;
	v7 =	vadd.f32 v12, v7;
	v12 =	vld [tilespmem:$0x1F6A0]  }
0x382: {  	v16 =	vadd.f32 v17, v16;
	v17 =	vld [tilespmem:$0x1F6D0]  }
0x383: {  	v20 =	vld [tilespmem:s25+$0x10680];
	v15 =	vadd.f32 $0.0e+00, v15;
	v11 =	vmul.f32 v21, v11  }
0x384: {  	v4 =	vmul.f32 v4, v19;
	v19 =	vld [tilespmem:s25+$0x740]  }
0x385: {  	v11 =	vadd.f32 v11, v15;
	v15 =	vld [tilespmem:$0x1F6E0]  }
0x386: {  	v3 =	vadd.f32 v4, v3;
	v4 =	vld [tilespmem:s25+$0x750];
	v12 =	vmul.f32 v12, v31  }
0x387: {  	v0 =	vld [tilespmem:s25+$0x106C0];
	v17 =	vmul.f32 v17, v18  }
0x388: {  	v22 =	vld [tilespmem:$0x1F790];
	v7 =	vadd.f32 v12, v7  }
0x389: {  	v57 =	vld [tilespmem:s25+$0x710];
	v41, _, _ =	vpop (xrf2);
	(xrf2) =	vadd.scan.msk.f32 $0xffff, v3;
	v12 =	vmul.f32 v36, v19;
	v16 =	vadd.f32 v17, v16;
	v17 =	vmul.f32 v56, v19  }
0x38a: {  	v55 =	vld [tilespmem:s25+$0x700];
	v44, _, _ =	vpop (xrf2);
	v5 =	vmul.f32 v15, v5;
	(xrf2) =	vadd.scan.msk.f32 $0xffff, v7  }
0x38b: {  	v39, _, _ =	vpop (xrf2);
	v15 =	vmul.f32 v58, v4;
	v12 =	vadd.f32 $0.0e+00, v12;
	(xrf2) =	vadd.scan.msk.f32 $0xffff, v16;
	v16 =	vadd.f32 $0.0e+00, v17;
	v17 =	vld [tilespmem:$0x1F710]  }
0x38c: {  	v3 =	vld [tilespmem:s25+$0x760]  }
0x38d: {  	v12 =	vadd.f32 v15, v12;
	v15 =	vld [tilespmem:$0x1F700]  }
0x38e: {  	v34 =	vmul.f32 v22, v23;
	v22 =	vld [tilespmem:s25+$0x6A0]  }
0x38f: {  	v23 =	vld [tilespmem:s25+$0x6B0]  }
0x390: {  	v2 =	vld [tilespmem:s25+$0x8690];
	v4 =	vmul.f32 v17, v4  }
0x391: {  	v5 =	vadd.f32 v5, v11;
	v11 =	vld [tilespmem:$0x1F6F0]  }
0x392: {  	v15 =	vmul.f32 v15, v3;
	v4 =	vadd.f32 v4, v16;
	v16 =	vld [tilespmem:$0x1F730]  }
0x393: {  	v21 =	vld [tilespmem:s25+$0x770]  }
0x394: {  	v12 =	vadd.f32 v15, v12;
	v15 =	vld [tilespmem:$0x1F720]  }
0x395: {  	v14 =	vld [tilespmem:s25+$0x86C0];
	v17 =	vmul.f32 v61, v55  }
0x396: {  	v11 =	vmul.f32 v11, v18;
	v18 =	vld [tilespmem:s25+$0x6C0]  }
0x397: {  	v3 =	vmul.f32 v16, v3;
	v16 =	vadd.f32 $0.0e+00, v17;
	v17 =	vld [tilespmem:$0x1F740]  }
0x398: {  	v5 =	vadd.f32 v11, v5;
	v11 =	vld [tilespmem:s25+$0x6D0]  }
0x399: {  	v15 =	vmul.f32 v15, v21;
	v3 =	vadd.f32 v3, v4;
	v4 =	vld [tilespmem:$0x1F750]  }
0x39a: {  	v60 =	vld [tilespmem:s25+$0x10610]  }
0x39b: {  	v7 =	vld [tilespmem:s25+$0x8680];
	v14 =	vmul.f32 v14, v18;
	v12 =	vadd.f32 v15, v12  }
0x39c: {  	v46, _, _ =	vpop (xrf2);
	v56 =	vld [tilespmem:s25+$0x720];
	(xrf2) =	vadd.scan.msk.f32 $0xffff, v5;
	v17 =	vmul.f32 v17, v57  }
0x39d: {  	v45, _, _ =	vpop (xrf2);
	v19 =	vld [tilespmem:s25+$0x680];
	(xrf2) =	vadd.scan.msk.f32 $0xffff, v12;
	v12 =	vadd.f32 $0.0e+00, v14  }
0x39e: {  	v14 =	vmul.f32 v48, v11;
	v4 =	vmul.f32 v4, v21;
	v16 =	vadd.f32 v17, v16;
	v17 =	vld [tilespmem:$0x1F760]  }
0x39f: {  	v5 =	vld [tilespmem:s25+$0x6E0]  }
0x3a0: {  	v12 =	vadd.f32 v14, v12;
	v14 =	vld [tilespmem:$0x1F780];
	v3 =	vadd.f32 v4, v3  }
0x3a1: {  	v4 =	vld [tilespmem:s25+$0x690]  }
0x3a2: {  	v50, _, _ =	vpop (xrf2);
	(xrf2) =	vadd.scan.msk.f32 $0xffff, v3;
	v3 =	vld [tilespmem:$0x1F7B0]  }
0x3a3: {  	v58 =	vld [tilespmem:s25+$0x730];
	v17 =	vmul.f32 v17, v56  }
0x3a4: {  	v0 =	vmul.f32 v0, v18;
	v18 =	vld [tilespmem:s25+$0x8600];
	v7 =	vmul.f32 v7, v19  }
0x3a5: {  	v16 =	vadd.f32 v17, v16;
	v17 =	vld [tilespmem:$0x1F770]  }
0x3a6: {  	v7 =	vadd.f32 $0.0e+00, v7;
	v15 =	vld [tilespmem:s25+$0x6F0];
	v14 =	vmul.f32 v14, v5;
	v2 =	vmul.f32 v2, v4  }
0x3a7: {  	v0 =	vadd.f32 $0.0e+00, v0;
	v19 =	vmul.f32 v20, v19;
	v21 =	vld [tilespmem:s25+$0x8610];
	v3 =	vmul.f32 v3, v11  }
0x3a8: {  	v20 =	vmul.f32 v24, v22;
	v12 =	vadd.f32 v14, v12;
	v14 =	vld [tilespmem:$0x1F7C0];
	v2 =	vadd.f32 v2, v7  }
0x3a9: {  	v0 =	vadd.f32 v3, v0;
	v3 =	vld [tilespmem:$0x1F7D0]  }
0x3aa: {  	v20 =	vadd.f32 v20, v2;
	v2 =	vld [tilespmem:$0x1F830];
	v17 =	vmul.f32 v17, v58  }
0x3ab: {  	v7 =	vld [tilespmem:$0x1F820]  }
0x3ac: {  	v11 =	vadd.f32 v17, v16;
	v17 =	vld [tilespmem:s25+$0x600]  }
0x3ad: {  	v16 =	vld [tilespmem:$0x1F7F0]  }
0x3ae: {  	v3 =	vmul.f32 v3, v5;
	v5 =	vld [tilespmem:$0x1F7E0]  }
0x3af: {  	v14 =	vmul.f32 v14, v15;
	v24 =	vmul.f32 v2, v23;
	v2 =	vld [tilespmem:$0x1F840]  }
0x3b0: {  	v0 =	vadd.f32 v3, v0;
	v3 =	vld [tilespmem:$0x1F800]  }
0x3b1: {  	v38, _, _ =	vpop (xrf2);
	(xrf2) =	vadd.scan.msk.f32 $0xffff, v11;
	v11 =	vadd.f32 v14, v12;
	v14 =	vld [tilespmem:s25+$0x610]  }
0x3b2: {  	v19 =	vadd.f32 $0.0e+00, v19;
	v4 =	vmul.f32 v1, v4;
	v12 =	vld [tilespmem:s25+$0x8640]  }
0x3b3: {  	v52 =	vmul.f32 v5, v16;
	v5 =	vld [tilespmem:s25+$0x10600]  }
0x3b4: {  	v4 =	vadd.f32 v4, v19;
	v19 =	vmul.f32 v2, v22;
	v2 =	vld [tilespmem:$0x1F850]  }
0x3b5: {  	v15 =	vmul.f32 v3, v15;
	v3 =	vld [tilespmem:$0x1F810]  }
0x3b6: {  	p0 =	sne.s32 s29, $0x1F000;
	v22 =	vadd.f32 v19, v4;
	v4 =	vld [tilespmem:$0x1F860]  }
.Ltmp0:
0x3b7: {  	v29, _, _ =	vpop (xrf2);
	(xrf2) =	vadd.scan.msk.f32 $0xffff, v11;
	v11 =	vld [tilespmem:s25+$0x640];
	(pc) =	sbr.rel @p0 .LBB2_2-.Ltmp0, $4  }
0x3b8: {  	v16 =	vld [tilespmem:s25+$0x620]  }
0x3b9: {  	v27 =	vmul.f32 v21, v14;
	v28 =	vadd.f32 v15, v0;
	v15 =	vmul.f32 v18, v17;
	v18 =	vld [tilespmem:s25+$0x8650]  }
0x3ba: {  	v1, _, _ =	vpop (xrf2);
	v21 =	vadd.f32 v24, v20;
	v2 =	vmul.f32 v2, v40;
	v24 =	vmul.f32 v5, v17;
	v17 =	vld [tilespmem:s25+$0x650]  }
0x3bb: {  	s29 =	sadd.s32 $0x1000, s29;
	v0, _, _ =	vpop (xrf2);
	(xrf2) =	vadd.scan.msk.f32 $0xffff, v28;
	v26 =	vadd.f32 $0.0e+00, v15;
	v3 =	vmul.f32 v3, v7;
	v7 =	vld [tilespmem:s25+$0x630];
	v23 =	vmul.f32 v4, v23  }
0x3bc: {  	v4 =	vld [tilespmem:s25+$0x10640]  }
0x3bd: {  	v15 =	vld [tilespmem:s25+$0x660]  }
0x3be: {  	v61 =	vld [tilespmem:s25+$0x10650]  }
0x3bf: {  	v28 =	vld [tilespmem:s25+$0x10660]  }
0x3c0: {  	v35 =	vld [tilespmem:$0x1FCD0]  }
0x3c1: {  	v36 =	vld [tilespmem:s25+$0x10710]  }
0x3c2: {  	v47 =	vld [tilespmem:s25+$0x10670]  }
0x3c3: {  	v51 =	vld [tilespmem:s25+$0x10720]  }
0x3c4: {  	v53 =	vld [tilespmem:$0x1FCC0]  }
0x3c5: {  	v5 =	vmul.f32 v60, v14;
	v60 =	vadd.f32 $0.0e+00, v24;
	v24 =	vld [tilespmem:s25+$0x107E0]  }
0x3c6: {  	v19 =	vadd.f32 v27, v26;
	v26 =	vld [tilespmem:$0x1FD10]  }
0x3c7: {  	v27 =	vld [tilespmem:s25+$0x670]  }
0x3c8: {  	v20 =	vmul.f32 v37, v16;
	v37 =	vld [tilespmem:$0x1FCB0]  }
0x3c9: {  	v12 =	vmul.f32 v12, v11;
	v5 =	vadd.f32 v5, v60;
	v60 =	vld [tilespmem:$0x1FCF0]  }
0x3ca: {  	v22 =	vadd.f32 v23, v22;
	v23 =	vld [tilespmem:$0x1FCA0];
	v18 =	vmul.f32 v18, v17;
	v4 =	vmul.f32 v4, v11  }
0x3cb: {  	v12 =	vadd.f32 $0.0e+00, v12;
	v48 =	vmul.f32 v61, v17;
	v49 =	vmul.f32 v43, v15;
	v61 =	vld [tilespmem:s25+$0x10730]  }
0x3cc: {  	v19 =	vadd.f32 v20, v19;
	v11 =	vmul.f32 v36, v57;
	v36 =	vld [tilespmem:$0x1FC40];
	v14 =	vmul.f32 v26, v16  }
0x3cd: {  	(xrf2) =	vadd.scan.msk.f32 $0xffff, v21;
	v12 =	vadd.f32 v18, v12;
	v40 =	vmul.f32 v37, v7;
	v21 =	vmul.f32 v47, v27;
	v37 =	vld [tilespmem:$0x1FCE0]  }
0x3ce: {  	v18 =	vmul.f32 v60, v27;
	v27 =	vld [tilespmem:s25+$0x10890];
	v5 =	vadd.f32 v14, v5;
	v14 =	vmul.f32 v35, v7  }
0x3cf: {  	v4 =	vadd.f32 $0.0e+00, v4;
	v12 =	vadd.f32 v49, v12;
	v49 =	vld [tilespmem:$0x1FD00]  }
0x3d0: {  	v1 =	vbroadcast v1, $0xF;
	v35 =	vld [tilespmem:s25+$0x108A0];
	v14 =	vadd.f32 v14, v19;
	v19 =	vmul.f32 v53, v55  }
0x3d1: {  	v0 =	vbroadcast v0, $0xF;
	v15 =	vmul.f32 v28, v15;
	v4 =	vadd.f32 v48, v4;
	v55 =	vld [tilespmem:s25+$0x107D0]  }
0x3d2: {  	(xrf2) =	vadd.scan.msk.f32 $0xffff, v22;
	v43 =	vmul.f32 v24, v30;
	v5 =	vadd.f32 v40, v5;
	v40 =	vld [tilespmem:$0x1FC90];
	v22 =	vadd.f32 $0.0e+00, v19  }
0x3d3: {  	v7 =	vmul.f32 v51, v56;
	v48 =	vld [tilespmem:$0x1FC80];
	v4 =	vadd.f32 v15, v4;
	(xrf2) =	vadd.scan.msk.f32 $0xffff, v14;
	v14 =	vmul.f32 v23, v32  }
0x3d4: {  	v12 =	vadd.f32 v18, v12;
	v53 =	vld [tilespmem:$0x1FC60];
	v16 =	vmul.f32 v36, v37;
	v26 =	vadd.f32 v11, v22  }
0x3d5: {  	v37 =	vbroadcast v38, $0xF;
	v32 =	vld [tilespmem:s25+$0x107F0];
	v4 =	vadd.f32 v21, v4;
	v14 =	vadd.f32 $0.0e+00, v14  }
0x3d6: {  	(xrf2) =	vadd.scan.msk.f32 $0xffff, v5;
	v21 =	vld [tilespmem:$0x1FC70];
	v28 =	vmul.f32 v55, v33;
	v33 =	vmul.f32 v61, v58;
	v5 =	vadd.f32 v7, v26  }
0x3d7: {  	v38 =	vbroadcast v50, $0xF;
	(xrf2) =	vadd.scan.msk.f32 $0xffff, v12;
	v13 =	vmul.f32 v40, v13;
	v55 =	vld [tilespmem:$0x1FD20]  }
0x3d8: {  	v11 =	vmul.f32 v27, v62;
	v62 =	vld [tilespmem:$0x1FD30];
	(xrf2) =	vadd.scan.msk.f32 $0xffff, v4;
	v12 =	vadd.f32 v28, v14;
	v5 =	vadd.f32 v33, v5  }
0x3d9: {  	v50 =	vbroadcast v41, $0xF;
	v16 =	vadd.f32 $0.0e+00, v16;
	v61 =	vld [tilespmem:$0x1FC50];
	v13 =	vadd.f32 $0.0e+00, v13  }
0x3da: {  	v47, _, _ =	vpop (xrf2);
	v17 =	vmul.f32 v48, v49;
	v56 =	vmul.f32 v32, v31;
	v12 =	vadd.f32 v43, v12;
	(xrf2) =	vadd.scan.msk.f32 $0xffff, v5  }
0x3db: {  	v51, _, _ =	vpop (xrf2);
	v48 =	vbroadcast v45, $0xF;
	v4 =	vmul.f32 v35, v6;
	v11 =	vadd.f32 v11, v13  }
0x3dc: {  	v57, _, _ =	vpop (xrf2);
	v60 =	vadd.f32 $0.0e+00, v17;
	v19 =	vmul.f32 v53, v55;
	v12 =	vadd.f32 v56, v12  }
0x3dd: {  	v49 =	vbroadcast v44, $0xF;
	v58, _, _ =	vpop (xrf2);
	v17 =	vmul.f32 v21, v63;
	v4 =	vadd.f32 v4, v11  }
0x3de: {  	v3 =	vadd.f32 v3, v16;
	v20, _, _ =	vpop (xrf2);
	v15 =	vmul.f32 v61, v62;
	v22 =	vadd.f32 v19, v60;
	(xrf2) =	vadd.scan.msk.f32 $0xffff, v12  }
0x3df: {  	v40 =	vbroadcast v29, $0xF;
	v6 =	vbroadcast v58, $0xF;
	v23, _, _ =	vpop (xrf2);
	v4 =	vadd.f32 v17, v4  }
0x3e0: {  	v7 =	vbroadcast v47, $0xF;
	v47 =	vbroadcast v46, $0xF;
	v24, _, _ =	vpop (xrf2);
	v11 =	vadd.f32 v15, v22  }
0x3e1: {  	v58 =	vbroadcast v54, $0xF;
	v3 =	vadd.f32 v52, v3;
	v32 =	vbroadcast v20, $0xF;
	v26, _, _ =	vpop (xrf2);
	(xrf2) =	vadd.scan.msk.f32 $0xffff, v4  }
0x3e2: {  	v13 =	vbroadcast v23, $0xF;
	v15 =	vbroadcast v26, $0xF;
	v27, _, _ =	vpop (xrf2);
	v2 =	vadd.f32 v2, v11  }
0x3e3: {  	v28 =	vbroadcast v24, $0xF;
	v30 =	vbroadcast v27, $0xF  }
0x3e4: {  	v33 =	vbroadcast v51, $0xF;
	v3 =	vadd.f32 v34, v3;
	v31 =	vsel vm0, v13, v15;
	v34, _, _ =	vpop (xrf2);
	(xrf2) =	vadd.scan.msk.f32 $0xffff, v2  }
0x3e5: {  	v5 =	vbroadcast v57, $0xF;
	v11 =	vsel vm0, v28, v30;
	v4 =	vsel vm1, v31, v6  }
0x3e6: {  	v11 =	vsel vm1, v11, v32;
	v4 =	vsel vm2, v4, v33;
	v35 =	vbroadcast v34, $0xF  }
0x3e7: {  	v51 =	vbroadcast v39, $0xF;
	v36 =	vsel vm2, v11, v5;
	v4 =	vsel vm3, v4, v7  }
0x3e8: {  	v53 =	vbroadcast v42, $0xF;
	v1 =	vsel vm4, v4, v1;
	v2 =	vsel vm3, v36, v35;
	v43, _, _ =	vpop (xrf2);
	(xrf2) =	vadd.scan.msk.f32 $0xffff, v3  }
0x3e9: {  	v1 =	vsel vm5, v1, v37;
	v0 =	vsel vm4, v2, v0;
	v2 =	vbroadcast v43, $0xF  }
0x3ea: {  	v55 =	vbroadcast v25, $0xF;
	v1 =	vsel vm6, v1, v38;
	v0 =	vsel vm5, v0, v40  }
0x3eb: {  	v57 =	vbroadcast v8, $0xF;
	v62 =	vld [tilespmem:$0x1FED0];
	v1 =	vsel vm7, v1, v47;
	v52, _, _ =	vpop (xrf2);
	v0 =	vsel vm6, v0, v2  }
0x3ec: {  	v1 =	vsel vm8, v1, v49;
	v3 =	vbroadcast v52, $0xF;
	v0 =	vsel vm7, v0, v48  }
0x3ed: {  	v56 =	vbroadcast v9, $0xF;
	v1 =	vsel vm9, v1, v50;
	v0 =	vsel vm8, v0, v51  }
0x3ee: {  	v61 =	vbroadcast v10, $0xF;
	v1 =	vsel vm10, v1, v53;
	v0 =	vsel vm9, v0, v3;
	v60, _, _ =	vpop (xrf2)  }
0x3ef: {  	v1 =	vsel vm11, v1, v56;
	v0 =	vsel vm10, v0, v55;
	v4 =	vbroadcast v60, $0xF  }
0x3f0: {  	v1 =	vsel vm12, v1, v57;
	v3 =	vbroadcast v62, $0xF;
	v0 =	vsel vm11, v0, v58  }
0x3f1: {  	v1 =	vsel vm13, v1, v61;
	v0 =	vsel vm12, v0, v4  }
0x3f2: {  	s28 =	sadd.s32 $0x10, s28;
	v1 =	vsel vm14, v1, v59;
	v63, _, _ =	vpop (xrf2);
	v0 =	vsel vm13, v0, v3  }
0x3f3: {  	s29 =	sadd.s32 $0x10, s26;
	[tilespmem:s28+$0x0] =	vst v1;
	v0 =	vsel vm14, v0, v63  }
0x3f4: {  	[tilespmem:s29+$0x0] =	vst v0  }
0x3f5: {  	[hbm4b:s17+s2] =	stream.linear.scatter [tilespmem:s21], [sflag:$0x2], $0x200, $0x38;
	[tilespmem:$0x18A00] =	vst v63  }
0x3f6: {  	s24 =	sadd.s32 $0x1, s24;
	_ =	swait.ge [sflag:s20], $0x200  }
0x3f7: {  	p0 =	sne.s32 s24, s19;
	[sflag:s20] =	ssyncset.done $0x0  }
.Ltmp1:
0x3f8: {  	[sflag:s20] =	ssyncadd.s32 $0xFFFFFE00;
	(pc) =	sbr.rel @p0 .LBB2_1-.Ltmp1, $4  }
0x3f9: {  	[hbm4b:s18+s2] =	stream.linear.scatter [tilespmem:s22], [sflag:$0x2], $0x200, $0x38;
	[tilespmem:$0x18A00] =	vst v63  }
0x3fa: {  	_ =	swait.ge [sflag:s20], $0x200  }
0x3fb: {  	[sflag:s20] =	ssyncset.done $0x0  }
0x3fc: {  	[sflag:s20] =	ssyncadd.s32 $0xFFFFFE00  }
0x3fd: {  	_ =	sfence.sel $0x180000  }
0x3fe: {  	[bflag:$0x0] =	sbarrier.arrive $0xFFFF  }
0x3ff: {  	_ =	strace $0x90000047  }
0x400: {  	s0 =	stileid.u32;
	[bflag:$0x2] =	sbarrier.arrive $0xFFFF  }
0x401: {  	p0 =	sne.s32 s0, $0x0;
	s0 =	rddreg [dreg:$0x6]  }
0x402: {  	s0 =	sadd.s32 @!p0 $0x100000, s0  }
0x403: {  	[sflag:s0] =	ssyncadd.tile.s32 @!p0 $0x1;
	_ =	shalt  }
.Lfunc_end2:
_tile_overlayer_lowered:
.L_overlay_start_2:
0x404: {  	(tag) =	ssettag $0x2  }
0x405: {  	s0 =	rddreg [dreg:$0x0];
	s2 =	stileid.u32  }
0x406: {  	s1 =	rddreg [dreg:$0x1];
	p0 =	sne.s32 s2, $0x0  }
0x407: {  	s3 =	rddreg [dreg:$0x2];
	[bflag:$0x3] =	sbarrier.arrive $0xFFFF;
	s2 =	simm.s32 @!p0 $0x1C02  }
0x408: {  	[timem:s3], [sflag:s2] =	dma.local @!p0 [hbm:s0], s1  }
0x409: {  	s0 =	simm.s32 @!p0 $0x2  }
0x40a: {  	_ =	swait.ge @!p0 [sflag:s0], s1  }
0x40b: {  	s1 =	ssub.s32 @!p0 $0x0, s1;
	[sflag:s0] =	ssyncset.done @!p0 $0x0  }
0x40c: {  	[sflag:s0] =	ssyncadd.s32 @!p0 s1  }
0x40d: {  	[bflag:$0x3] =	sbarrier.arrive $0xFFFF  }
0x40e: {  	_ =	shalt  }

</sc_bundles>
